<compile_context>
chip_gen: v7x
topology: tpu7x:2x2x1
jax: 0.10.2.dev20260603
libtpu: 0.0.44.dev20260713+nightly
codegen_flags: <defaults>
</compile_context>

<pallas_src>
import functools

import jax
import jax.numpy as jnp
from jax import lax
from jax.experimental import pallas as pl
from jax.experimental.pallas import tpu as pltpu
from jax.experimental.pallas import tpu_sc as plsc

D_MODEL = 1024
SCALE = 32.0
CH = 8
LANES = 16
NGBUF = 8
NOBUF = 4
LOOK = 7
UNROLL = 4


def kernel(x, table, pos_enc):
    batch, seq = x.shape
    n_rows = batch * seq

    info = plsc.get_sparse_core_info()
    nc, ns = info.num_cores, info.num_subcores
    nw = nc * ns
    seq_per_w = seq // nw
    sub_per_w = seq_per_w // CH
    n_chunks = batch * sub_per_w
    n_rounds = sub_per_w
    n_outer = n_rounds // 2

    mesh = plsc.VectorSubcoreMesh(core_axis_name="c", subcore_axis_name="s")

    @functools.partial(
        pl.kernel,
        mesh=mesh,
        out_type=jax.ShapeDtypeStruct((n_rows, D_MODEL), jnp.float32),
        scratch_types=[
            pltpu.VMEM((2, CH, D_MODEL), jnp.float32),
            pltpu.VMEM((NGBUF, CH, D_MODEL), jnp.float32),
            pltpu.VMEM((NOBUF, CH, D_MODEL), jnp.float32),
            pltpu.VMEM((batch, seq_per_w), jnp.int32),
        ]
        + [pltpu.SemaphoreType.DMA] * (NGBUF + NOBUF + 3),
    )
    def emb_kernel(x_hbm, tab_hbm, pos_hbm, out_hbm, pos_v, rows_v, outs_v,
                   idx_v, *sems):
        gsem = sems[:NGBUF]
        wsem = sems[NGBUF:NGBUF + NOBUF]
        psem = sems[NGBUF + NOBUF:NGBUF + NOBUF + 2]
        isem = sems[NGBUF + NOBUF + 2]
        wid = lax.axis_index("c") * ns + lax.axis_index("s")
        s0 = wid * seq_per_w

        for b in range(batch):
            off = pl.multiple_of(s0, CH)
            pltpu.async_copy(x_hbm.at[b, pl.ds(off, seq_per_w)],
                             idx_v.at[b], isem)
        for b in range(batch):
            pltpu.make_async_copy(x_hbm.at[0, pl.ds(0, seq_per_w)],
                                  idx_v.at[b], isem).wait()

        def out_slice(ci):
            sub = lax.div(ci, batch)
            b = lax.rem(ci, batch)
            f = pl.multiple_of(b * seq + s0 + sub * CH, CH)
            return out_hbm.at[pl.ds(f, CH)]

        def idx_slice(ci):
            sub = lax.div(ci, batch)
            b = lax.rem(ci, batch)
            return idx_v.at[b, pl.ds(sub * CH, CH)]

        def start_pos(sub, pb):
            off = pl.multiple_of(s0 + sub * CH, CH)
            pltpu.async_copy(pos_hbm.at[pl.ds(off, CH)], pos_v.at[pb],
                             psem[pb])

        def start_gather(ci, bi):
            pltpu.async_copy(tab_hbm.at[idx_slice(ci)], rows_v.at[bi],
                             gsem[bi])

        def wait_gather(ci, bi):
            pltpu.make_async_copy(tab_hbm.at[idx_slice(ci)], rows_v.at[bi],
                                  gsem[bi]).wait()

        def wait_wb(ci, oi):
            pltpu.make_async_copy(outs_v.at[oi], out_slice(ci),
                                  wsem[oi]).wait()

        def wait_pos(pb):
            pltpu.make_async_copy(pos_hbm.at[pl.ds(0, CH)], pos_v.at[pb],
                                  psem[pb]).wait()

        def maybe_when(cond, fn):
            if isinstance(cond, bool):
                if cond:
                    fn()
            else:
                pl.when(cond)(fn)

        start_pos(0, 0)
        for ci in range(LOOK):
            start_gather(ci, ci)

        def round_body(outer, _):
            for h in range(2):
                r = outer * 2 + h
                ci0 = r * batch
                for k in range(batch):
                    ci = ci0 + k
                    bi = h * batch + k
                    oi = k
                    nb = (bi + LOOK) % NGBUF
                    if h == 0:
                        k_lim = (n_chunks - 1 - LOOK) - (n_outer - 1) * 2 * batch
                        gather_ok = (True if k <= k_lim
                                     else (outer < n_outer - 1))
                    else:
                        gather_ok = (outer < n_outer - 1)
                    maybe_when(gather_ok, lambda ci=ci, nb=nb:
                               start_gather(ci + LOOK, nb))
                    drain_ok = (outer > 0) if h == 0 else True
                    maybe_when(drain_ok, lambda ci=ci, oi=oi:
                               wait_wb(ci - NOBUF, oi))
                    if k == 0:
                        wait_pos(h)
                        pos_ok = True if h == 0 else (outer < n_outer - 1)
                        maybe_when(pos_ok, lambda r=r, h=h:
                                   start_pos(r + 1, (h + 1) % 2))
                    wait_gather(ci, bi)

                    rv = rows_v.at[bi]
                    ov = outs_v.at[oi]
                    pv = pos_v.at[h]

                    def row_body(rr, _, rv=rv, ov=ov, pv=pv):
                        @plsc.parallel_loop(0, D_MODEL, step=LANES,
                                            unroll=UNROLL)
                        def _col(c):
                            sl = pl.ds(c, LANES)
                            ov[rr, sl] = rv[rr, sl] * SCALE + pv[rr, sl]

                        return 0

                    lax.fori_loop(0, CH, row_body, 0)
                    pltpu.async_copy(ov, out_slice(ci), wsem[oi])
            return 0

        lax.fori_loop(0, n_outer, round_body, 0)
        last = n_chunks - NOBUF
        for j in range(NOBUF):
            wait_wb(last + j, j)

    out = emb_kernel(x.astype(jnp.int32), table, pos_enc)
    return out.reshape(batch, seq, D_MODEL)

# --- scband reference (transcript-rebuilt; emitter-appended) ---
"""Pipeline reference for scband-positional-embedding-53652731461914 (READ-ONLY COPY).

The authoritative reference and input builder live on the scoring server;
editing this copy changes nothing except your own understanding.
"""

import jax, jax.numpy as jnp
import numpy as np

VOCAB = 100000
D_MODEL = 1024
MAX_POS = 4096


def positional_encoding(length, depth):
    depth_h = depth / 2.0
    positions = np.arange(length)[:, np.newaxis]
    depths = np.arange(depth_h)[np.newaxis, :] / depth_h
    angle_rates = 1.0 / 10000.0 ** depths
    angle_rads = positions * angle_rates
    pos_encoding = np.concatenate([np.sin(angle_rads), np.cos(angle_rads)], axis=-1)
    return jnp.asarray(pos_encoding, dtype=jnp.float32)


def setup_inputs(seed: int = 0) -> dict:
    key = jax.random.key(seed)
    k1, k2 = jax.random.split(key)
    x = jax.random.randint(k1, (4, 2048), 0, VOCAB, dtype=jnp.int64 if jax.config.jax_enable_x64 else jnp.int32)
    # embedding table (uniform init like keras Embedding default)
    table = jax.random.uniform(k2, (VOCAB, D_MODEL), dtype=jnp.float32, minval=-0.05, maxval=0.05)
    pos_enc = positional_encoding(MAX_POS, D_MODEL)
    return {"x": x, "table": table, "pos_enc": pos_enc}


def reference(x, table, pos_enc):
    seq_len = x.shape[1]
    emb = jnp.take(table, x, axis=0)  # gather: (B, S, dModel)
    emb = emb * jnp.sqrt(jnp.asarray(D_MODEL, dtype=jnp.float32))
    emb = emb + pos_enc[jnp.newaxis, :seq_len, :]
    return emb

if __name__ == "__main__":
    import jax
    _d = setup_inputs()
    print(jax.jit(kernel)(*tuple(_d.values())))

</pallas_src>

<mosaic_0001>
#map = affine_map<(d0, d1) -> (0, 0)>
module attributes {stable_mosaic.version = 14 : i64} {
  func.func @emb_kernel(%arg0: i32, %arg1: i32, %arg2: memref<4x2048xi32, #tpu.memory_space<hbm>>, %arg3: memref<100000x1024xf32, #tpu.memory_space<hbm>>, %arg4: memref<4096x1024xf32, #tpu.memory_space<hbm>>, %arg5: memref<8192x1024xf32, #tpu.memory_space<hbm>>, %arg6: memref<2x8x1024xf32, #tpu.memory_space<vmem>>, %arg7: memref<8x8x1024xf32, #tpu.memory_space<vmem>>, %arg8: memref<4x8x1024xf32, #tpu.memory_space<vmem>>, %arg9: memref<4x64xi32, #tpu.memory_space<vmem>>, %arg10: memref<!tpu.dma_semaphore, #tpu.memory_space<semaphore_mem>>, %arg11: memref<!tpu.dma_semaphore, #tpu.memory_space<semaphore_mem>>, %arg12: memref<!tpu.dma_semaphore, #tpu.memory_space<semaphore_mem>>, %arg13: memref<!tpu.dma_semaphore, #tpu.memory_space<semaphore_mem>>, %arg14: memref<!tpu.dma_semaphore, #tpu.memory_space<semaphore_mem>>, %arg15: memref<!tpu.dma_semaphore, #tpu.memory_space<semaphore_mem>>, %arg16: memref<!tpu.dma_semaphore, #tpu.memory_space<semaphore_mem>>, %arg17: memref<!tpu.dma_semaphore, #tpu.memory_space<semaphore_mem>>, %arg18: memref<!tpu.dma_semaphore, #tpu.memory_space<semaphore_mem>>, %arg19: memref<!tpu.dma_semaphore, #tpu.memory_space<semaphore_mem>>, %arg20: memref<!tpu.dma_semaphore, #tpu.memory_space<semaphore_mem>>, %arg21: memref<!tpu.dma_semaphore, #tpu.memory_space<semaphore_mem>>, %arg22: memref<!tpu.dma_semaphore, #tpu.memory_space<semaphore_mem>>, %arg23: memref<!tpu.dma_semaphore, #tpu.memory_space<semaphore_mem>>, %arg24: memref<!tpu.dma_semaphore, #tpu.memory_space<semaphore_mem>>) attributes {dimension_semantics = [#tpu.dimension_semantics<core_parallel>, #tpu.dimension_semantics<subcore_parallel>], iteration_bounds = array<i64: 2, 16>, scalar_prefetch = 0 : i64, scratch_operands = 19 : i64, tpu.core_type = #tpu.core_type<sc_vector_subcore>, window_params = [{transform_indices = #map}, {transform_indices = #map}, {transform_indices = #map}, {transform_indices = #map}]} {
    %mul3A = arith.constant 16 : i32
    %mul3A_0 = arith.muli %arg0, %mul3A : i32
    %add3A = arith.addi %mul3A_0, %arg1 : i32
    %mul3A_1 = arith.constant 64 : i32
    %mul3A_2 = arith.muli %add3A, %mul3A_1 : i32
    %multiple_of3A = tpu.assume_multiple %mul3A_2, 8 : i32
    %dma_start3A = arith.constant 0 : i32
    %dma_start3A_3 = arith.constant 0 : i32
    %dma_start3A_4 = arith.constant 0 : i32
    %dma_start3A_5 = tpu.memref_slice %arg9[%dma_start3A_3, %dma_start3A_4] : memref<4x64xi32, #tpu.memory_space<vmem>> -> memref<1x64xi32, #tpu.memory_space<vmem>>
    %dma_start3A_6 = tpu.memref_squeeze %dma_start3A_5 : memref<1x64xi32, #tpu.memory_space<vmem>> -> memref<64xi32, #tpu.memory_space<vmem>>
    %dma_start3A_7 = tpu.memref_slice %arg2[%dma_start3A, %multiple_of3A] : memref<4x2048xi32, #tpu.memory_space<hbm>> -> memref<1x64xi32, #tpu.memory_space<hbm>>
    %dma_start3A_8 = tpu.memref_squeeze %dma_start3A_7 : memref<1x64xi32, #tpu.memory_space<hbm>> -> memref<64xi32, #tpu.memory_space<hbm>>
    %dma_start3A_9 = arith.constant 0 : i32
    %dma_start3A_10 = tpu.memref_slice %arg9[%dma_start3A_3, %dma_start3A_9] : memref<4x64xi32, #tpu.memory_space<vmem>> -> memref<1x64xi32, #tpu.memory_space<vmem>>
    %dma_start3A_11 = tpu.memref_squeeze %dma_start3A_10 : memref<1x64xi32, #tpu.memory_space<vmem>> -> memref<64xi32, #tpu.memory_space<vmem>>
    %dma_start3A_12 = tpu.memref_slice %arg2[%dma_start3A, %multiple_of3A] : memref<4x2048xi32, #tpu.memory_space<hbm>> -> memref<1x64xi32, #tpu.memory_space<hbm>>
    %dma_start3A_13 = tpu.memref_squeeze %dma_start3A_12 : memref<1x64xi32, #tpu.memory_space<hbm>> -> memref<64xi32, #tpu.memory_space<hbm>>
    tpu.enqueue_dma source(%dma_start3A_13 : memref<64xi32, #tpu.memory_space<hbm>>) target(%dma_start3A_11 : memref<64xi32, #tpu.memory_space<vmem>>) target_semaphore(%arg24 : memref<!tpu.dma_semaphore, #tpu.memory_space<semaphore_mem>>)
    %multiple_of3A_14 = tpu.assume_multiple %mul3A_2, 8 : i32
    %dma_start3A_15 = arith.constant 1 : i32
    %dma_start3A_16 = arith.constant 1 : i32
    %dma_start3A_17 = arith.constant 0 : i32
    %dma_start3A_18 = tpu.memref_slice %arg9[%dma_start3A_16, %dma_start3A_17] : memref<4x64xi32, #tpu.memory_space<vmem>> -> memref<1x64xi32, #tpu.memory_space<vmem>>
    %dma_start3A_19 = tpu.memref_squeeze %dma_start3A_18 : memref<1x64xi32, #tpu.memory_space<vmem>> -> memref<64xi32, #tpu.memory_space<vmem>>
    %dma_start3A_20 = tpu.memref_slice %arg2[%dma_start3A_15, %multiple_of3A_14] : memref<4x2048xi32, #tpu.memory_space<hbm>> -> memref<1x64xi32, #tpu.memory_space<hbm>>
    %dma_start3A_21 = tpu.memref_squeeze %dma_start3A_20 : memref<1x64xi32, #tpu.memory_space<hbm>> -> memref<64xi32, #tpu.memory_space<hbm>>
    %dma_start3A_22 = arith.constant 0 : i32
    %dma_start3A_23 = tpu.memref_slice %arg9[%dma_start3A_16, %dma_start3A_22] : memref<4x64xi32, #tpu.memory_space<vmem>> -> memref<1x64xi32, #tpu.memory_space<vmem>>
    %dma_start3A_24 = tpu.memref_squeeze %dma_start3A_23 : memref<1x64xi32, #tpu.memory_space<vmem>> -> memref<64xi32, #tpu.memory_space<vmem>>
    %dma_start3A_25 = tpu.memref_slice %arg2[%dma_start3A_15, %multiple_of3A_14] : memref<4x2048xi32, #tpu.memory_space<hbm>> -> memref<1x64xi32, #tpu.memory_space<hbm>>
    %dma_start3A_26 = tpu.memref_squeeze %dma_start3A_25 : memref<1x64xi32, #tpu.memory_space<hbm>> -> memref<64xi32, #tpu.memory_space<hbm>>
    tpu.enqueue_dma source(%dma_start3A_26 : memref<64xi32, #tpu.memory_space<hbm>>) target(%dma_start3A_24 : memref<64xi32, #tpu.memory_space<vmem>>) target_semaphore(%arg24 : memref<!tpu.dma_semaphore, #tpu.memory_space<semaphore_mem>>)
    %multiple_of3A_27 = tpu.assume_multiple %mul3A_2, 8 : i32
    %dma_start3A_28 = arith.constant 2 : i32
    %dma_start3A_29 = arith.constant 2 : i32
    %dma_start3A_30 = arith.constant 0 : i32
    %dma_start3A_31 = tpu.memref_slice %arg9[%dma_start3A_29, %dma_start3A_30] : memref<4x64xi32, #tpu.memory_space<vmem>> -> memref<1x64xi32, #tpu.memory_space<vmem>>
    %dma_start3A_32 = tpu.memref_squeeze %dma_start3A_31 : memref<1x64xi32, #tpu.memory_space<vmem>> -> memref<64xi32, #tpu.memory_space<vmem>>
    %dma_start3A_33 = tpu.memref_slice %arg2[%dma_start3A_28, %multiple_of3A_27] : memref<4x2048xi32, #tpu.memory_space<hbm>> -> memref<1x64xi32, #tpu.memory_space<hbm>>
    %dma_start3A_34 = tpu.memref_squeeze %dma_start3A_33 : memref<1x64xi32, #tpu.memory_space<hbm>> -> memref<64xi32, #tpu.memory_space<hbm>>
    %dma_start3A_35 = arith.constant 0 : i32
    %dma_start3A_36 = tpu.memref_slice %arg9[%dma_start3A_29, %dma_start3A_35] : memref<4x64xi32, #tpu.memory_space<vmem>> -> memref<1x64xi32, #tpu.memory_space<vmem>>
    %dma_start3A_37 = tpu.memref_squeeze %dma_start3A_36 : memref<1x64xi32, #tpu.memory_space<vmem>> -> memref<64xi32, #tpu.memory_space<vmem>>
    %dma_start3A_38 = tpu.memref_slice %arg2[%dma_start3A_28, %multiple_of3A_27] : memref<4x2048xi32, #tpu.memory_space<hbm>> -> memref<1x64xi32, #tpu.memory_space<hbm>>
    %dma_start3A_39 = tpu.memref_squeeze %dma_start3A_38 : memref<1x64xi32, #tpu.memory_space<hbm>> -> memref<64xi32, #tpu.memory_space<hbm>>
    tpu.enqueue_dma source(%dma_start3A_39 : memref<64xi32, #tpu.memory_space<hbm>>) target(%dma_start3A_37 : memref<64xi32, #tpu.memory_space<vmem>>) target_semaphore(%arg24 : memref<!tpu.dma_semaphore, #tpu.memory_space<semaphore_mem>>)
    %multiple_of3A_40 = tpu.assume_multiple %mul3A_2, 8 : i32
    %dma_start3A_41 = arith.constant 3 : i32
    %dma_start3A_42 = arith.constant 3 : i32
    %dma_start3A_43 = arith.constant 0 : i32
    %dma_start3A_44 = tpu.memref_slice %arg9[%dma_start3A_42, %dma_start3A_43] : memref<4x64xi32, #tpu.memory_space<vmem>> -> memref<1x64xi32, #tpu.memory_space<vmem>>
    %dma_start3A_45 = tpu.memref_squeeze %dma_start3A_44 : memref<1x64xi32, #tpu.memory_space<vmem>> -> memref<64xi32, #tpu.memory_space<vmem>>
    %dma_start3A_46 = tpu.memref_slice %arg2[%dma_start3A_41, %multiple_of3A_40] : memref<4x2048xi32, #tpu.memory_space<hbm>> -> memref<1x64xi32, #tpu.memory_space<hbm>>
    %dma_start3A_47 = tpu.memref_squeeze %dma_start3A_46 : memref<1x64xi32, #tpu.memory_space<hbm>> -> memref<64xi32, #tpu.memory_space<hbm>>
    %dma_start3A_48 = arith.constant 0 : i32
    %dma_start3A_49 = tpu.memref_slice %arg9[%dma_start3A_42, %dma_start3A_48] : memref<4x64xi32, #tpu.memory_space<vmem>> -> memref<1x64xi32, #tpu.memory_space<vmem>>
    %dma_start3A_50 = tpu.memref_squeeze %dma_start3A_49 : memref<1x64xi32, #tpu.memory_space<vmem>> -> memref<64xi32, #tpu.memory_space<vmem>>
    %dma_start3A_51 = tpu.memref_slice %arg2[%dma_start3A_41, %multiple_of3A_40] : memref<4x2048xi32, #tpu.memory_space<hbm>> -> memref<1x64xi32, #tpu.memory_space<hbm>>
    %dma_start3A_52 = tpu.memref_squeeze %dma_start3A_51 : memref<1x64xi32, #tpu.memory_space<hbm>> -> memref<64xi32, #tpu.memory_space<hbm>>
    tpu.enqueue_dma source(%dma_start3A_52 : memref<64xi32, #tpu.memory_space<hbm>>) target(%dma_start3A_50 : memref<64xi32, #tpu.memory_space<vmem>>) target_semaphore(%arg24 : memref<!tpu.dma_semaphore, #tpu.memory_space<semaphore_mem>>)
    %dma_wait3A = arith.constant 0 : i32
    %dma_wait3A_53 = arith.constant 0 : i32
    %dma_wait3A_54 = arith.constant 0 : i32
    %dma_wait3A_55 = tpu.memref_slice %arg9[%dma_wait3A_53, %dma_wait3A_54] : memref<4x64xi32, #tpu.memory_space<vmem>> -> memref<1x64xi32, #tpu.memory_space<vmem>>
    %dma_wait3A_56 = tpu.memref_squeeze %dma_wait3A_55 : memref<1x64xi32, #tpu.memory_space<vmem>> -> memref<64xi32, #tpu.memory_space<vmem>>
    %dma_wait3A_57 = arith.constant 0 : i32
    %dma_wait3A_58 = tpu.memref_slice %arg2[%dma_wait3A, %dma_wait3A_57] : memref<4x2048xi32, #tpu.memory_space<hbm>> -> memref<1x64xi32, #tpu.memory_space<hbm>>
    %dma_wait3A_59 = tpu.memref_squeeze %dma_wait3A_58 : memref<1x64xi32, #tpu.memory_space<hbm>> -> memref<64xi32, #tpu.memory_space<hbm>>
    %dma_wait3A_60 = arith.constant 0 : i32
    %dma_wait3A_61 = tpu.memref_slice %arg9[%dma_wait3A_53, %dma_wait3A_60] : memref<4x64xi32, #tpu.memory_space<vmem>> -> memref<1x64xi32, #tpu.memory_space<vmem>>
    %dma_wait3A_62 = tpu.memref_squeeze %dma_wait3A_61 : memref<1x64xi32, #tpu.memory_space<vmem>> -> memref<64xi32, #tpu.memory_space<vmem>>
    %dma_wait3A_63 = arith.constant 0 : i32
    %dma_wait3A_64 = tpu.memref_slice %arg2[%dma_wait3A, %dma_wait3A_63] : memref<4x2048xi32, #tpu.memory_space<hbm>> -> memref<1x64xi32, #tpu.memory_space<hbm>>
    %dma_wait3A_65 = tpu.memref_squeeze %dma_wait3A_64 : memref<1x64xi32, #tpu.memory_space<hbm>> -> memref<64xi32, #tpu.memory_space<hbm>>
    tpu.wait_dma2 semaphore(%arg24 : memref<!tpu.dma_semaphore, #tpu.memory_space<semaphore_mem>>) src(%dma_wait3A_65 : memref<64xi32, #tpu.memory_space<hbm>>) dst(%dma_wait3A_62 : memref<64xi32, #tpu.memory_space<vmem>>)
    %dma_wait3A_66 = arith.constant 0 : i32
    %dma_wait3A_67 = arith.constant 1 : i32
    %dma_wait3A_68 = arith.constant 0 : i32
    %dma_wait3A_69 = tpu.memref_slice %arg9[%dma_wait3A_67, %dma_wait3A_68] : memref<4x64xi32, #tpu.memory_space<vmem>> -> memref<1x64xi32, #tpu.memory_space<vmem>>
    %dma_wait3A_70 = tpu.memref_squeeze %dma_wait3A_69 : memref<1x64xi32, #tpu.memory_space<vmem>> -> memref<64xi32, #tpu.memory_space<vmem>>
    %dma_wait3A_71 = arith.constant 0 : i32
    %dma_wait3A_72 = tpu.memref_slice %arg2[%dma_wait3A_66, %dma_wait3A_71] : memref<4x2048xi32, #tpu.memory_space<hbm>> -> memref<1x64xi32, #tpu.memory_space<hbm>>
    %dma_wait3A_73 = tpu.memref_squeeze %dma_wait3A_72 : memref<1x64xi32, #tpu.memory_space<hbm>> -> memref<64xi32, #tpu.memory_space<hbm>>
    %dma_wait3A_74 = arith.constant 0 : i32
    %dma_wait3A_75 = tpu.memref_slice %arg9[%dma_wait3A_67, %dma_wait3A_74] : memref<4x64xi32, #tpu.memory_space<vmem>> -> memref<1x64xi32, #tpu.memory_space<vmem>>
    %dma_wait3A_76 = tpu.memref_squeeze %dma_wait3A_75 : memref<1x64xi32, #tpu.memory_space<vmem>> -> memref<64xi32, #tpu.memory_space<vmem>>
    %dma_wait3A_77 = arith.constant 0 : i32
    %dma_wait3A_78 = tpu.memref_slice %arg2[%dma_wait3A_66, %dma_wait3A_77] : memref<4x2048xi32, #tpu.memory_space<hbm>> -> memref<1x64xi32, #tpu.memory_space<hbm>>
    %dma_wait3A_79 = tpu.memref_squeeze %dma_wait3A_78 : memref<1x64xi32, #tpu.memory_space<hbm>> -> memref<64xi32, #tpu.memory_space<hbm>>
    tpu.wait_dma2 semaphore(%arg24 : memref<!tpu.dma_semaphore, #tpu.memory_space<semaphore_mem>>) src(%dma_wait3A_79 : memref<64xi32, #tpu.memory_space<hbm>>) dst(%dma_wait3A_76 : memref<64xi32, #tpu.memory_space<vmem>>)
    %dma_wait3A_80 = arith.constant 0 : i32
    %dma_wait3A_81 = arith.constant 2 : i32
    %dma_wait3A_82 = arith.constant 0 : i32
    %dma_wait3A_83 = tpu.memref_slice %arg9[%dma_wait3A_81, %dma_wait3A_82] : memref<4x64xi32, #tpu.memory_space<vmem>> -> memref<1x64xi32, #tpu.memory_space<vmem>>
    %dma_wait3A_84 = tpu.memref_squeeze %dma_wait3A_83 : memref<1x64xi32, #tpu.memory_space<vmem>> -> memref<64xi32, #tpu.memory_space<vmem>>
    %dma_wait3A_85 = arith.constant 0 : i32
    %dma_wait3A_86 = tpu.memref_slice %arg2[%dma_wait3A_80, %dma_wait3A_85] : memref<4x2048xi32, #tpu.memory_space<hbm>> -> memref<1x64xi32, #tpu.memory_space<hbm>>
    %dma_wait3A_87 = tpu.memref_squeeze %dma_wait3A_86 : memref<1x64xi32, #tpu.memory_space<hbm>> -> memref<64xi32, #tpu.memory_space<hbm>>
    %dma_wait3A_88 = arith.constant 0 : i32
    %dma_wait3A_89 = tpu.memref_slice %arg9[%dma_wait3A_81, %dma_wait3A_88] : memref<4x64xi32, #tpu.memory_space<vmem>> -> memref<1x64xi32, #tpu.memory_space<vmem>>
    %dma_wait3A_90 = tpu.memref_squeeze %dma_wait3A_89 : memref<1x64xi32, #tpu.memory_space<vmem>> -> memref<64xi32, #tpu.memory_space<vmem>>
    %dma_wait3A_91 = arith.constant 0 : i32
    %dma_wait3A_92 = tpu.memref_slice %arg2[%dma_wait3A_80, %dma_wait3A_91] : memref<4x2048xi32, #tpu.memory_space<hbm>> -> memref<1x64xi32, #tpu.memory_space<hbm>>
    %dma_wait3A_93 = tpu.memref_squeeze %dma_wait3A_92 : memref<1x64xi32, #tpu.memory_space<hbm>> -> memref<64xi32, #tpu.memory_space<hbm>>
    tpu.wait_dma2 semaphore(%arg24 : memref<!tpu.dma_semaphore, #tpu.memory_space<semaphore_mem>>) src(%dma_wait3A_93 : memref<64xi32, #tpu.memory_space<hbm>>) dst(%dma_wait3A_90 : memref<64xi32, #tpu.memory_space<vmem>>)
    %dma_wait3A_94 = arith.constant 0 : i32
    %dma_wait3A_95 = arith.constant 3 : i32
    %dma_wait3A_96 = arith.constant 0 : i32
    %dma_wait3A_97 = tpu.memref_slice %arg9[%dma_wait3A_95, %dma_wait3A_96] : memref<4x64xi32, #tpu.memory_space<vmem>> -> memref<1x64xi32, #tpu.memory_space<vmem>>
    %dma_wait3A_98 = tpu.memref_squeeze %dma_wait3A_97 : memref<1x64xi32, #tpu.memory_space<vmem>> -> memref<64xi32, #tpu.memory_space<vmem>>
    %dma_wait3A_99 = arith.constant 0 : i32
    %dma_wait3A_100 = tpu.memref_slice %arg2[%dma_wait3A_94, %dma_wait3A_99] : memref<4x2048xi32, #tpu.memory_space<hbm>> -> memref<1x64xi32, #tpu.memory_space<hbm>>
    %dma_wait3A_101 = tpu.memref_squeeze %dma_wait3A_100 : memref<1x64xi32, #tpu.memory_space<hbm>> -> memref<64xi32, #tpu.memory_space<hbm>>
    %dma_wait3A_102 = arith.constant 0 : i32
    %dma_wait3A_103 = tpu.memref_slice %arg9[%dma_wait3A_95, %dma_wait3A_102] : memref<4x64xi32, #tpu.memory_space<vmem>> -> memref<1x64xi32, #tpu.memory_space<vmem>>
    %dma_wait3A_104 = tpu.memref_squeeze %dma_wait3A_103 : memref<1x64xi32, #tpu.memory_space<vmem>> -> memref<64xi32, #tpu.memory_space<vmem>>
    %dma_wait3A_105 = arith.constant 0 : i32
    %dma_wait3A_106 = tpu.memref_slice %arg2[%dma_wait3A_94, %dma_wait3A_105] : memref<4x2048xi32, #tpu.memory_space<hbm>> -> memref<1x64xi32, #tpu.memory_space<hbm>>
    %dma_wait3A_107 = tpu.memref_squeeze %dma_wait3A_106 : memref<1x64xi32, #tpu.memory_space<hbm>> -> memref<64xi32, #tpu.memory_space<hbm>>
    tpu.wait_dma2 semaphore(%arg24 : memref<!tpu.dma_semaphore, #tpu.memory_space<semaphore_mem>>) src(%dma_wait3A_107 : memref<64xi32, #tpu.memory_space<hbm>>) dst(%dma_wait3A_104 : memref<64xi32, #tpu.memory_space<vmem>>)
    %add3A_108 = arith.constant 0 : i32
    %add3A_109 = arith.addi %mul3A_2, %add3A_108 : i32
    %multiple_of3A_110 = tpu.assume_multiple %add3A_109, 8 : i32
    %dma_start3A_111 = arith.constant 0 : i32
    %dma_start3A_112 = arith.constant 0 : i32
    %dma_start3A_113 = arith.constant 0 : i32
    %dma_start3A_114 = tpu.memref_slice %arg6[%dma_start3A_111, %dma_start3A_112, %dma_start3A_113] : memref<2x8x1024xf32, #tpu.memory_space<vmem>> -> memref<1x8x1024xf32, #tpu.memory_space<vmem>>
    %dma_start3A_115 = tpu.memref_squeeze %dma_start3A_114 : memref<1x8x1024xf32, #tpu.memory_space<vmem>> -> memref<8x1024xf32, #tpu.memory_space<vmem>>
    %dma_start3A_116 = arith.constant 0 : i32
    %dma_start3A_117 = tpu.memref_slice %arg4[%multiple_of3A_110, %dma_start3A_116] : memref<4096x1024xf32, #tpu.memory_space<hbm>> -> memref<8x1024xf32, #tpu.memory_space<hbm>>
    %dma_start3A_118 = arith.constant 0 : i32
    %dma_start3A_119 = arith.constant 0 : i32
    %dma_start3A_120 = tpu.memref_slice %arg6[%dma_start3A_111, %dma_start3A_118, %dma_start3A_119] : memref<2x8x1024xf32, #tpu.memory_space<vmem>> -> memref<1x8x1024xf32, #tpu.memory_space<vmem>>
    %dma_start3A_121 = tpu.memref_squeeze %dma_start3A_120 : memref<1x8x1024xf32, #tpu.memory_space<vmem>> -> memref<8x1024xf32, #tpu.memory_space<vmem>>
    %dma_start3A_122 = arith.constant 0 : i32
    %dma_start3A_123 = tpu.memref_slice %arg4[%multiple_of3A_110, %dma_start3A_122] : memref<4096x1024xf32, #tpu.memory_space<hbm>> -> memref<8x1024xf32, #tpu.memory_space<hbm>>
    tpu.enqueue_dma source(%dma_start3A_123 : memref<8x1024xf32, #tpu.memory_space<hbm>>) target(%dma_start3A_121 : memref<8x1024xf32, #tpu.memory_space<vmem>>) target_semaphore(%arg22 : memref<!tpu.dma_semaphore, #tpu.memory_space<semaphore_mem>>)
    %div3A = arith.constant 0 : i32
    %div3A_124 = arith.constant 4 : i32
    %div3A_125 = arith.divsi %div3A, %div3A_124 : i32
    %rem3A = arith.constant 0 : i32
    %rem3A_126 = arith.constant 4 : i32
    %rem3A_127 = arith.remsi %rem3A, %rem3A_126 : i32
    %mul3A_128 = arith.constant 8 : i32
    %mul3A_129 = arith.muli %div3A_125, %mul3A_128 : i32
    %dma_start3A_130 = arith.constant 0 : i32
    %dma_start3A_131 = arith.constant 0 : i32
    %dma_start3A_132 = arith.constant 0 : i32
    %dma_start3A_133 = tpu.memref_slice %arg7[%dma_start3A_130, %dma_start3A_131, %dma_start3A_132] : memref<8x8x1024xf32, #tpu.memory_space<vmem>> -> memref<1x8x1024xf32, #tpu.memory_space<vmem>>
    %dma_start3A_134 = tpu.memref_squeeze %dma_start3A_133 : memref<1x8x1024xf32, #tpu.memory_space<vmem>> -> memref<8x1024xf32, #tpu.memory_space<vmem>>
    %dma_start3A_135 = tpu.memref_slice %arg9[%rem3A_127, %mul3A_129] : memref<4x64xi32, #tpu.memory_space<vmem>> -> memref<1x8xi32, #tpu.memory_space<vmem>>
    %dma_start3A_136 = tpu.memref_squeeze %dma_start3A_135 : memref<1x8xi32, #tpu.memory_space<vmem>> -> memref<8xi32, #tpu.memory_space<vmem>>
    %dma_start3A_137 = arith.constant 0 : i32
    %dma_start3A_138 = arith.constant 0 : i32
    %dma_start3A_139 = tpu.memref_slice %arg3[%dma_start3A_137, %dma_start3A_138] : memref<100000x1024xf32, #tpu.memory_space<hbm>> -> memref<100000x1024xf32, #tpu.memory_space<hbm>>
    tpu.enqueue_indirect_dma source(%dma_start3A_139 : memref<100000x1024xf32, #tpu.memory_space<hbm>>) target(%dma_start3A_134 : memref<8x1024xf32, #tpu.memory_space<vmem>>) offsets(%dma_start3A_136 : memref<8xi32, #tpu.memory_space<vmem>>) semaphore(%arg10 : memref<!tpu.dma_semaphore, #tpu.memory_space<semaphore_mem>>)
    %div3A_140 = arith.constant 1 : i32
    %div3A_141 = arith.constant 4 : i32
    %div3A_142 = arith.divsi %div3A_140, %div3A_141 : i32
    %rem3A_143 = arith.constant 1 : i32
    %rem3A_144 = arith.constant 4 : i32
    %rem3A_145 = arith.remsi %rem3A_143, %rem3A_144 : i32
    %mul3A_146 = arith.constant 8 : i32
    %mul3A_147 = arith.muli %div3A_142, %mul3A_146 : i32
    %dma_start3A_148 = arith.constant 1 : i32
    %dma_start3A_149 = arith.constant 0 : i32
    %dma_start3A_150 = arith.constant 0 : i32
    %dma_start3A_151 = tpu.memref_slice %arg7[%dma_start3A_148, %dma_start3A_149, %dma_start3A_150] : memref<8x8x1024xf32, #tpu.memory_space<vmem>> -> memref<1x8x1024xf32, #tpu.memory_space<vmem>>
    %dma_start3A_152 = tpu.memref_squeeze %dma_start3A_151 : memref<1x8x1024xf32, #tpu.memory_space<vmem>> -> memref<8x1024xf32, #tpu.memory_space<vmem>>
    %dma_start3A_153 = tpu.memref_slice %arg9[%rem3A_145, %mul3A_147] : memref<4x64xi32, #tpu.memory_space<vmem>> -> memref<1x8xi32, #tpu.memory_space<vmem>>
    %dma_start3A_154 = tpu.memref_squeeze %dma_start3A_153 : memref<1x8xi32, #tpu.memory_space<vmem>> -> memref<8xi32, #tpu.memory_space<vmem>>
    %dma_start3A_155 = arith.constant 0 : i32
    %dma_start3A_156 = arith.constant 0 : i32
    %dma_start3A_157 = tpu.memref_slice %arg3[%dma_start3A_155, %dma_start3A_156] : memref<100000x1024xf32, #tpu.memory_space<hbm>> -> memref<100000x1024xf32, #tpu.memory_space<hbm>>
    tpu.enqueue_indirect_dma source(%dma_start3A_157 : memref<100000x1024xf32, #tpu.memory_space<hbm>>) target(%dma_start3A_152 : memref<8x1024xf32, #tpu.memory_space<vmem>>) offsets(%dma_start3A_154 : memref<8xi32, #tpu.memory_space<vmem>>) semaphore(%arg11 : memref<!tpu.dma_semaphore, #tpu.memory_space<semaphore_mem>>)
    %div3A_158 = arith.constant 2 : i32
    %div3A_159 = arith.constant 4 : i32
    %div3A_160 = arith.divsi %div3A_158, %div3A_159 : i32
    %rem3A_161 = arith.constant 2 : i32
    %rem3A_162 = arith.constant 4 : i32
    %rem3A_163 = arith.remsi %rem3A_161, %rem3A_162 : i32
    %mul3A_164 = arith.constant 8 : i32
    %mul3A_165 = arith.muli %div3A_160, %mul3A_164 : i32
    %dma_start3A_166 = arith.constant 2 : i32
    %dma_start3A_167 = arith.constant 0 : i32
    %dma_start3A_168 = arith.constant 0 : i32
    %dma_start3A_169 = tpu.memref_slice %arg7[%dma_start3A_166, %dma_start3A_167, %dma_start3A_168] : memref<8x8x1024xf32, #tpu.memory_space<vmem>> -> memref<1x8x1024xf32, #tpu.memory_space<vmem>>
    %dma_start3A_170 = tpu.memref_squeeze %dma_start3A_169 : memref<1x8x1024xf32, #tpu.memory_space<vmem>> -> memref<8x1024xf32, #tpu.memory_space<vmem>>
    %dma_start3A_171 = tpu.memref_slice %arg9[%rem3A_163, %mul3A_165] : memref<4x64xi32, #tpu.memory_space<vmem>> -> memref<1x8xi32, #tpu.memory_space<vmem>>
    %dma_start3A_172 = tpu.memref_squeeze %dma_start3A_171 : memref<1x8xi32, #tpu.memory_space<vmem>> -> memref<8xi32, #tpu.memory_space<vmem>>
    %dma_start3A_173 = arith.constant 0 : i32
    %dma_start3A_174 = arith.constant 0 : i32
    %dma_start3A_175 = tpu.memref_slice %arg3[%dma_start3A_173, %dma_start3A_174] : memref<100000x1024xf32, #tpu.memory_space<hbm>> -> memref<100000x1024xf32, #tpu.memory_space<hbm>>
    tpu.enqueue_indirect_dma source(%dma_start3A_175 : memref<100000x1024xf32, #tpu.memory_space<hbm>>) target(%dma_start3A_170 : memref<8x1024xf32, #tpu.memory_space<vmem>>) offsets(%dma_start3A_172 : memref<8xi32, #tpu.memory_space<vmem>>) semaphore(%arg12 : memref<!tpu.dma_semaphore, #tpu.memory_space<semaphore_mem>>)
    %div3A_176 = arith.constant 3 : i32
    %div3A_177 = arith.constant 4 : i32
    %div3A_178 = arith.divsi %div3A_176, %div3A_177 : i32
    %rem3A_179 = arith.constant 3 : i32
    %rem3A_180 = arith.constant 4 : i32
    %rem3A_181 = arith.remsi %rem3A_179, %rem3A_180 : i32
    %mul3A_182 = arith.constant 8 : i32
    %mul3A_183 = arith.muli %div3A_178, %mul3A_182 : i32
    %dma_start3A_184 = arith.constant 3 : i32
    %dma_start3A_185 = arith.constant 0 : i32
    %dma_start3A_186 = arith.constant 0 : i32
    %dma_start3A_187 = tpu.memref_slice %arg7[%dma_start3A_184, %dma_start3A_185, %dma_start3A_186] : memref<8x8x1024xf32, #tpu.memory_space<vmem>> -> memref<1x8x1024xf32, #tpu.memory_space<vmem>>
    %dma_start3A_188 = tpu.memref_squeeze %dma_start3A_187 : memref<1x8x1024xf32, #tpu.memory_space<vmem>> -> memref<8x1024xf32, #tpu.memory_space<vmem>>
    %dma_start3A_189 = tpu.memref_slice %arg9[%rem3A_181, %mul3A_183] : memref<4x64xi32, #tpu.memory_space<vmem>> -> memref<1x8xi32, #tpu.memory_space<vmem>>
    %dma_start3A_190 = tpu.memref_squeeze %dma_start3A_189 : memref<1x8xi32, #tpu.memory_space<vmem>> -> memref<8xi32, #tpu.memory_space<vmem>>
    %dma_start3A_191 = arith.constant 0 : i32
    %dma_start3A_192 = arith.constant 0 : i32
    %dma_start3A_193 = tpu.memref_slice %arg3[%dma_start3A_191, %dma_start3A_192] : memref<100000x1024xf32, #tpu.memory_space<hbm>> -> memref<100000x1024xf32, #tpu.memory_space<hbm>>
    tpu.enqueue_indirect_dma source(%dma_start3A_193 : memref<100000x1024xf32, #tpu.memory_space<hbm>>) target(%dma_start3A_188 : memref<8x1024xf32, #tpu.memory_space<vmem>>) offsets(%dma_start3A_190 : memref<8xi32, #tpu.memory_space<vmem>>) semaphore(%arg13 : memref<!tpu.dma_semaphore, #tpu.memory_space<semaphore_mem>>)
    %div3A_194 = arith.constant 4 : i32
    %div3A_195 = arith.constant 4 : i32
    %div3A_196 = arith.divsi %div3A_194, %div3A_195 : i32
    %rem3A_197 = arith.constant 4 : i32
    %rem3A_198 = arith.constant 4 : i32
    %rem3A_199 = arith.remsi %rem3A_197, %rem3A_198 : i32
    %mul3A_200 = arith.constant 8 : i32
    %mul3A_201 = arith.muli %div3A_196, %mul3A_200 : i32
    %dma_start3A_202 = arith.constant 4 : i32
    %dma_start3A_203 = arith.constant 0 : i32
    %dma_start3A_204 = arith.constant 0 : i32
    %dma_start3A_205 = tpu.memref_slice %arg7[%dma_start3A_202, %dma_start3A_203, %dma_start3A_204] : memref<8x8x1024xf32, #tpu.memory_space<vmem>> -> memref<1x8x1024xf32, #tpu.memory_space<vmem>>
    %dma_start3A_206 = tpu.memref_squeeze %dma_start3A_205 : memref<1x8x1024xf32, #tpu.memory_space<vmem>> -> memref<8x1024xf32, #tpu.memory_space<vmem>>
    %dma_start3A_207 = tpu.memref_slice %arg9[%rem3A_199, %mul3A_201] : memref<4x64xi32, #tpu.memory_space<vmem>> -> memref<1x8xi32, #tpu.memory_space<vmem>>
    %dma_start3A_208 = tpu.memref_squeeze %dma_start3A_207 : memref<1x8xi32, #tpu.memory_space<vmem>> -> memref<8xi32, #tpu.memory_space<vmem>>
    %dma_start3A_209 = arith.constant 0 : i32
    %dma_start3A_210 = arith.constant 0 : i32
    %dma_start3A_211 = tpu.memref_slice %arg3[%dma_start3A_209, %dma_start3A_210] : memref<100000x1024xf32, #tpu.memory_space<hbm>> -> memref<100000x1024xf32, #tpu.memory_space<hbm>>
    tpu.enqueue_indirect_dma source(%dma_start3A_211 : memref<100000x1024xf32, #tpu.memory_space<hbm>>) target(%dma_start3A_206 : memref<8x1024xf32, #tpu.memory_space<vmem>>) offsets(%dma_start3A_208 : memref<8xi32, #tpu.memory_space<vmem>>) semaphore(%arg14 : memref<!tpu.dma_semaphore, #tpu.memory_space<semaphore_mem>>)
    %div3A_212 = arith.constant 5 : i32
    %div3A_213 = arith.constant 4 : i32
    %div3A_214 = arith.divsi %div3A_212, %div3A_213 : i32
    %rem3A_215 = arith.constant 5 : i32
    %rem3A_216 = arith.constant 4 : i32
    %rem3A_217 = arith.remsi %rem3A_215, %rem3A_216 : i32
    %mul3A_218 = arith.constant 8 : i32
    %mul3A_219 = arith.muli %div3A_214, %mul3A_218 : i32
    %dma_start3A_220 = arith.constant 5 : i32
    %dma_start3A_221 = arith.constant 0 : i32
    %dma_start3A_222 = arith.constant 0 : i32
    %dma_start3A_223 = tpu.memref_slice %arg7[%dma_start3A_220, %dma_start3A_221, %dma_start3A_222] : memref<8x8x1024xf32, #tpu.memory_space<vmem>> -> memref<1x8x1024xf32, #tpu.memory_space<vmem>>
    %dma_start3A_224 = tpu.memref_squeeze %dma_start3A_223 : memref<1x8x1024xf32, #tpu.memory_space<vmem>> -> memref<8x1024xf32, #tpu.memory_space<vmem>>
    %dma_start3A_225 = tpu.memref_slice %arg9[%rem3A_217, %mul3A_219] : memref<4x64xi32, #tpu.memory_space<vmem>> -> memref<1x8xi32, #tpu.memory_space<vmem>>
    %dma_start3A_226 = tpu.memref_squeeze %dma_start3A_225 : memref<1x8xi32, #tpu.memory_space<vmem>> -> memref<8xi32, #tpu.memory_space<vmem>>
    %dma_start3A_227 = arith.constant 0 : i32
    %dma_start3A_228 = arith.constant 0 : i32
    %dma_start3A_229 = tpu.memref_slice %arg3[%dma_start3A_227, %dma_start3A_228] : memref<100000x1024xf32, #tpu.memory_space<hbm>> -> memref<100000x1024xf32, #tpu.memory_space<hbm>>
    tpu.enqueue_indirect_dma source(%dma_start3A_229 : memref<100000x1024xf32, #tpu.memory_space<hbm>>) target(%dma_start3A_224 : memref<8x1024xf32, #tpu.memory_space<vmem>>) offsets(%dma_start3A_226 : memref<8xi32, #tpu.memory_space<vmem>>) semaphore(%arg15 : memref<!tpu.dma_semaphore, #tpu.memory_space<semaphore_mem>>)
    %div3A_230 = arith.constant 6 : i32
    %div3A_231 = arith.constant 4 : i32
    %div3A_232 = arith.divsi %div3A_230, %div3A_231 : i32
    %rem3A_233 = arith.constant 6 : i32
    %rem3A_234 = arith.constant 4 : i32
    %rem3A_235 = arith.remsi %rem3A_233, %rem3A_234 : i32
    %mul3A_236 = arith.constant 8 : i32
    %mul3A_237 = arith.muli %div3A_232, %mul3A_236 : i32
    %dma_start3A_238 = arith.constant 6 : i32
    %dma_start3A_239 = arith.constant 0 : i32
    %dma_start3A_240 = arith.constant 0 : i32
    %dma_start3A_241 = tpu.memref_slice %arg7[%dma_start3A_238, %dma_start3A_239, %dma_start3A_240] : memref<8x8x1024xf32, #tpu.memory_space<vmem>> -> memref<1x8x1024xf32, #tpu.memory_space<vmem>>
    %dma_start3A_242 = tpu.memref_squeeze %dma_start3A_241 : memref<1x8x1024xf32, #tpu.memory_space<vmem>> -> memref<8x1024xf32, #tpu.memory_space<vmem>>
    %dma_start3A_243 = tpu.memref_slice %arg9[%rem3A_235, %mul3A_237] : memref<4x64xi32, #tpu.memory_space<vmem>> -> memref<1x8xi32, #tpu.memory_space<vmem>>
    %dma_start3A_244 = tpu.memref_squeeze %dma_start3A_243 : memref<1x8xi32, #tpu.memory_space<vmem>> -> memref<8xi32, #tpu.memory_space<vmem>>
    %dma_start3A_245 = arith.constant 0 : i32
    %dma_start3A_246 = arith.constant 0 : i32
    %dma_start3A_247 = tpu.memref_slice %arg3[%dma_start3A_245, %dma_start3A_246] : memref<100000x1024xf32, #tpu.memory_space<hbm>> -> memref<100000x1024xf32, #tpu.memory_space<hbm>>
    tpu.enqueue_indirect_dma source(%dma_start3A_247 : memref<100000x1024xf32, #tpu.memory_space<hbm>>) target(%dma_start3A_242 : memref<8x1024xf32, #tpu.memory_space<vmem>>) offsets(%dma_start3A_244 : memref<8xi32, #tpu.memory_space<vmem>>) semaphore(%arg16 : memref<!tpu.dma_semaphore, #tpu.memory_space<semaphore_mem>>)
    %scan3A = arith.constant 0 : i32
    %scan3A_248 = arith.constant 0 : i32
    %scan3A_249 = arith.constant 4 : i32
    %scan3A_250 = arith.addi %scan3A_248, %scan3A_249 : i32
    %scan3A_251 = arith.constant 1 : i32
    %scan3A_252 = scf.for %scan3A_358 = %scan3A_248 to %scan3A_250 step %scan3A_251 iter_args(%scan3A_359 = %scan3A) -> (i32)  : i32 {
      %mul3A_360 = arith.constant 2 : i32
      %mul3A_361 = arith.muli %scan3A_358, %mul3A_360 : i32
      %add3A_362 = arith.constant 0 : i32
      %add3A_363 = arith.addi %mul3A_361, %add3A_362 : i32
      %mul3A_364 = arith.constant 4 : i32
      %mul3A_365 = arith.muli %add3A_363, %mul3A_364 : i32
      %add3A_366 = arith.constant 0 : i32
      %add3A_367 = arith.addi %mul3A_365, %add3A_366 : i32
      %add3A_368 = arith.constant 7 : i32
      %add3A_369 = arith.addi %add3A_367, %add3A_368 : i32
      %div3A_370 = arith.constant 4 : i32
      %div3A_371 = arith.divsi %add3A_369, %div3A_370 : i32
      %rem3A_372 = arith.constant 4 : i32
      %rem3A_373 = arith.remsi %add3A_369, %rem3A_372 : i32
      %mul3A_374 = arith.constant 8 : i32
      %mul3A_375 = arith.muli %div3A_371, %mul3A_374 : i32
      %dma_start3A_376 = arith.constant 7 : i32
      %dma_start3A_377 = arith.constant 0 : i32
      %dma_start3A_378 = arith.constant 0 : i32
      %dma_start3A_379 = tpu.memref_slice %arg7[%dma_start3A_376, %dma_start3A_377, %dma_start3A_378] : memref<8x8x1024xf32, #tpu.memory_space<vmem>> -> memref<1x8x1024xf32, #tpu.memory_space<vmem>>
      %dma_start3A_380 = tpu.memref_squeeze %dma_start3A_379 : memref<1x8x1024xf32, #tpu.memory_space<vmem>> -> memref<8x1024xf32, #tpu.memory_space<vmem>>
      %dma_start3A_381 = tpu.memref_slice %arg9[%rem3A_373, %mul3A_375] : memref<4x64xi32, #tpu.memory_space<vmem>> -> memref<1x8xi32, #tpu.memory_space<vmem>>
      %dma_start3A_382 = tpu.memref_squeeze %dma_start3A_381 : memref<1x8xi32, #tpu.memory_space<vmem>> -> memref<8xi32, #tpu.memory_space<vmem>>
      %dma_start3A_383 = arith.constant 0 : i32
      %dma_start3A_384 = arith.constant 0 : i32
      %dma_start3A_385 = tpu.memref_slice %arg3[%dma_start3A_383, %dma_start3A_384] : memref<100000x1024xf32, #tpu.memory_space<hbm>> -> memref<100000x1024xf32, #tpu.memory_space<hbm>>
      tpu.enqueue_indirect_dma source(%dma_start3A_385 : memref<100000x1024xf32, #tpu.memory_space<hbm>>) target(%dma_start3A_380 : memref<8x1024xf32, #tpu.memory_space<vmem>>) offsets(%dma_start3A_382 : memref<8xi32, #tpu.memory_space<vmem>>) semaphore(%arg17 : memref<!tpu.dma_semaphore, #tpu.memory_space<semaphore_mem>>)
      %gt3A = arith.constant 0 : i32
      %gt3A_386 = arith.cmpi sgt, %scan3A_358, %gt3A : i32
      %convert_element_type3A = arith.extui %gt3A_386 : i1 to i32
      %cond3A = arith.constant 0 : i32
      %cond3A_387 = arith.cmpi ne, %convert_element_type3A, %cond3A : i32
      scf.if %cond3A_387 {
        %sub3A_1015 = arith.constant 4 : i32
        %sub3A_1016 = arith.subi %add3A_367, %sub3A_1015 : i32
        %div3A_1017 = arith.constant 4 : i32
        %div3A_1018 = arith.divsi %sub3A_1016, %div3A_1017 : i32
        %rem3A_1019 = arith.constant 4 : i32
        %rem3A_1020 = arith.remsi %sub3A_1016, %rem3A_1019 : i32
        %mul3A_1021 = arith.constant 2048 : i32
        %mul3A_1022 = arith.muli %rem3A_1020, %mul3A_1021 : i32
        %add3A_1023 = arith.addi %mul3A_1022, %mul3A_2 : i32
        %mul3A_1024 = arith.constant 8 : i32
        %mul3A_1025 = arith.muli %div3A_1018, %mul3A_1024 : i32
        %add3A_1026 = arith.addi %add3A_1023, %mul3A_1025 : i32
        %multiple_of3A_1027 = tpu.assume_multiple %add3A_1026, 8 : i32
        %dma_wait3A_1028 = arith.constant 0 : i32
        %dma_wait3A_1029 = arith.constant 0 : i32
        %dma_wait3A_1030 = arith.constant 0 : i32
        %dma_wait3A_1031 = tpu.memref_slice %arg8[%dma_wait3A_1028, %dma_wait3A_1029, %dma_wait3A_1030] : memref<4x8x1024xf32, #tpu.memory_space<vmem>> -> memref<1x8x1024xf32, #tpu.memory_space<vmem>>
        %dma_wait3A_1032 = tpu.memref_squeeze %dma_wait3A_1031 : memref<1x8x1024xf32, #tpu.memory_space<vmem>> -> memref<8x1024xf32, #tpu.memory_space<vmem>>
        %dma_wait3A_1033 = arith.constant 0 : i32
        %dma_wait3A_1034 = tpu.memref_slice %arg5[%multiple_of3A_1027, %dma_wait3A_1033] : memref<8192x1024xf32, #tpu.memory_space<hbm>> -> memref<8x1024xf32, #tpu.memory_space<hbm>>
        %dma_wait3A_1035 = arith.constant 0 : i32
        %dma_wait3A_1036 = tpu.memref_slice %arg5[%multiple_of3A_1027, %dma_wait3A_1035] : memref<8192x1024xf32, #tpu.memory_space<hbm>> -> memref<8x1024xf32, #tpu.memory_space<hbm>>
        %dma_wait3A_1037 = arith.constant 0 : i32
        %dma_wait3A_1038 = arith.constant 0 : i32
        %dma_wait3A_1039 = tpu.memref_slice %arg8[%dma_wait3A_1028, %dma_wait3A_1037, %dma_wait3A_1038] : memref<4x8x1024xf32, #tpu.memory_space<vmem>> -> memref<1x8x1024xf32, #tpu.memory_space<vmem>>
        %dma_wait3A_1040 = tpu.memref_squeeze %dma_wait3A_1039 : memref<1x8x1024xf32, #tpu.memory_space<vmem>> -> memref<8x1024xf32, #tpu.memory_space<vmem>>
        tpu.wait_dma2 semaphore(%arg18 : memref<!tpu.dma_semaphore, #tpu.memory_space<semaphore_mem>>) src(%dma_wait3A_1040 : memref<8x1024xf32, #tpu.memory_space<vmem>>) dst(%dma_wait3A_1036 : memref<8x1024xf32, #tpu.memory_space<hbm>>)
      } else {
      }
      %dma_wait3A_388 = arith.constant 0 : i32
      %dma_wait3A_389 = arith.constant 0 : i32
      %dma_wait3A_390 = arith.constant 0 : i32
      %dma_wait3A_391 = tpu.memref_slice %arg6[%dma_wait3A_388, %dma_wait3A_389, %dma_wait3A_390] : memref<2x8x1024xf32, #tpu.memory_space<vmem>> -> memref<1x8x1024xf32, #tpu.memory_space<vmem>>
      %dma_wait3A_392 = tpu.memref_squeeze %dma_wait3A_391 : memref<1x8x1024xf32, #tpu.memory_space<vmem>> -> memref<8x1024xf32, #tpu.memory_space<vmem>>
      %dma_wait3A_393 = arith.constant 0 : i32
      %dma_wait3A_394 = arith.constant 0 : i32
      %dma_wait3A_395 = tpu.memref_slice %arg4[%dma_wait3A_393, %dma_wait3A_394] : memref<4096x1024xf32, #tpu.memory_space<hbm>> -> memref<8x1024xf32, #tpu.memory_space<hbm>>
      %dma_wait3A_396 = arith.constant 0 : i32
      %dma_wait3A_397 = arith.constant 0 : i32
      %dma_wait3A_398 = tpu.memref_slice %arg6[%dma_wait3A_388, %dma_wait3A_396, %dma_wait3A_397] : memref<2x8x1024xf32, #tpu.memory_space<vmem>> -> memref<1x8x1024xf32, #tpu.memory_space<vmem>>
      %dma_wait3A_399 = tpu.memref_squeeze %dma_wait3A_398 : memref<1x8x1024xf32, #tpu.memory_space<vmem>> -> memref<8x1024xf32, #tpu.memory_space<vmem>>
      %dma_wait3A_400 = arith.constant 0 : i32
      %dma_wait3A_401 = arith.constant 0 : i32
      %dma_wait3A_402 = tpu.memref_slice %arg4[%dma_wait3A_400, %dma_wait3A_401] : memref<4096x1024xf32, #tpu.memory_space<hbm>> -> memref<8x1024xf32, #tpu.memory_space<hbm>>
      tpu.wait_dma2 semaphore(%arg22 : memref<!tpu.dma_semaphore, #tpu.memory_space<semaphore_mem>>) src(%dma_wait3A_402 : memref<8x1024xf32, #tpu.memory_space<hbm>>) dst(%dma_wait3A_399 : memref<8x1024xf32, #tpu.memory_space<vmem>>)
      %add3A_403 = arith.constant 1 : i32
      %add3A_404 = arith.addi %add3A_363, %add3A_403 : i32
      %mul3A_405 = arith.constant 8 : i32
      %mul3A_406 = arith.muli %add3A_404, %mul3A_405 : i32
      %add3A_407 = arith.addi %mul3A_2, %mul3A_406 : i32
      %multiple_of3A_408 = tpu.assume_multiple %add3A_407, 8 : i32
      %dma_start3A_409 = arith.constant 1 : i32
      %dma_start3A_410 = arith.constant 0 : i32
      %dma_start3A_411 = arith.constant 0 : i32
      %dma_start3A_412 = tpu.memref_slice %arg6[%dma_start3A_409, %dma_start3A_410, %dma_start3A_411] : memref<2x8x1024xf32, #tpu.memory_space<vmem>> -> memref<1x8x1024xf32, #tpu.memory_space<vmem>>
      %dma_start3A_413 = tpu.memref_squeeze %dma_start3A_412 : memref<1x8x1024xf32, #tpu.memory_space<vmem>> -> memref<8x1024xf32, #tpu.memory_space<vmem>>
      %dma_start3A_414 = arith.constant 0 : i32
      %dma_start3A_415 = tpu.memref_slice %arg4[%multiple_of3A_408, %dma_start3A_414] : memref<4096x1024xf32, #tpu.memory_space<hbm>> -> memref<8x1024xf32, #tpu.memory_space<hbm>>
      %dma_start3A_416 = arith.constant 0 : i32
      %dma_start3A_417 = arith.constant 0 : i32
      %dma_start3A_418 = tpu.memref_slice %arg6[%dma_start3A_409, %dma_start3A_416, %dma_start3A_417] : memref<2x8x1024xf32, #tpu.memory_space<vmem>> -> memref<1x8x1024xf32, #tpu.memory_space<vmem>>
      %dma_start3A_419 = tpu.memref_squeeze %dma_start3A_418 : memref<1x8x1024xf32, #tpu.memory_space<vmem>> -> memref<8x1024xf32, #tpu.memory_space<vmem>>
      %dma_start3A_420 = arith.constant 0 : i32
      %dma_start3A_421 = tpu.memref_slice %arg4[%multiple_of3A_408, %dma_start3A_420] : memref<4096x1024xf32, #tpu.memory_space<hbm>> -> memref<8x1024xf32, #tpu.memory_space<hbm>>
      tpu.enqueue_dma source(%dma_start3A_421 : memref<8x1024xf32, #tpu.memory_space<hbm>>) target(%dma_start3A_419 : memref<8x1024xf32, #tpu.memory_space<vmem>>) target_semaphore(%arg23 : memref<!tpu.dma_semaphore, #tpu.memory_space<semaphore_mem>>)
      %div3A_422 = arith.constant 4 : i32
      %div3A_423 = arith.divsi %add3A_367, %div3A_422 : i32
      %rem3A_424 = arith.constant 4 : i32
      %rem3A_425 = arith.remsi %add3A_367, %rem3A_424 : i32
      %mul3A_426 = arith.constant 8 : i32
      %mul3A_427 = arith.muli %div3A_423, %mul3A_426 : i32
      %dma_wait3A_428 = arith.constant 0 : i32
      %dma_wait3A_429 = arith.constant 0 : i32
      %dma_wait3A_430 = arith.constant 0 : i32
      %dma_wait3A_431 = tpu.memref_slice %arg7[%dma_wait3A_428, %dma_wait3A_429, %dma_wait3A_430] : memref<8x8x1024xf32, #tpu.memory_space<vmem>> -> memref<1x8x1024xf32, #tpu.memory_space<vmem>>
      %dma_wait3A_432 = tpu.memref_squeeze %dma_wait3A_431 : memref<1x8x1024xf32, #tpu.memory_space<vmem>> -> memref<8x1024xf32, #tpu.memory_space<vmem>>
      %dma_wait3A_433 = tpu.memref_slice %arg9[%rem3A_425, %mul3A_427] : memref<4x64xi32, #tpu.memory_space<vmem>> -> memref<1x8xi32, #tpu.memory_space<vmem>>
      %dma_wait3A_434 = tpu.memref_squeeze %dma_wait3A_433 : memref<1x8xi32, #tpu.memory_space<vmem>> -> memref<8xi32, #tpu.memory_space<vmem>>
      %dma_wait3A_435 = arith.constant 0 : i32
      %dma_wait3A_436 = arith.constant 0 : i32
      %dma_wait3A_437 = tpu.memref_slice %arg3[%dma_wait3A_435, %dma_wait3A_436] : memref<100000x1024xf32, #tpu.memory_space<hbm>> -> memref<100000x1024xf32, #tpu.memory_space<hbm>>
      tpu.wait_indirect_dma semaphore(%arg10 : memref<!tpu.dma_semaphore, #tpu.memory_space<semaphore_mem>>) src(%dma_wait3A_437 : memref<100000x1024xf32, #tpu.memory_space<hbm>>) dst(%dma_wait3A_432 : memref<8x1024xf32, #tpu.memory_space<vmem>>)
      %scan3A_438 = arith.constant 0 : i32
      %scan3A_439 = arith.constant 0 : i32
      %scan3A_440 = arith.constant 0 : i32
      %scan3A_441 = arith.constant 0 : i32
      %scan3A_442 = arith.constant 0 : i32
      %scan3A_443 = arith.constant 8 : i32
      %scan3A_444 = arith.addi %scan3A_442, %scan3A_443 : i32
      %scan3A_445 = arith.constant 1 : i32
      %scan3A_446 = scf.for %scan3A_1015 = %scan3A_442 to %scan3A_444 step %scan3A_445 iter_args(%scan3A_1016 = %scan3A_441) -> (i32)  : i32 {
        %parallel_loop3A = arith.constant 0 : i32
        %parallel_loop3A_1017 = arith.constant 1024 : i32
        %parallel_loop3A_1018 = arith.constant 16 : i32
        scf.for %parallel_loop3A_1020 = %parallel_loop3A to %parallel_loop3A_1017 step %parallel_loop3A_1018  : i32 {
          %parallel_loop3A_1021 = arith.constant 0 : i32
          %parallel_loop3A_1022 = arith.constant 0 : i32
          %parallel_loop3A_1023 = tpu.memref_slice %arg7[%scan3A_438, %parallel_loop3A_1021, %parallel_loop3A_1022] : memref<8x8x1024xf32, #tpu.memory_space<vmem>> -> memref<1x8x1024xf32, #tpu.memory_space<vmem>>
          %parallel_loop3A_1024 = tpu.memref_squeeze %parallel_loop3A_1023 : memref<1x8x1024xf32, #tpu.memory_space<vmem>> -> memref<8x1024xf32, #tpu.memory_space<vmem>>
          %parallel_loop3A_1025 = arith.index_cast %scan3A_1015 : i32 to index
          %parallel_loop3A_1026 = arith.index_cast %parallel_loop3A_1020 : i32 to index
          %parallel_loop3A_1027 = tpu.vector_load %parallel_loop3A_1024[%parallel_loop3A_1025, %parallel_loop3A_1026] {strides = array<i32>} : memref<8x1024xf32, #tpu.memory_space<vmem>>, vector<1x16xf32>,
          %parallel_loop3A_1028 = vector.shape_cast %parallel_loop3A_1027 : vector<1x16xf32> to vector<16xf32>
          %parallel_loop3A_1029 = arith.constant 3.200000e+01 : f32
          %parallel_loop3A_1030 = vector.broadcast %parallel_loop3A_1029 : f32 to vector<16xf32>
          %parallel_loop3A_1031 = arith.mulf %parallel_loop3A_1028, %parallel_loop3A_1030 : vector<16xf32>
          %parallel_loop3A_1032 = arith.constant 0 : i32
          %parallel_loop3A_1033 = arith.constant 0 : i32
          %parallel_loop3A_1034 = tpu.memref_slice %arg6[%scan3A_439, %parallel_loop3A_1032, %parallel_loop3A_1033] : memref<2x8x1024xf32, #tpu.memory_space<vmem>> -> memref<1x8x1024xf32, #tpu.memory_space<vmem>>
          %parallel_loop3A_1035 = tpu.memref_squeeze %parallel_loop3A_1034 : memref<1x8x1024xf32, #tpu.memory_space<vmem>> -> memref<8x1024xf32, #tpu.memory_space<vmem>>
          %parallel_loop3A_1036 = arith.index_cast %scan3A_1015 : i32 to index
          %parallel_loop3A_1037 = arith.index_cast %parallel_loop3A_1020 : i32 to index
          %parallel_loop3A_1038 = tpu.vector_load %parallel_loop3A_1035[%parallel_loop3A_1036, %parallel_loop3A_1037] {strides = array<i32>} : memref<8x1024xf32, #tpu.memory_space<vmem>>, vector<1x16xf32>,
          %parallel_loop3A_1039 = vector.shape_cast %parallel_loop3A_1038 : vector<1x16xf32> to vector<16xf32>
          %parallel_loop3A_1040 = arith.addf %parallel_loop3A_1031, %parallel_loop3A_1039 : vector<16xf32>
          %parallel_loop3A_1041 = arith.constant 0 : i32
          %parallel_loop3A_1042 = arith.constant 0 : i32
          %parallel_loop3A_1043 = tpu.memref_slice %arg8[%scan3A_440, %parallel_loop3A_1041, %parallel_loop3A_1042] : memref<4x8x1024xf32, #tpu.memory_space<vmem>> -> memref<1x8x1024xf32, #tpu.memory_space<vmem>>
          %parallel_loop3A_1044 = tpu.memref_squeeze %parallel_loop3A_1043 : memref<1x8x1024xf32, #tpu.memory_space<vmem>> -> memref<8x1024xf32, #tpu.memory_space<vmem>>
          %parallel_loop3A_1045 = arith.index_cast %scan3A_1015 : i32 to index
          %parallel_loop3A_1046 = arith.index_cast %parallel_loop3A_1020 : i32 to index
          %parallel_loop3A_1047 = tpu.vector_load %parallel_loop3A_1044[%parallel_loop3A_1045, %parallel_loop3A_1046] {strides = array<i32>} : memref<8x1024xf32, #tpu.memory_space<vmem>>, vector<1x16xf32>,
          %parallel_loop3A_1048 = vector.shape_cast %parallel_loop3A_1047 : vector<1x16xf32> to vector<16xf32>
          %parallel_loop3A_1049 = vector.shape_cast %parallel_loop3A_1040 : vector<16xf32> to vector<1x16xf32>
          tpu.vector_store %parallel_loop3A_1044[%parallel_loop3A_1045, %parallel_loop3A_1046], %parallel_loop3A_1049 {strides = array<i32>} : memref<8x1024xf32, #tpu.memory_space<vmem>>, vector<1x16xf32>,
        } {sc.loop_unroll_factor = 4 : i64, sc.parallel_access}
        %scan3A_1019 = arith.constant 0 : i32
        scf.yield %scan3A_1019 : i32
      }
      %scan3A_447 = arith.constant 8 : i32
      %div3A_448 = arith.constant 4 : i32
      %div3A_449 = arith.divsi %add3A_367, %div3A_448 : i32
      %rem3A_450 = arith.constant 4 : i32
      %rem3A_451 = arith.remsi %add3A_367, %rem3A_450 : i32
      %mul3A_452 = arith.constant 2048 : i32
      %mul3A_453 = arith.muli %rem3A_451, %mul3A_452 : i32
      %add3A_454 = arith.addi %mul3A_453, %mul3A_2 : i32
      %mul3A_455 = arith.constant 8 : i32
      %mul3A_456 = arith.muli %div3A_449, %mul3A_455 : i32
      %add3A_457 = arith.addi %add3A_454, %mul3A_456 : i32
      %multiple_of3A_458 = tpu.assume_multiple %add3A_457, 8 : i32
      %dma_start3A_459 = arith.constant 0 : i32
      %dma_start3A_460 = arith.constant 0 : i32
      %dma_start3A_461 = arith.constant 0 : i32
      %dma_start3A_462 = tpu.memref_slice %arg8[%dma_start3A_459, %dma_start3A_460, %dma_start3A_461] : memref<4x8x1024xf32, #tpu.memory_space<vmem>> -> memref<1x8x1024xf32, #tpu.memory_space<vmem>>
      %dma_start3A_463 = tpu.memref_squeeze %dma_start3A_462 : memref<1x8x1024xf32, #tpu.memory_space<vmem>> -> memref<8x1024xf32, #tpu.memory_space<vmem>>
      %dma_start3A_464 = arith.constant 0 : i32
      %dma_start3A_465 = tpu.memref_slice %arg5[%multiple_of3A_458, %dma_start3A_464] : memref<8192x1024xf32, #tpu.memory_space<hbm>> -> memref<8x1024xf32, #tpu.memory_space<hbm>>
      %dma_start3A_466 = arith.constant 0 : i32
      %dma_start3A_467 = tpu.memref_slice %arg5[%multiple_of3A_458, %dma_start3A_466] : memref<8192x1024xf32, #tpu.memory_space<hbm>> -> memref<8x1024xf32, #tpu.memory_space<hbm>>
      %dma_start3A_468 = arith.constant 0 : i32
      %dma_start3A_469 = arith.constant 0 : i32
      %dma_start3A_470 = tpu.memref_slice %arg8[%dma_start3A_459, %dma_start3A_468, %dma_start3A_469] : memref<4x8x1024xf32, #tpu.memory_space<vmem>> -> memref<1x8x1024xf32, #tpu.memory_space<vmem>>
      %dma_start3A_471 = tpu.memref_squeeze %dma_start3A_470 : memref<1x8x1024xf32, #tpu.memory_space<vmem>> -> memref<8x1024xf32, #tpu.memory_space<vmem>>
      tpu.enqueue_dma source(%dma_start3A_471 : memref<8x1024xf32, #tpu.memory_space<vmem>>) target(%dma_start3A_467 : memref<8x1024xf32, #tpu.memory_space<hbm>>) target_semaphore(%arg18 : memref<!tpu.dma_semaphore, #tpu.memory_space<semaphore_mem>>)
      %add3A_472 = arith.constant 1 : i32
      %add3A_473 = arith.addi %mul3A_365, %add3A_472 : i32
      %lt3A = arith.constant 3 : i32
      %lt3A_474 = arith.cmpi slt, %scan3A_358, %lt3A : i32
      %convert_element_type3A_475 = arith.extui %lt3A_474 : i1 to i32
      %cond3A_476 = arith.constant 0 : i32
      %cond3A_477 = arith.cmpi ne, %convert_element_type3A_475, %cond3A_476 : i32
      scf.if %cond3A_477 {
        %add3A_1015 = arith.constant 7 : i32
        %add3A_1016 = arith.addi %add3A_473, %add3A_1015 : i32
        %div3A_1017 = arith.constant 4 : i32
        %div3A_1018 = arith.divsi %add3A_1016, %div3A_1017 : i32
        %rem3A_1019 = arith.constant 4 : i32
        %rem3A_1020 = arith.remsi %add3A_1016, %rem3A_1019 : i32
        %mul3A_1021 = arith.constant 8 : i32
        %mul3A_1022 = arith.muli %div3A_1018, %mul3A_1021 : i32
        %dma_start3A_1023 = arith.constant 0 : i32
        %dma_start3A_1024 = arith.constant 0 : i32
        %dma_start3A_1025 = arith.constant 0 : i32
        %dma_start3A_1026 = tpu.memref_slice %arg7[%dma_start3A_1023, %dma_start3A_1024, %dma_start3A_1025] : memref<8x8x1024xf32, #tpu.memory_space<vmem>> -> memref<1x8x1024xf32, #tpu.memory_space<vmem>>
        %dma_start3A_1027 = tpu.memref_squeeze %dma_start3A_1026 : memref<1x8x1024xf32, #tpu.memory_space<vmem>> -> memref<8x1024xf32, #tpu.memory_space<vmem>>
        %dma_start3A_1028 = tpu.memref_slice %arg9[%rem3A_1020, %mul3A_1022] : memref<4x64xi32, #tpu.memory_space<vmem>> -> memref<1x8xi32, #tpu.memory_space<vmem>>
        %dma_start3A_1029 = tpu.memref_squeeze %dma_start3A_1028 : memref<1x8xi32, #tpu.memory_space<vmem>> -> memref<8xi32, #tpu.memory_space<vmem>>
        %dma_start3A_1030 = arith.constant 0 : i32
        %dma_start3A_1031 = arith.constant 0 : i32
        %dma_start3A_1032 = tpu.memref_slice %arg3[%dma_start3A_1030, %dma_start3A_1031] : memref<100000x1024xf32, #tpu.memory_space<hbm>> -> memref<100000x1024xf32, #tpu.memory_space<hbm>>
        tpu.enqueue_indirect_dma source(%dma_start3A_1032 : memref<100000x1024xf32, #tpu.memory_space<hbm>>) target(%dma_start3A_1027 : memref<8x1024xf32, #tpu.memory_space<vmem>>) offsets(%dma_start3A_1029 : memref<8xi32, #tpu.memory_space<vmem>>) semaphore(%arg10 : memref<!tpu.dma_semaphore, #tpu.memory_space<semaphore_mem>>)
      } else {
      }
      %gt3A_478 = arith.constant 0 : i32
      %gt3A_479 = arith.cmpi sgt, %scan3A_358, %gt3A_478 : i32
      %convert_element_type3A_480 = arith.extui %gt3A_479 : i1 to i32
      %cond3A_481 = arith.constant 0 : i32
      %cond3A_482 = arith.cmpi ne, %convert_element_type3A_480, %cond3A_481 : i32
      scf.if %cond3A_482 {
        %sub3A_1015 = arith.constant 4 : i32
        %sub3A_1016 = arith.subi %add3A_473, %sub3A_1015 : i32
        %div3A_1017 = arith.constant 4 : i32
        %div3A_1018 = arith.divsi %sub3A_1016, %div3A_1017 : i32
        %rem3A_1019 = arith.constant 4 : i32
        %rem3A_1020 = arith.remsi %sub3A_1016, %rem3A_1019 : i32
        %mul3A_1021 = arith.constant 2048 : i32
        %mul3A_1022 = arith.muli %rem3A_1020, %mul3A_1021 : i32
        %add3A_1023 = arith.addi %mul3A_1022, %mul3A_2 : i32
        %mul3A_1024 = arith.constant 8 : i32
        %mul3A_1025 = arith.muli %div3A_1018, %mul3A_1024 : i32
        %add3A_1026 = arith.addi %add3A_1023, %mul3A_1025 : i32
        %multiple_of3A_1027 = tpu.assume_multiple %add3A_1026, 8 : i32
        %dma_wait3A_1028 = arith.constant 1 : i32
        %dma_wait3A_1029 = arith.constant 0 : i32
        %dma_wait3A_1030 = arith.constant 0 : i32
        %dma_wait3A_1031 = tpu.memref_slice %arg8[%dma_wait3A_1028, %dma_wait3A_1029, %dma_wait3A_1030] : memref<4x8x1024xf32, #tpu.memory_space<vmem>> -> memref<1x8x1024xf32, #tpu.memory_space<vmem>>
        %dma_wait3A_1032 = tpu.memref_squeeze %dma_wait3A_1031 : memref<1x8x1024xf32, #tpu.memory_space<vmem>> -> memref<8x1024xf32, #tpu.memory_space<vmem>>
        %dma_wait3A_1033 = arith.constant 0 : i32
        %dma_wait3A_1034 = tpu.memref_slice %arg5[%multiple_of3A_1027, %dma_wait3A_1033] : memref<8192x1024xf32, #tpu.memory_space<hbm>> -> memref<8x1024xf32, #tpu.memory_space<hbm>>
        %dma_wait3A_1035 = arith.constant 0 : i32
        %dma_wait3A_1036 = tpu.memref_slice %arg5[%multiple_of3A_1027, %dma_wait3A_1035] : memref<8192x1024xf32, #tpu.memory_space<hbm>> -> memref<8x1024xf32, #tpu.memory_space<hbm>>
        %dma_wait3A_1037 = arith.constant 0 : i32
        %dma_wait3A_1038 = arith.constant 0 : i32
        %dma_wait3A_1039 = tpu.memref_slice %arg8[%dma_wait3A_1028, %dma_wait3A_1037, %dma_wait3A_1038] : memref<4x8x1024xf32, #tpu.memory_space<vmem>> -> memref<1x8x1024xf32, #tpu.memory_space<vmem>>
        %dma_wait3A_1040 = tpu.memref_squeeze %dma_wait3A_1039 : memref<1x8x1024xf32, #tpu.memory_space<vmem>> -> memref<8x1024xf32, #tpu.memory_space<vmem>>
        tpu.wait_dma2 semaphore(%arg19 : memref<!tpu.dma_semaphore, #tpu.memory_space<semaphore_mem>>) src(%dma_wait3A_1040 : memref<8x1024xf32, #tpu.memory_space<vmem>>) dst(%dma_wait3A_1036 : memref<8x1024xf32, #tpu.memory_space<hbm>>)
      } else {
      }
      %div3A_483 = arith.constant 4 : i32
      %div3A_484 = arith.divsi %add3A_473, %div3A_483 : i32
      %rem3A_485 = arith.constant 4 : i32
      %rem3A_486 = arith.remsi %add3A_473, %rem3A_485 : i32
      %mul3A_487 = arith.constant 8 : i32
      %mul3A_488 = arith.muli %div3A_484, %mul3A_487 : i32
      %dma_wait3A_489 = arith.constant 1 : i32
      %dma_wait3A_490 = arith.constant 0 : i32
      %dma_wait3A_491 = arith.constant 0 : i32
      %dma_wait3A_492 = tpu.memref_slice %arg7[%dma_wait3A_489, %dma_wait3A_490, %dma_wait3A_491] : memref<8x8x1024xf32, #tpu.memory_space<vmem>> -> memref<1x8x1024xf32, #tpu.memory_space<vmem>>
      %dma_wait3A_493 = tpu.memref_squeeze %dma_wait3A_492 : memref<1x8x1024xf32, #tpu.memory_space<vmem>> -> memref<8x1024xf32, #tpu.memory_space<vmem>>
      %dma_wait3A_494 = tpu.memref_slice %arg9[%rem3A_486, %mul3A_488] : memref<4x64xi32, #tpu.memory_space<vmem>> -> memref<1x8xi32, #tpu.memory_space<vmem>>
      %dma_wait3A_495 = tpu.memref_squeeze %dma_wait3A_494 : memref<1x8xi32, #tpu.memory_space<vmem>> -> memref<8xi32, #tpu.memory_space<vmem>>
      %dma_wait3A_496 = arith.constant 0 : i32
      %dma_wait3A_497 = arith.constant 0 : i32
      %dma_wait3A_498 = tpu.memref_slice %arg3[%dma_wait3A_496, %dma_wait3A_497] : memref<100000x1024xf32, #tpu.memory_space<hbm>> -> memref<100000x1024xf32, #tpu.memory_space<hbm>>
      tpu.wait_indirect_dma semaphore(%arg11 : memref<!tpu.dma_semaphore, #tpu.memory_space<semaphore_mem>>) src(%dma_wait3A_498 : memref<100000x1024xf32, #tpu.memory_space<hbm>>) dst(%dma_wait3A_493 : memref<8x1024xf32, #tpu.memory_space<vmem>>)
      %scan3A_499 = arith.constant 1 : i32
      %scan3A_500 = arith.constant 0 : i32
      %scan3A_501 = arith.constant 1 : i32
      %scan3A_502 = arith.constant 0 : i32
      %scan3A_503 = arith.constant 0 : i32
      %scan3A_504 = arith.constant 8 : i32
      %scan3A_505 = arith.addi %scan3A_503, %scan3A_504 : i32
      %scan3A_506 = arith.constant 1 : i32
      %scan3A_507 = scf.for %scan3A_1015 = %scan3A_503 to %scan3A_505 step %scan3A_506 iter_args(%scan3A_1016 = %scan3A_502) -> (i32)  : i32 {
        %parallel_loop3A = arith.constant 0 : i32
        %parallel_loop3A_1017 = arith.constant 1024 : i32
        %parallel_loop3A_1018 = arith.constant 16 : i32
        scf.for %parallel_loop3A_1020 = %parallel_loop3A to %parallel_loop3A_1017 step %parallel_loop3A_1018  : i32 {
          %parallel_loop3A_1021 = arith.constant 0 : i32
          %parallel_loop3A_1022 = arith.constant 0 : i32
          %parallel_loop3A_1023 = tpu.memref_slice %arg7[%scan3A_499, %parallel_loop3A_1021, %parallel_loop3A_1022] : memref<8x8x1024xf32, #tpu.memory_space<vmem>> -> memref<1x8x1024xf32, #tpu.memory_space<vmem>>
          %parallel_loop3A_1024 = tpu.memref_squeeze %parallel_loop3A_1023 : memref<1x8x1024xf32, #tpu.memory_space<vmem>> -> memref<8x1024xf32, #tpu.memory_space<vmem>>
          %parallel_loop3A_1025 = arith.index_cast %scan3A_1015 : i32 to index
          %parallel_loop3A_1026 = arith.index_cast %parallel_loop3A_1020 : i32 to index
          %parallel_loop3A_1027 = tpu.vector_load %parallel_loop3A_1024[%parallel_loop3A_1025, %parallel_loop3A_1026] {strides = array<i32>} : memref<8x1024xf32, #tpu.memory_space<vmem>>, vector<1x16xf32>,
          %parallel_loop3A_1028 = vector.shape_cast %parallel_loop3A_1027 : vector<1x16xf32> to vector<16xf32>
          %parallel_loop3A_1029 = arith.constant 3.200000e+01 : f32
          %parallel_loop3A_1030 = vector.broadcast %parallel_loop3A_1029 : f32 to vector<16xf32>
          %parallel_loop3A_1031 = arith.mulf %parallel_loop3A_1028, %parallel_loop3A_1030 : vector<16xf32>
          %parallel_loop3A_1032 = arith.constant 0 : i32
          %parallel_loop3A_1033 = arith.constant 0 : i32
          %parallel_loop3A_1034 = tpu.memref_slice %arg6[%scan3A_500, %parallel_loop3A_1032, %parallel_loop3A_1033] : memref<2x8x1024xf32, #tpu.memory_space<vmem>> -> memref<1x8x1024xf32, #tpu.memory_space<vmem>>
          %parallel_loop3A_1035 = tpu.memref_squeeze %parallel_loop3A_1034 : memref<1x8x1024xf32, #tpu.memory_space<vmem>> -> memref<8x1024xf32, #tpu.memory_space<vmem>>
          %parallel_loop3A_1036 = arith.index_cast %scan3A_1015 : i32 to index
          %parallel_loop3A_1037 = arith.index_cast %parallel_loop3A_1020 : i32 to index
          %parallel_loop3A_1038 = tpu.vector_load %parallel_loop3A_1035[%parallel_loop3A_1036, %parallel_loop3A_1037] {strides = array<i32>} : memref<8x1024xf32, #tpu.memory_space<vmem>>, vector<1x16xf32>,
          %parallel_loop3A_1039 = vector.shape_cast %parallel_loop3A_1038 : vector<1x16xf32> to vector<16xf32>
          %parallel_loop3A_1040 = arith.addf %parallel_loop3A_1031, %parallel_loop3A_1039 : vector<16xf32>
          %parallel_loop3A_1041 = arith.constant 0 : i32
          %parallel_loop3A_1042 = arith.constant 0 : i32
          %parallel_loop3A_1043 = tpu.memref_slice %arg8[%scan3A_501, %parallel_loop3A_1041, %parallel_loop3A_1042] : memref<4x8x1024xf32, #tpu.memory_space<vmem>> -> memref<1x8x1024xf32, #tpu.memory_space<vmem>>
          %parallel_loop3A_1044 = tpu.memref_squeeze %parallel_loop3A_1043 : memref<1x8x1024xf32, #tpu.memory_space<vmem>> -> memref<8x1024xf32, #tpu.memory_space<vmem>>
          %parallel_loop3A_1045 = arith.index_cast %scan3A_1015 : i32 to index
          %parallel_loop3A_1046 = arith.index_cast %parallel_loop3A_1020 : i32 to index
          %parallel_loop3A_1047 = tpu.vector_load %parallel_loop3A_1044[%parallel_loop3A_1045, %parallel_loop3A_1046] {strides = array<i32>} : memref<8x1024xf32, #tpu.memory_space<vmem>>, vector<1x16xf32>,
          %parallel_loop3A_1048 = vector.shape_cast %parallel_loop3A_1047 : vector<1x16xf32> to vector<16xf32>
          %parallel_loop3A_1049 = vector.shape_cast %parallel_loop3A_1040 : vector<16xf32> to vector<1x16xf32>
          tpu.vector_store %parallel_loop3A_1044[%parallel_loop3A_1045, %parallel_loop3A_1046], %parallel_loop3A_1049 {strides = array<i32>} : memref<8x1024xf32, #tpu.memory_space<vmem>>, vector<1x16xf32>,
        } {sc.loop_unroll_factor = 4 : i64, sc.parallel_access}
        %scan3A_1019 = arith.constant 0 : i32
        scf.yield %scan3A_1019 : i32
      }
      %scan3A_508 = arith.constant 8 : i32
      %div3A_509 = arith.constant 4 : i32
      %div3A_510 = arith.divsi %add3A_473, %div3A_509 : i32
      %rem3A_511 = arith.constant 4 : i32
      %rem3A_512 = arith.remsi %add3A_473, %rem3A_511 : i32
      %mul3A_513 = arith.constant 2048 : i32
      %mul3A_514 = arith.muli %rem3A_512, %mul3A_513 : i32
      %add3A_515 = arith.addi %mul3A_514, %mul3A_2 : i32
      %mul3A_516 = arith.constant 8 : i32
      %mul3A_517 = arith.muli %div3A_510, %mul3A_516 : i32
      %add3A_518 = arith.addi %add3A_515, %mul3A_517 : i32
      %multiple_of3A_519 = tpu.assume_multiple %add3A_518, 8 : i32
      %dma_start3A_520 = arith.constant 1 : i32
      %dma_start3A_521 = arith.constant 0 : i32
      %dma_start3A_522 = arith.constant 0 : i32
      %dma_start3A_523 = tpu.memref_slice %arg8[%dma_start3A_520, %dma_start3A_521, %dma_start3A_522] : memref<4x8x1024xf32, #tpu.memory_space<vmem>> -> memref<1x8x1024xf32, #tpu.memory_space<vmem>>
      %dma_start3A_524 = tpu.memref_squeeze %dma_start3A_523 : memref<1x8x1024xf32, #tpu.memory_space<vmem>> -> memref<8x1024xf32, #tpu.memory_space<vmem>>
      %dma_start3A_525 = arith.constant 0 : i32
      %dma_start3A_526 = tpu.memref_slice %arg5[%multiple_of3A_519, %dma_start3A_525] : memref<8192x1024xf32, #tpu.memory_space<hbm>> -> memref<8x1024xf32, #tpu.memory_space<hbm>>
      %dma_start3A_527 = arith.constant 0 : i32
      %dma_start3A_528 = tpu.memref_slice %arg5[%multiple_of3A_519, %dma_start3A_527] : memref<8192x1024xf32, #tpu.memory_space<hbm>> -> memref<8x1024xf32, #tpu.memory_space<hbm>>
      %dma_start3A_529 = arith.constant 0 : i32
      %dma_start3A_530 = arith.constant 0 : i32
      %dma_start3A_531 = tpu.memref_slice %arg8[%dma_start3A_520, %dma_start3A_529, %dma_start3A_530] : memref<4x8x1024xf32, #tpu.memory_space<vmem>> -> memref<1x8x1024xf32, #tpu.memory_space<vmem>>
      %dma_start3A_532 = tpu.memref_squeeze %dma_start3A_531 : memref<1x8x1024xf32, #tpu.memory_space<vmem>> -> memref<8x1024xf32, #tpu.memory_space<vmem>>
      tpu.enqueue_dma source(%dma_start3A_532 : memref<8x1024xf32, #tpu.memory_space<vmem>>) target(%dma_start3A_528 : memref<8x1024xf32, #tpu.memory_space<hbm>>) target_semaphore(%arg19 : memref<!tpu.dma_semaphore, #tpu.memory_space<semaphore_mem>>)
      %add3A_533 = arith.constant 2 : i32
      %add3A_534 = arith.addi %mul3A_365, %add3A_533 : i32
      %lt3A_535 = arith.constant 3 : i32
      %lt3A_536 = arith.cmpi slt, %scan3A_358, %lt3A_535 : i32
      %convert_element_type3A_537 = arith.extui %lt3A_536 : i1 to i32
      %cond3A_538 = arith.constant 0 : i32
      %cond3A_539 = arith.cmpi ne, %convert_element_type3A_537, %cond3A_538 : i32
      scf.if %cond3A_539 {
        %add3A_1015 = arith.constant 7 : i32
        %add3A_1016 = arith.addi %add3A_534, %add3A_1015 : i32
        %div3A_1017 = arith.constant 4 : i32
        %div3A_1018 = arith.divsi %add3A_1016, %div3A_1017 : i32
        %rem3A_1019 = arith.constant 4 : i32
        %rem3A_1020 = arith.remsi %add3A_1016, %rem3A_1019 : i32
        %mul3A_1021 = arith.constant 8 : i32
        %mul3A_1022 = arith.muli %div3A_1018, %mul3A_1021 : i32
        %dma_start3A_1023 = arith.constant 1 : i32
        %dma_start3A_1024 = arith.constant 0 : i32
        %dma_start3A_1025 = arith.constant 0 : i32
        %dma_start3A_1026 = tpu.memref_slice %arg7[%dma_start3A_1023, %dma_start3A_1024, %dma_start3A_1025] : memref<8x8x1024xf32, #tpu.memory_space<vmem>> -> memref<1x8x1024xf32, #tpu.memory_space<vmem>>
        %dma_start3A_1027 = tpu.memref_squeeze %dma_start3A_1026 : memref<1x8x1024xf32, #tpu.memory_space<vmem>> -> memref<8x1024xf32, #tpu.memory_space<vmem>>
        %dma_start3A_1028 = tpu.memref_slice %arg9[%rem3A_1020, %mul3A_1022] : memref<4x64xi32, #tpu.memory_space<vmem>> -> memref<1x8xi32, #tpu.memory_space<vmem>>
        %dma_start3A_1029 = tpu.memref_squeeze %dma_start3A_1028 : memref<1x8xi32, #tpu.memory_space<vmem>> -> memref<8xi32, #tpu.memory_space<vmem>>
        %dma_start3A_1030 = arith.constant 0 : i32
        %dma_start3A_1031 = arith.constant 0 : i32
        %dma_start3A_1032 = tpu.memref_slice %arg3[%dma_start3A_1030, %dma_start3A_1031] : memref<100000x1024xf32, #tpu.memory_space<hbm>> -> memref<100000x1024xf32, #tpu.memory_space<hbm>>
        tpu.enqueue_indirect_dma source(%dma_start3A_1032 : memref<100000x1024xf32, #tpu.memory_space<hbm>>) target(%dma_start3A_1027 : memref<8x1024xf32, #tpu.memory_space<vmem>>) offsets(%dma_start3A_1029 : memref<8xi32, #tpu.memory_space<vmem>>) semaphore(%arg11 : memref<!tpu.dma_semaphore, #tpu.memory_space<semaphore_mem>>)
      } else {
      }
      %gt3A_540 = arith.constant 0 : i32
      %gt3A_541 = arith.cmpi sgt, %scan3A_358, %gt3A_540 : i32
      %convert_element_type3A_542 = arith.extui %gt3A_541 : i1 to i32
      %cond3A_543 = arith.constant 0 : i32
      %cond3A_544 = arith.cmpi ne, %convert_element_type3A_542, %cond3A_543 : i32
      scf.if %cond3A_544 {
        %sub3A_1015 = arith.constant 4 : i32
        %sub3A_1016 = arith.subi %add3A_534, %sub3A_1015 : i32
        %div3A_1017 = arith.constant 4 : i32
        %div3A_1018 = arith.divsi %sub3A_1016, %div3A_1017 : i32
        %rem3A_1019 = arith.constant 4 : i32
        %rem3A_1020 = arith.remsi %sub3A_1016, %rem3A_1019 : i32
        %mul3A_1021 = arith.constant 2048 : i32
        %mul3A_1022 = arith.muli %rem3A_1020, %mul3A_1021 : i32
        %add3A_1023 = arith.addi %mul3A_1022, %mul3A_2 : i32
        %mul3A_1024 = arith.constant 8 : i32
        %mul3A_1025 = arith.muli %div3A_1018, %mul3A_1024 : i32
        %add3A_1026 = arith.addi %add3A_1023, %mul3A_1025 : i32
        %multiple_of3A_1027 = tpu.assume_multiple %add3A_1026, 8 : i32
        %dma_wait3A_1028 = arith.constant 2 : i32
        %dma_wait3A_1029 = arith.constant 0 : i32
        %dma_wait3A_1030 = arith.constant 0 : i32
        %dma_wait3A_1031 = tpu.memref_slice %arg8[%dma_wait3A_1028, %dma_wait3A_1029, %dma_wait3A_1030] : memref<4x8x1024xf32, #tpu.memory_space<vmem>> -> memref<1x8x1024xf32, #tpu.memory_space<vmem>>
        %dma_wait3A_1032 = tpu.memref_squeeze %dma_wait3A_1031 : memref<1x8x1024xf32, #tpu.memory_space<vmem>> -> memref<8x1024xf32, #tpu.memory_space<vmem>>
        %dma_wait3A_1033 = arith.constant 0 : i32
        %dma_wait3A_1034 = tpu.memref_slice %arg5[%multiple_of3A_1027, %dma_wait3A_1033] : memref<8192x1024xf32, #tpu.memory_space<hbm>> -> memref<8x1024xf32, #tpu.memory_space<hbm>>
        %dma_wait3A_1035 = arith.constant 0 : i32
        %dma_wait3A_1036 = tpu.memref_slice %arg5[%multiple_of3A_1027, %dma_wait3A_1035] : memref<8192x1024xf32, #tpu.memory_space<hbm>> -> memref<8x1024xf32, #tpu.memory_space<hbm>>
        %dma_wait3A_1037 = arith.constant 0 : i32
        %dma_wait3A_1038 = arith.constant 0 : i32
        %dma_wait3A_1039 = tpu.memref_slice %arg8[%dma_wait3A_1028, %dma_wait3A_1037, %dma_wait3A_1038] : memref<4x8x1024xf32, #tpu.memory_space<vmem>> -> memref<1x8x1024xf32, #tpu.memory_space<vmem>>
        %dma_wait3A_1040 = tpu.memref_squeeze %dma_wait3A_1039 : memref<1x8x1024xf32, #tpu.memory_space<vmem>> -> memref<8x1024xf32, #tpu.memory_space<vmem>>
        tpu.wait_dma2 semaphore(%arg20 : memref<!tpu.dma_semaphore, #tpu.memory_space<semaphore_mem>>) src(%dma_wait3A_1040 : memref<8x1024xf32, #tpu.memory_space<vmem>>) dst(%dma_wait3A_1036 : memref<8x1024xf32, #tpu.memory_space<hbm>>)
      } else {
      }
      %div3A_545 = arith.constant 4 : i32
      %div3A_546 = arith.divsi %add3A_534, %div3A_545 : i32
      %rem3A_547 = arith.constant 4 : i32
      %rem3A_548 = arith.remsi %add3A_534, %rem3A_547 : i32
      %mul3A_549 = arith.constant 8 : i32
      %mul3A_550 = arith.muli %div3A_546, %mul3A_549 : i32
      %dma_wait3A_551 = arith.constant 2 : i32
      %dma_wait3A_552 = arith.constant 0 : i32
      %dma_wait3A_553 = arith.constant 0 : i32
      %dma_wait3A_554 = tpu.memref_slice %arg7[%dma_wait3A_551, %dma_wait3A_552, %dma_wait3A_553] : memref<8x8x1024xf32, #tpu.memory_space<vmem>> -> memref<1x8x1024xf32, #tpu.memory_space<vmem>>
      %dma_wait3A_555 = tpu.memref_squeeze %dma_wait3A_554 : memref<1x8x1024xf32, #tpu.memory_space<vmem>> -> memref<8x1024xf32, #tpu.memory_space<vmem>>
      %dma_wait3A_556 = tpu.memref_slice %arg9[%rem3A_548, %mul3A_550] : memref<4x64xi32, #tpu.memory_space<vmem>> -> memref<1x8xi32, #tpu.memory_space<vmem>>
      %dma_wait3A_557 = tpu.memref_squeeze %dma_wait3A_556 : memref<1x8xi32, #tpu.memory_space<vmem>> -> memref<8xi32, #tpu.memory_space<vmem>>
      %dma_wait3A_558 = arith.constant 0 : i32
      %dma_wait3A_559 = arith.constant 0 : i32
      %dma_wait3A_560 = tpu.memref_slice %arg3[%dma_wait3A_558, %dma_wait3A_559] : memref<100000x1024xf32, #tpu.memory_space<hbm>> -> memref<100000x1024xf32, #tpu.memory_space<hbm>>
      tpu.wait_indirect_dma semaphore(%arg12 : memref<!tpu.dma_semaphore, #tpu.memory_space<semaphore_mem>>) src(%dma_wait3A_560 : memref<100000x1024xf32, #tpu.memory_space<hbm>>) dst(%dma_wait3A_555 : memref<8x1024xf32, #tpu.memory_space<vmem>>)
      %scan3A_561 = arith.constant 2 : i32
      %scan3A_562 = arith.constant 0 : i32
      %scan3A_563 = arith.constant 2 : i32
      %scan3A_564 = arith.constant 0 : i32
      %scan3A_565 = arith.constant 0 : i32
      %scan3A_566 = arith.constant 8 : i32
      %scan3A_567 = arith.addi %scan3A_565, %scan3A_566 : i32
      %scan3A_568 = arith.constant 1 : i32
      %scan3A_569 = scf.for %scan3A_1015 = %scan3A_565 to %scan3A_567 step %scan3A_568 iter_args(%scan3A_1016 = %scan3A_564) -> (i32)  : i32 {
        %parallel_loop3A = arith.constant 0 : i32
        %parallel_loop3A_1017 = arith.constant 1024 : i32
        %parallel_loop3A_1018 = arith.constant 16 : i32
        scf.for %parallel_loop3A_1020 = %parallel_loop3A to %parallel_loop3A_1017 step %parallel_loop3A_1018  : i32 {
          %parallel_loop3A_1021 = arith.constant 0 : i32
          %parallel_loop3A_1022 = arith.constant 0 : i32
          %parallel_loop3A_1023 = tpu.memref_slice %arg7[%scan3A_561, %parallel_loop3A_1021, %parallel_loop3A_1022] : memref<8x8x1024xf32, #tpu.memory_space<vmem>> -> memref<1x8x1024xf32, #tpu.memory_space<vmem>>
          %parallel_loop3A_1024 = tpu.memref_squeeze %parallel_loop3A_1023 : memref<1x8x1024xf32, #tpu.memory_space<vmem>> -> memref<8x1024xf32, #tpu.memory_space<vmem>>
          %parallel_loop3A_1025 = arith.index_cast %scan3A_1015 : i32 to index
          %parallel_loop3A_1026 = arith.index_cast %parallel_loop3A_1020 : i32 to index
          %parallel_loop3A_1027 = tpu.vector_load %parallel_loop3A_1024[%parallel_loop3A_1025, %parallel_loop3A_1026] {strides = array<i32>} : memref<8x1024xf32, #tpu.memory_space<vmem>>, vector<1x16xf32>,
          %parallel_loop3A_1028 = vector.shape_cast %parallel_loop3A_1027 : vector<1x16xf32> to vector<16xf32>
          %parallel_loop3A_1029 = arith.constant 3.200000e+01 : f32
          %parallel_loop3A_1030 = vector.broadcast %parallel_loop3A_1029 : f32 to vector<16xf32>
          %parallel_loop3A_1031 = arith.mulf %parallel_loop3A_1028, %parallel_loop3A_1030 : vector<16xf32>
          %parallel_loop3A_1032 = arith.constant 0 : i32
          %parallel_loop3A_1033 = arith.constant 0 : i32
          %parallel_loop3A_1034 = tpu.memref_slice %arg6[%scan3A_562, %parallel_loop3A_1032, %parallel_loop3A_1033] : memref<2x8x1024xf32, #tpu.memory_space<vmem>> -> memref<1x8x1024xf32, #tpu.memory_space<vmem>>
          %parallel_loop3A_1035 = tpu.memref_squeeze %parallel_loop3A_1034 : memref<1x8x1024xf32, #tpu.memory_space<vmem>> -> memref<8x1024xf32, #tpu.memory_space<vmem>>
          %parallel_loop3A_1036 = arith.index_cast %scan3A_1015 : i32 to index
          %parallel_loop3A_1037 = arith.index_cast %parallel_loop3A_1020 : i32 to index
          %parallel_loop3A_1038 = tpu.vector_load %parallel_loop3A_1035[%parallel_loop3A_1036, %parallel_loop3A_1037] {strides = array<i32>} : memref<8x1024xf32, #tpu.memory_space<vmem>>, vector<1x16xf32>,
          %parallel_loop3A_1039 = vector.shape_cast %parallel_loop3A_1038 : vector<1x16xf32> to vector<16xf32>
          %parallel_loop3A_1040 = arith.addf %parallel_loop3A_1031, %parallel_loop3A_1039 : vector<16xf32>
          %parallel_loop3A_1041 = arith.constant 0 : i32
          %parallel_loop3A_1042 = arith.constant 0 : i32
          %parallel_loop3A_1043 = tpu.memref_slice %arg8[%scan3A_563, %parallel_loop3A_1041, %parallel_loop3A_1042] : memref<4x8x1024xf32, #tpu.memory_space<vmem>> -> memref<1x8x1024xf32, #tpu.memory_space<vmem>>
          %parallel_loop3A_1044 = tpu.memref_squeeze %parallel_loop3A_1043 : memref<1x8x1024xf32, #tpu.memory_space<vmem>> -> memref<8x1024xf32, #tpu.memory_space<vmem>>
          %parallel_loop3A_1045 = arith.index_cast %scan3A_1015 : i32 to index
          %parallel_loop3A_1046 = arith.index_cast %parallel_loop3A_1020 : i32 to index
          %parallel_loop3A_1047 = tpu.vector_load %parallel_loop3A_1044[%parallel_loop3A_1045, %parallel_loop3A_1046] {strides = array<i32>} : memref<8x1024xf32, #tpu.memory_space<vmem>>, vector<1x16xf32>,
          %parallel_loop3A_1048 = vector.shape_cast %parallel_loop3A_1047 : vector<1x16xf32> to vector<16xf32>
          %parallel_loop3A_1049 = vector.shape_cast %parallel_loop3A_1040 : vector<16xf32> to vector<1x16xf32>
          tpu.vector_store %parallel_loop3A_1044[%parallel_loop3A_1045, %parallel_loop3A_1046], %parallel_loop3A_1049 {strides = array<i32>} : memref<8x1024xf32, #tpu.memory_space<vmem>>, vector<1x16xf32>,
        } {sc.loop_unroll_factor = 4 : i64, sc.parallel_access}
        %scan3A_1019 = arith.constant 0 : i32
        scf.yield %scan3A_1019 : i32
      }
      %scan3A_570 = arith.constant 8 : i32
      %div3A_571 = arith.constant 4 : i32
      %div3A_572 = arith.divsi %add3A_534, %div3A_571 : i32
      %rem3A_573 = arith.constant 4 : i32
      %rem3A_574 = arith.remsi %add3A_534, %rem3A_573 : i32
      %mul3A_575 = arith.constant 2048 : i32
      %mul3A_576 = arith.muli %rem3A_574, %mul3A_575 : i32
      %add3A_577 = arith.addi %mul3A_576, %mul3A_2 : i32
      %mul3A_578 = arith.constant 8 : i32
      %mul3A_579 = arith.muli %div3A_572, %mul3A_578 : i32
      %add3A_580 = arith.addi %add3A_577, %mul3A_579 : i32
      %multiple_of3A_581 = tpu.assume_multiple %add3A_580, 8 : i32
      %dma_start3A_582 = arith.constant 2 : i32
      %dma_start3A_583 = arith.constant 0 : i32
      %dma_start3A_584 = arith.constant 0 : i32
      %dma_start3A_585 = tpu.memref_slice %arg8[%dma_start3A_582, %dma_start3A_583, %dma_start3A_584] : memref<4x8x1024xf32, #tpu.memory_space<vmem>> -> memref<1x8x1024xf32, #tpu.memory_space<vmem>>
      %dma_start3A_586 = tpu.memref_squeeze %dma_start3A_585 : memref<1x8x1024xf32, #tpu.memory_space<vmem>> -> memref<8x1024xf32, #tpu.memory_space<vmem>>
      %dma_start3A_587 = arith.constant 0 : i32
      %dma_start3A_588 = tpu.memref_slice %arg5[%multiple_of3A_581, %dma_start3A_587] : memref<8192x1024xf32, #tpu.memory_space<hbm>> -> memref<8x1024xf32, #tpu.memory_space<hbm>>
      %dma_start3A_589 = arith.constant 0 : i32
      %dma_start3A_590 = tpu.memref_slice %arg5[%multiple_of3A_581, %dma_start3A_589] : memref<8192x1024xf32, #tpu.memory_space<hbm>> -> memref<8x1024xf32, #tpu.memory_space<hbm>>
      %dma_start3A_591 = arith.constant 0 : i32
      %dma_start3A_592 = arith.constant 0 : i32
      %dma_start3A_593 = tpu.memref_slice %arg8[%dma_start3A_582, %dma_start3A_591, %dma_start3A_592] : memref<4x8x1024xf32, #tpu.memory_space<vmem>> -> memref<1x8x1024xf32, #tpu.memory_space<vmem>>
      %dma_start3A_594 = tpu.memref_squeeze %dma_start3A_593 : memref<1x8x1024xf32, #tpu.memory_space<vmem>> -> memref<8x1024xf32, #tpu.memory_space<vmem>>
      tpu.enqueue_dma source(%dma_start3A_594 : memref<8x1024xf32, #tpu.memory_space<vmem>>) target(%dma_start3A_590 : memref<8x1024xf32, #tpu.memory_space<hbm>>) target_semaphore(%arg20 : memref<!tpu.dma_semaphore, #tpu.memory_space<semaphore_mem>>)
      %add3A_595 = arith.constant 3 : i32
      %add3A_596 = arith.addi %mul3A_365, %add3A_595 : i32
      %lt3A_597 = arith.constant 3 : i32
      %lt3A_598 = arith.cmpi slt, %scan3A_358, %lt3A_597 : i32
      %convert_element_type3A_599 = arith.extui %lt3A_598 : i1 to i32
      %cond3A_600 = arith.constant 0 : i32
      %cond3A_601 = arith.cmpi ne, %convert_element_type3A_599, %cond3A_600 : i32
      scf.if %cond3A_601 {
        %add3A_1015 = arith.constant 7 : i32
        %add3A_1016 = arith.addi %add3A_596, %add3A_1015 : i32
        %div3A_1017 = arith.constant 4 : i32
        %div3A_1018 = arith.divsi %add3A_1016, %div3A_1017 : i32
        %rem3A_1019 = arith.constant 4 : i32
        %rem3A_1020 = arith.remsi %add3A_1016, %rem3A_1019 : i32
        %mul3A_1021 = arith.constant 8 : i32
        %mul3A_1022 = arith.muli %div3A_1018, %mul3A_1021 : i32
        %dma_start3A_1023 = arith.constant 2 : i32
        %dma_start3A_1024 = arith.constant 0 : i32
        %dma_start3A_1025 = arith.constant 0 : i32
        %dma_start3A_1026 = tpu.memref_slice %arg7[%dma_start3A_1023, %dma_start3A_1024, %dma_start3A_1025] : memref<8x8x1024xf32, #tpu.memory_space<vmem>> -> memref<1x8x1024xf32, #tpu.memory_space<vmem>>
        %dma_start3A_1027 = tpu.memref_squeeze %dma_start3A_1026 : memref<1x8x1024xf32, #tpu.memory_space<vmem>> -> memref<8x1024xf32, #tpu.memory_space<vmem>>
        %dma_start3A_1028 = tpu.memref_slice %arg9[%rem3A_1020, %mul3A_1022] : memref<4x64xi32, #tpu.memory_space<vmem>> -> memref<1x8xi32, #tpu.memory_space<vmem>>
        %dma_start3A_1029 = tpu.memref_squeeze %dma_start3A_1028 : memref<1x8xi32, #tpu.memory_space<vmem>> -> memref<8xi32, #tpu.memory_space<vmem>>
        %dma_start3A_1030 = arith.constant 0 : i32
        %dma_start3A_1031 = arith.constant 0 : i32
        %dma_start3A_1032 = tpu.memref_slice %arg3[%dma_start3A_1030, %dma_start3A_1031] : memref<100000x1024xf32, #tpu.memory_space<hbm>> -> memref<100000x1024xf32, #tpu.memory_space<hbm>>
        tpu.enqueue_indirect_dma source(%dma_start3A_1032 : memref<100000x1024xf32, #tpu.memory_space<hbm>>) target(%dma_start3A_1027 : memref<8x1024xf32, #tpu.memory_space<vmem>>) offsets(%dma_start3A_1029 : memref<8xi32, #tpu.memory_space<vmem>>) semaphore(%arg12 : memref<!tpu.dma_semaphore, #tpu.memory_space<semaphore_mem>>)
      } else {
      }
      %gt3A_602 = arith.constant 0 : i32
      %gt3A_603 = arith.cmpi sgt, %scan3A_358, %gt3A_602 : i32
      %convert_element_type3A_604 = arith.extui %gt3A_603 : i1 to i32
      %cond3A_605 = arith.constant 0 : i32
      %cond3A_606 = arith.cmpi ne, %convert_element_type3A_604, %cond3A_605 : i32
      scf.if %cond3A_606 {
        %sub3A_1015 = arith.constant 4 : i32
        %sub3A_1016 = arith.subi %add3A_596, %sub3A_1015 : i32
        %div3A_1017 = arith.constant 4 : i32
        %div3A_1018 = arith.divsi %sub3A_1016, %div3A_1017 : i32
        %rem3A_1019 = arith.constant 4 : i32
        %rem3A_1020 = arith.remsi %sub3A_1016, %rem3A_1019 : i32
        %mul3A_1021 = arith.constant 2048 : i32
        %mul3A_1022 = arith.muli %rem3A_1020, %mul3A_1021 : i32
        %add3A_1023 = arith.addi %mul3A_1022, %mul3A_2 : i32
        %mul3A_1024 = arith.constant 8 : i32
        %mul3A_1025 = arith.muli %div3A_1018, %mul3A_1024 : i32
        %add3A_1026 = arith.addi %add3A_1023, %mul3A_1025 : i32
        %multiple_of3A_1027 = tpu.assume_multiple %add3A_1026, 8 : i32
        %dma_wait3A_1028 = arith.constant 3 : i32
        %dma_wait3A_1029 = arith.constant 0 : i32
        %dma_wait3A_1030 = arith.constant 0 : i32
        %dma_wait3A_1031 = tpu.memref_slice %arg8[%dma_wait3A_1028, %dma_wait3A_1029, %dma_wait3A_1030] : memref<4x8x1024xf32, #tpu.memory_space<vmem>> -> memref<1x8x1024xf32, #tpu.memory_space<vmem>>
        %dma_wait3A_1032 = tpu.memref_squeeze %dma_wait3A_1031 : memref<1x8x1024xf32, #tpu.memory_space<vmem>> -> memref<8x1024xf32, #tpu.memory_space<vmem>>
        %dma_wait3A_1033 = arith.constant 0 : i32
        %dma_wait3A_1034 = tpu.memref_slice %arg5[%multiple_of3A_1027, %dma_wait3A_1033] : memref<8192x1024xf32, #tpu.memory_space<hbm>> -> memref<8x1024xf32, #tpu.memory_space<hbm>>
        %dma_wait3A_1035 = arith.constant 0 : i32
        %dma_wait3A_1036 = tpu.memref_slice %arg5[%multiple_of3A_1027, %dma_wait3A_1035] : memref<8192x1024xf32, #tpu.memory_space<hbm>> -> memref<8x1024xf32, #tpu.memory_space<hbm>>
        %dma_wait3A_1037 = arith.constant 0 : i32
        %dma_wait3A_1038 = arith.constant 0 : i32
        %dma_wait3A_1039 = tpu.memref_slice %arg8[%dma_wait3A_1028, %dma_wait3A_1037, %dma_wait3A_1038] : memref<4x8x1024xf32, #tpu.memory_space<vmem>> -> memref<1x8x1024xf32, #tpu.memory_space<vmem>>
        %dma_wait3A_1040 = tpu.memref_squeeze %dma_wait3A_1039 : memref<1x8x1024xf32, #tpu.memory_space<vmem>> -> memref<8x1024xf32, #tpu.memory_space<vmem>>
        tpu.wait_dma2 semaphore(%arg21 : memref<!tpu.dma_semaphore, #tpu.memory_space<semaphore_mem>>) src(%dma_wait3A_1040 : memref<8x1024xf32, #tpu.memory_space<vmem>>) dst(%dma_wait3A_1036 : memref<8x1024xf32, #tpu.memory_space<hbm>>)
      } else {
      }
      %div3A_607 = arith.constant 4 : i32
      %div3A_608 = arith.divsi %add3A_596, %div3A_607 : i32
      %rem3A_609 = arith.constant 4 : i32
      %rem3A_610 = arith.remsi %add3A_596, %rem3A_609 : i32
      %mul3A_611 = arith.constant 8 : i32
      %mul3A_612 = arith.muli %div3A_608, %mul3A_611 : i32
      %dma_wait3A_613 = arith.constant 3 : i32
      %dma_wait3A_614 = arith.constant 0 : i32
      %dma_wait3A_615 = arith.constant 0 : i32
      %dma_wait3A_616 = tpu.memref_slice %arg7[%dma_wait3A_613, %dma_wait3A_614, %dma_wait3A_615] : memref<8x8x1024xf32, #tpu.memory_space<vmem>> -> memref<1x8x1024xf32, #tpu.memory_space<vmem>>
      %dma_wait3A_617 = tpu.memref_squeeze %dma_wait3A_616 : memref<1x8x1024xf32, #tpu.memory_space<vmem>> -> memref<8x1024xf32, #tpu.memory_space<vmem>>
      %dma_wait3A_618 = tpu.memref_slice %arg9[%rem3A_610, %mul3A_612] : memref<4x64xi32, #tpu.memory_space<vmem>> -> memref<1x8xi32, #tpu.memory_space<vmem>>
      %dma_wait3A_619 = tpu.memref_squeeze %dma_wait3A_618 : memref<1x8xi32, #tpu.memory_space<vmem>> -> memref<8xi32, #tpu.memory_space<vmem>>
      %dma_wait3A_620 = arith.constant 0 : i32
      %dma_wait3A_621 = arith.constant 0 : i32
      %dma_wait3A_622 = tpu.memref_slice %arg3[%dma_wait3A_620, %dma_wait3A_621] : memref<100000x1024xf32, #tpu.memory_space<hbm>> -> memref<100000x1024xf32, #tpu.memory_space<hbm>>
      tpu.wait_indirect_dma semaphore(%arg13 : memref<!tpu.dma_semaphore, #tpu.memory_space<semaphore_mem>>) src(%dma_wait3A_622 : memref<100000x1024xf32, #tpu.memory_space<hbm>>) dst(%dma_wait3A_617 : memref<8x1024xf32, #tpu.memory_space<vmem>>)
      %scan3A_623 = arith.constant 3 : i32
      %scan3A_624 = arith.constant 0 : i32
      %scan3A_625 = arith.constant 3 : i32
      %scan3A_626 = arith.constant 0 : i32
      %scan3A_627 = arith.constant 0 : i32
      %scan3A_628 = arith.constant 8 : i32
      %scan3A_629 = arith.addi %scan3A_627, %scan3A_628 : i32
      %scan3A_630 = arith.constant 1 : i32
      %scan3A_631 = scf.for %scan3A_1015 = %scan3A_627 to %scan3A_629 step %scan3A_630 iter_args(%scan3A_1016 = %scan3A_626) -> (i32)  : i32 {
        %parallel_loop3A = arith.constant 0 : i32
        %parallel_loop3A_1017 = arith.constant 1024 : i32
        %parallel_loop3A_1018 = arith.constant 16 : i32
        scf.for %parallel_loop3A_1020 = %parallel_loop3A to %parallel_loop3A_1017 step %parallel_loop3A_1018  : i32 {
          %parallel_loop3A_1021 = arith.constant 0 : i32
          %parallel_loop3A_1022 = arith.constant 0 : i32
          %parallel_loop3A_1023 = tpu.memref_slice %arg7[%scan3A_623, %parallel_loop3A_1021, %parallel_loop3A_1022] : memref<8x8x1024xf32, #tpu.memory_space<vmem>> -> memref<1x8x1024xf32, #tpu.memory_space<vmem>>
          %parallel_loop3A_1024 = tpu.memref_squeeze %parallel_loop3A_1023 : memref<1x8x1024xf32, #tpu.memory_space<vmem>> -> memref<8x1024xf32, #tpu.memory_space<vmem>>
          %parallel_loop3A_1025 = arith.index_cast %scan3A_1015 : i32 to index
          %parallel_loop3A_1026 = arith.index_cast %parallel_loop3A_1020 : i32 to index
          %parallel_loop3A_1027 = tpu.vector_load %parallel_loop3A_1024[%parallel_loop3A_1025, %parallel_loop3A_1026] {strides = array<i32>} : memref<8x1024xf32, #tpu.memory_space<vmem>>, vector<1x16xf32>,
          %parallel_loop3A_1028 = vector.shape_cast %parallel_loop3A_1027 : vector<1x16xf32> to vector<16xf32>
          %parallel_loop3A_1029 = arith.constant 3.200000e+01 : f32
          %parallel_loop3A_1030 = vector.broadcast %parallel_loop3A_1029 : f32 to vector<16xf32>
          %parallel_loop3A_1031 = arith.mulf %parallel_loop3A_1028, %parallel_loop3A_1030 : vector<16xf32>
          %parallel_loop3A_1032 = arith.constant 0 : i32
          %parallel_loop3A_1033 = arith.constant 0 : i32
          %parallel_loop3A_1034 = tpu.memref_slice %arg6[%scan3A_624, %parallel_loop3A_1032, %parallel_loop3A_1033] : memref<2x8x1024xf32, #tpu.memory_space<vmem>> -> memref<1x8x1024xf32, #tpu.memory_space<vmem>>
          %parallel_loop3A_1035 = tpu.memref_squeeze %parallel_loop3A_1034 : memref<1x8x1024xf32, #tpu.memory_space<vmem>> -> memref<8x1024xf32, #tpu.memory_space<vmem>>
          %parallel_loop3A_1036 = arith.index_cast %scan3A_1015 : i32 to index
          %parallel_loop3A_1037 = arith.index_cast %parallel_loop3A_1020 : i32 to index
          %parallel_loop3A_1038 = tpu.vector_load %parallel_loop3A_1035[%parallel_loop3A_1036, %parallel_loop3A_1037] {strides = array<i32>} : memref<8x1024xf32, #tpu.memory_space<vmem>>, vector<1x16xf32>,
          %parallel_loop3A_1039 = vector.shape_cast %parallel_loop3A_1038 : vector<1x16xf32> to vector<16xf32>
          %parallel_loop3A_1040 = arith.addf %parallel_loop3A_1031, %parallel_loop3A_1039 : vector<16xf32>
          %parallel_loop3A_1041 = arith.constant 0 : i32
          %parallel_loop3A_1042 = arith.constant 0 : i32
          %parallel_loop3A_1043 = tpu.memref_slice %arg8[%scan3A_625, %parallel_loop3A_1041, %parallel_loop3A_1042] : memref<4x8x1024xf32, #tpu.memory_space<vmem>> -> memref<1x8x1024xf32, #tpu.memory_space<vmem>>
          %parallel_loop3A_1044 = tpu.memref_squeeze %parallel_loop3A_1043 : memref<1x8x1024xf32, #tpu.memory_space<vmem>> -> memref<8x1024xf32, #tpu.memory_space<vmem>>
          %parallel_loop3A_1045 = arith.index_cast %scan3A_1015 : i32 to index
          %parallel_loop3A_1046 = arith.index_cast %parallel_loop3A_1020 : i32 to index
          %parallel_loop3A_1047 = tpu.vector_load %parallel_loop3A_1044[%parallel_loop3A_1045, %parallel_loop3A_1046] {strides = array<i32>} : memref<8x1024xf32, #tpu.memory_space<vmem>>, vector<1x16xf32>,
          %parallel_loop3A_1048 = vector.shape_cast %parallel_loop3A_1047 : vector<1x16xf32> to vector<16xf32>
          %parallel_loop3A_1049 = vector.shape_cast %parallel_loop3A_1040 : vector<16xf32> to vector<1x16xf32>
          tpu.vector_store %parallel_loop3A_1044[%parallel_loop3A_1045, %parallel_loop3A_1046], %parallel_loop3A_1049 {strides = array<i32>} : memref<8x1024xf32, #tpu.memory_space<vmem>>, vector<1x16xf32>,
        } {sc.loop_unroll_factor = 4 : i64, sc.parallel_access}
        %scan3A_1019 = arith.constant 0 : i32
        scf.yield %scan3A_1019 : i32
      }
      %scan3A_632 = arith.constant 8 : i32
      %div3A_633 = arith.constant 4 : i32
      %div3A_634 = arith.divsi %add3A_596, %div3A_633 : i32
      %rem3A_635 = arith.constant 4 : i32
      %rem3A_636 = arith.remsi %add3A_596, %rem3A_635 : i32
      %mul3A_637 = arith.constant 2048 : i32
      %mul3A_638 = arith.muli %rem3A_636, %mul3A_637 : i32
      %add3A_639 = arith.addi %mul3A_638, %mul3A_2 : i32
      %mul3A_640 = arith.constant 8 : i32
      %mul3A_641 = arith.muli %div3A_634, %mul3A_640 : i32
      %add3A_642 = arith.addi %add3A_639, %mul3A_641 : i32
      %multiple_of3A_643 = tpu.assume_multiple %add3A_642, 8 : i32
      %dma_start3A_644 = arith.constant 3 : i32
      %dma_start3A_645 = arith.constant 0 : i32
      %dma_start3A_646 = arith.constant 0 : i32
      %dma_start3A_647 = tpu.memref_slice %arg8[%dma_start3A_644, %dma_start3A_645, %dma_start3A_646] : memref<4x8x1024xf32, #tpu.memory_space<vmem>> -> memref<1x8x1024xf32, #tpu.memory_space<vmem>>
      %dma_start3A_648 = tpu.memref_squeeze %dma_start3A_647 : memref<1x8x1024xf32, #tpu.memory_space<vmem>> -> memref<8x1024xf32, #tpu.memory_space<vmem>>
      %dma_start3A_649 = arith.constant 0 : i32
      %dma_start3A_650 = tpu.memref_slice %arg5[%multiple_of3A_643, %dma_start3A_649] : memref<8192x1024xf32, #tpu.memory_space<hbm>> -> memref<8x1024xf32, #tpu.memory_space<hbm>>
      %dma_start3A_651 = arith.constant 0 : i32
      %dma_start3A_652 = tpu.memref_slice %arg5[%multiple_of3A_643, %dma_start3A_651] : memref<8192x1024xf32, #tpu.memory_space<hbm>> -> memref<8x1024xf32, #tpu.memory_space<hbm>>
      %dma_start3A_653 = arith.constant 0 : i32
      %dma_start3A_654 = arith.constant 0 : i32
      %dma_start3A_655 = tpu.memref_slice %arg8[%dma_start3A_644, %dma_start3A_653, %dma_start3A_654] : memref<4x8x1024xf32, #tpu.memory_space<vmem>> -> memref<1x8x1024xf32, #tpu.memory_space<vmem>>
      %dma_start3A_656 = tpu.memref_squeeze %dma_start3A_655 : memref<1x8x1024xf32, #tpu.memory_space<vmem>> -> memref<8x1024xf32, #tpu.memory_space<vmem>>
      tpu.enqueue_dma source(%dma_start3A_656 : memref<8x1024xf32, #tpu.memory_space<vmem>>) target(%dma_start3A_652 : memref<8x1024xf32, #tpu.memory_space<hbm>>) target_semaphore(%arg21 : memref<!tpu.dma_semaphore, #tpu.memory_space<semaphore_mem>>)
      %mul3A_657 = arith.constant 2 : i32
      %mul3A_658 = arith.muli %scan3A_358, %mul3A_657 : i32
      %add3A_659 = arith.constant 1 : i32
      %add3A_660 = arith.addi %mul3A_658, %add3A_659 : i32
      %mul3A_661 = arith.constant 4 : i32
      %mul3A_662 = arith.muli %add3A_660, %mul3A_661 : i32
      %add3A_663 = arith.constant 0 : i32
      %add3A_664 = arith.addi %mul3A_662, %add3A_663 : i32
      %lt3A_665 = arith.constant 3 : i32
      %lt3A_666 = arith.cmpi slt, %scan3A_358, %lt3A_665 : i32
      %convert_element_type3A_667 = arith.extui %lt3A_666 : i1 to i32
      %cond3A_668 = arith.constant 0 : i32
      %cond3A_669 = arith.cmpi ne, %convert_element_type3A_667, %cond3A_668 : i32
      scf.if %cond3A_669 {
        %add3A_1015 = arith.constant 7 : i32
        %add3A_1016 = arith.addi %add3A_664, %add3A_1015 : i32
        %div3A_1017 = arith.constant 4 : i32
        %div3A_1018 = arith.divsi %add3A_1016, %div3A_1017 : i32
        %rem3A_1019 = arith.constant 4 : i32
        %rem3A_1020 = arith.remsi %add3A_1016, %rem3A_1019 : i32
        %mul3A_1021 = arith.constant 8 : i32
        %mul3A_1022 = arith.muli %div3A_1018, %mul3A_1021 : i32
        %dma_start3A_1023 = arith.constant 3 : i32
        %dma_start3A_1024 = arith.constant 0 : i32
        %dma_start3A_1025 = arith.constant 0 : i32
        %dma_start3A_1026 = tpu.memref_slice %arg7[%dma_start3A_1023, %dma_start3A_1024, %dma_start3A_1025] : memref<8x8x1024xf32, #tpu.memory_space<vmem>> -> memref<1x8x1024xf32, #tpu.memory_space<vmem>>
        %dma_start3A_1027 = tpu.memref_squeeze %dma_start3A_1026 : memref<1x8x1024xf32, #tpu.memory_space<vmem>> -> memref<8x1024xf32, #tpu.memory_space<vmem>>
        %dma_start3A_1028 = tpu.memref_slice %arg9[%rem3A_1020, %mul3A_1022] : memref<4x64xi32, #tpu.memory_space<vmem>> -> memref<1x8xi32, #tpu.memory_space<vmem>>
        %dma_start3A_1029 = tpu.memref_squeeze %dma_start3A_1028 : memref<1x8xi32, #tpu.memory_space<vmem>> -> memref<8xi32, #tpu.memory_space<vmem>>
        %dma_start3A_1030 = arith.constant 0 : i32
        %dma_start3A_1031 = arith.constant 0 : i32
        %dma_start3A_1032 = tpu.memref_slice %arg3[%dma_start3A_1030, %dma_start3A_1031] : memref<100000x1024xf32, #tpu.memory_space<hbm>> -> memref<100000x1024xf32, #tpu.memory_space<hbm>>
        tpu.enqueue_indirect_dma source(%dma_start3A_1032 : memref<100000x1024xf32, #tpu.memory_space<hbm>>) target(%dma_start3A_1027 : memref<8x1024xf32, #tpu.memory_space<vmem>>) offsets(%dma_start3A_1029 : memref<8xi32, #tpu.memory_space<vmem>>) semaphore(%arg13 : memref<!tpu.dma_semaphore, #tpu.memory_space<semaphore_mem>>)
      } else {
      }
      %sub3A = arith.constant 4 : i32
      %sub3A_670 = arith.subi %add3A_664, %sub3A : i32
      %div3A_671 = arith.constant 4 : i32
      %div3A_672 = arith.divsi %sub3A_670, %div3A_671 : i32
      %rem3A_673 = arith.constant 4 : i32
      %rem3A_674 = arith.remsi %sub3A_670, %rem3A_673 : i32
      %mul3A_675 = arith.constant 2048 : i32
      %mul3A_676 = arith.muli %rem3A_674, %mul3A_675 : i32
      %add3A_677 = arith.addi %mul3A_676, %mul3A_2 : i32
      %mul3A_678 = arith.constant 8 : i32
      %mul3A_679 = arith.muli %div3A_672, %mul3A_678 : i32
      %add3A_680 = arith.addi %add3A_677, %mul3A_679 : i32
      %multiple_of3A_681 = tpu.assume_multiple %add3A_680, 8 : i32
      %dma_wait3A_682 = arith.constant 0 : i32
      %dma_wait3A_683 = arith.constant 0 : i32
      %dma_wait3A_684 = arith.constant 0 : i32
      %dma_wait3A_685 = tpu.memref_slice %arg8[%dma_wait3A_682, %dma_wait3A_683, %dma_wait3A_684] : memref<4x8x1024xf32, #tpu.memory_space<vmem>> -> memref<1x8x1024xf32, #tpu.memory_space<vmem>>
      %dma_wait3A_686 = tpu.memref_squeeze %dma_wait3A_685 : memref<1x8x1024xf32, #tpu.memory_space<vmem>> -> memref<8x1024xf32, #tpu.memory_space<vmem>>
      %dma_wait3A_687 = arith.constant 0 : i32
      %dma_wait3A_688 = tpu.memref_slice %arg5[%multiple_of3A_681, %dma_wait3A_687] : memref<8192x1024xf32, #tpu.memory_space<hbm>> -> memref<8x1024xf32, #tpu.memory_space<hbm>>
      %dma_wait3A_689 = arith.constant 0 : i32
      %dma_wait3A_690 = tpu.memref_slice %arg5[%multiple_of3A_681, %dma_wait3A_689] : memref<8192x1024xf32, #tpu.memory_space<hbm>> -> memref<8x1024xf32, #tpu.memory_space<hbm>>
      %dma_wait3A_691 = arith.constant 0 : i32
      %dma_wait3A_692 = arith.constant 0 : i32
      %dma_wait3A_693 = tpu.memref_slice %arg8[%dma_wait3A_682, %dma_wait3A_691, %dma_wait3A_692] : memref<4x8x1024xf32, #tpu.memory_space<vmem>> -> memref<1x8x1024xf32, #tpu.memory_space<vmem>>
      %dma_wait3A_694 = tpu.memref_squeeze %dma_wait3A_693 : memref<1x8x1024xf32, #tpu.memory_space<vmem>> -> memref<8x1024xf32, #tpu.memory_space<vmem>>
      tpu.wait_dma2 semaphore(%arg18 : memref<!tpu.dma_semaphore, #tpu.memory_space<semaphore_mem>>) src(%dma_wait3A_694 : memref<8x1024xf32, #tpu.memory_space<vmem>>) dst(%dma_wait3A_690 : memref<8x1024xf32, #tpu.memory_space<hbm>>)
      %dma_wait3A_695 = arith.constant 1 : i32
      %dma_wait3A_696 = arith.constant 0 : i32
      %dma_wait3A_697 = arith.constant 0 : i32
      %dma_wait3A_698 = tpu.memref_slice %arg6[%dma_wait3A_695, %dma_wait3A_696, %dma_wait3A_697] : memref<2x8x1024xf32, #tpu.memory_space<vmem>> -> memref<1x8x1024xf32, #tpu.memory_space<vmem>>
      %dma_wait3A_699 = tpu.memref_squeeze %dma_wait3A_698 : memref<1x8x1024xf32, #tpu.memory_space<vmem>> -> memref<8x1024xf32, #tpu.memory_space<vmem>>
      %dma_wait3A_700 = arith.constant 0 : i32
      %dma_wait3A_701 = arith.constant 0 : i32
      %dma_wait3A_702 = tpu.memref_slice %arg4[%dma_wait3A_700, %dma_wait3A_701] : memref<4096x1024xf32, #tpu.memory_space<hbm>> -> memref<8x1024xf32, #tpu.memory_space<hbm>>
      %dma_wait3A_703 = arith.constant 0 : i32
      %dma_wait3A_704 = arith.constant 0 : i32
      %dma_wait3A_705 = tpu.memref_slice %arg6[%dma_wait3A_695, %dma_wait3A_703, %dma_wait3A_704] : memref<2x8x1024xf32, #tpu.memory_space<vmem>> -> memref<1x8x1024xf32, #tpu.memory_space<vmem>>
      %dma_wait3A_706 = tpu.memref_squeeze %dma_wait3A_705 : memref<1x8x1024xf32, #tpu.memory_space<vmem>> -> memref<8x1024xf32, #tpu.memory_space<vmem>>
      %dma_wait3A_707 = arith.constant 0 : i32
      %dma_wait3A_708 = arith.constant 0 : i32
      %dma_wait3A_709 = tpu.memref_slice %arg4[%dma_wait3A_707, %dma_wait3A_708] : memref<4096x1024xf32, #tpu.memory_space<hbm>> -> memref<8x1024xf32, #tpu.memory_space<hbm>>
      tpu.wait_dma2 semaphore(%arg23 : memref<!tpu.dma_semaphore, #tpu.memory_space<semaphore_mem>>) src(%dma_wait3A_709 : memref<8x1024xf32, #tpu.memory_space<hbm>>) dst(%dma_wait3A_706 : memref<8x1024xf32, #tpu.memory_space<vmem>>)
      %lt3A_710 = arith.constant 3 : i32
      %lt3A_711 = arith.cmpi slt, %scan3A_358, %lt3A_710 : i32
      %convert_element_type3A_712 = arith.extui %lt3A_711 : i1 to i32
      %cond3A_713 = arith.constant 0 : i32
      %cond3A_714 = arith.cmpi ne, %convert_element_type3A_712, %cond3A_713 : i32
      scf.if %cond3A_714 {
        %add3A_1015 = arith.constant 1 : i32
        %add3A_1016 = arith.addi %add3A_660, %add3A_1015 : i32
        %mul3A_1017 = arith.constant 8 : i32
        %mul3A_1018 = arith.muli %add3A_1016, %mul3A_1017 : i32
        %add3A_1019 = arith.addi %mul3A_2, %mul3A_1018 : i32
        %multiple_of3A_1020 = tpu.assume_multiple %add3A_1019, 8 : i32
        %dma_start3A_1021 = arith.constant 0 : i32
        %dma_start3A_1022 = arith.constant 0 : i32
        %dma_start3A_1023 = arith.constant 0 : i32
        %dma_start3A_1024 = tpu.memref_slice %arg6[%dma_start3A_1021, %dma_start3A_1022, %dma_start3A_1023] : memref<2x8x1024xf32, #tpu.memory_space<vmem>> -> memref<1x8x1024xf32, #tpu.memory_space<vmem>>
        %dma_start3A_1025 = tpu.memref_squeeze %dma_start3A_1024 : memref<1x8x1024xf32, #tpu.memory_space<vmem>> -> memref<8x1024xf32, #tpu.memory_space<vmem>>
        %dma_start3A_1026 = arith.constant 0 : i32
        %dma_start3A_1027 = tpu.memref_slice %arg4[%multiple_of3A_1020, %dma_start3A_1026] : memref<4096x1024xf32, #tpu.memory_space<hbm>> -> memref<8x1024xf32, #tpu.memory_space<hbm>>
        %dma_start3A_1028 = arith.constant 0 : i32
        %dma_start3A_1029 = arith.constant 0 : i32
        %dma_start3A_1030 = tpu.memref_slice %arg6[%dma_start3A_1021, %dma_start3A_1028, %dma_start3A_1029] : memref<2x8x1024xf32, #tpu.memory_space<vmem>> -> memref<1x8x1024xf32, #tpu.memory_space<vmem>>
        %dma_start3A_1031 = tpu.memref_squeeze %dma_start3A_1030 : memref<1x8x1024xf32, #tpu.memory_space<vmem>> -> memref<8x1024xf32, #tpu.memory_space<vmem>>
        %dma_start3A_1032 = arith.constant 0 : i32
        %dma_start3A_1033 = tpu.memref_slice %arg4[%multiple_of3A_1020, %dma_start3A_1032] : memref<4096x1024xf32, #tpu.memory_space<hbm>> -> memref<8x1024xf32, #tpu.memory_space<hbm>>
        tpu.enqueue_dma source(%dma_start3A_1033 : memref<8x1024xf32, #tpu.memory_space<hbm>>) target(%dma_start3A_1031 : memref<8x1024xf32, #tpu.memory_space<vmem>>) target_semaphore(%arg22 : memref<!tpu.dma_semaphore, #tpu.memory_space<semaphore_mem>>)
      } else {
      }
      %div3A_715 = arith.constant 4 : i32
      %div3A_716 = arith.divsi %add3A_664, %div3A_715 : i32
      %rem3A_717 = arith.constant 4 : i32
      %rem3A_718 = arith.remsi %add3A_664, %rem3A_717 : i32
      %mul3A_719 = arith.constant 8 : i32
      %mul3A_720 = arith.muli %div3A_716, %mul3A_719 : i32
      %dma_wait3A_721 = arith.constant 4 : i32
      %dma_wait3A_722 = arith.constant 0 : i32
      %dma_wait3A_723 = arith.constant 0 : i32
      %dma_wait3A_724 = tpu.memref_slice %arg7[%dma_wait3A_721, %dma_wait3A_722, %dma_wait3A_723] : memref<8x8x1024xf32, #tpu.memory_space<vmem>> -> memref<1x8x1024xf32, #tpu.memory_space<vmem>>
      %dma_wait3A_725 = tpu.memref_squeeze %dma_wait3A_724 : memref<1x8x1024xf32, #tpu.memory_space<vmem>> -> memref<8x1024xf32, #tpu.memory_space<vmem>>
      %dma_wait3A_726 = tpu.memref_slice %arg9[%rem3A_718, %mul3A_720] : memref<4x64xi32, #tpu.memory_space<vmem>> -> memref<1x8xi32, #tpu.memory_space<vmem>>
      %dma_wait3A_727 = tpu.memref_squeeze %dma_wait3A_726 : memref<1x8xi32, #tpu.memory_space<vmem>> -> memref<8xi32, #tpu.memory_space<vmem>>
      %dma_wait3A_728 = arith.constant 0 : i32
      %dma_wait3A_729 = arith.constant 0 : i32
      %dma_wait3A_730 = tpu.memref_slice %arg3[%dma_wait3A_728, %dma_wait3A_729] : memref<100000x1024xf32, #tpu.memory_space<hbm>> -> memref<100000x1024xf32, #tpu.memory_space<hbm>>
      tpu.wait_indirect_dma semaphore(%arg14 : memref<!tpu.dma_semaphore, #tpu.memory_space<semaphore_mem>>) src(%dma_wait3A_730 : memref<100000x1024xf32, #tpu.memory_space<hbm>>) dst(%dma_wait3A_725 : memref<8x1024xf32, #tpu.memory_space<vmem>>)
      %scan3A_731 = arith.constant 4 : i32
      %scan3A_732 = arith.constant 1 : i32
      %scan3A_733 = arith.constant 0 : i32
      %scan3A_734 = arith.constant 0 : i32
      %scan3A_735 = arith.constant 0 : i32
      %scan3A_736 = arith.constant 8 : i32
      %scan3A_737 = arith.addi %scan3A_735, %scan3A_736 : i32
      %scan3A_738 = arith.constant 1 : i32
      %scan3A_739 = scf.for %scan3A_1015 = %scan3A_735 to %scan3A_737 step %scan3A_738 iter_args(%scan3A_1016 = %scan3A_734) -> (i32)  : i32 {
        %parallel_loop3A = arith.constant 0 : i32
        %parallel_loop3A_1017 = arith.constant 1024 : i32
        %parallel_loop3A_1018 = arith.constant 16 : i32
        scf.for %parallel_loop3A_1020 = %parallel_loop3A to %parallel_loop3A_1017 step %parallel_loop3A_1018  : i32 {
          %parallel_loop3A_1021 = arith.constant 0 : i32
          %parallel_loop3A_1022 = arith.constant 0 : i32
          %parallel_loop3A_1023 = tpu.memref_slice %arg7[%scan3A_731, %parallel_loop3A_1021, %parallel_loop3A_1022] : memref<8x8x1024xf32, #tpu.memory_space<vmem>> -> memref<1x8x1024xf32, #tpu.memory_space<vmem>>
          %parallel_loop3A_1024 = tpu.memref_squeeze %parallel_loop3A_1023 : memref<1x8x1024xf32, #tpu.memory_space<vmem>> -> memref<8x1024xf32, #tpu.memory_space<vmem>>
          %parallel_loop3A_1025 = arith.index_cast %scan3A_1015 : i32 to index
          %parallel_loop3A_1026 = arith.index_cast %parallel_loop3A_1020 : i32 to index
          %parallel_loop3A_1027 = tpu.vector_load %parallel_loop3A_1024[%parallel_loop3A_1025, %parallel_loop3A_1026] {strides = array<i32>} : memref<8x1024xf32, #tpu.memory_space<vmem>>, vector<1x16xf32>,
          %parallel_loop3A_1028 = vector.shape_cast %parallel_loop3A_1027 : vector<1x16xf32> to vector<16xf32>
          %parallel_loop3A_1029 = arith.constant 3.200000e+01 : f32
          %parallel_loop3A_1030 = vector.broadcast %parallel_loop3A_1029 : f32 to vector<16xf32>
          %parallel_loop3A_1031 = arith.mulf %parallel_loop3A_1028, %parallel_loop3A_1030 : vector<16xf32>
          %parallel_loop3A_1032 = arith.constant 0 : i32
          %parallel_loop3A_1033 = arith.constant 0 : i32
          %parallel_loop3A_1034 = tpu.memref_slice %arg6[%scan3A_732, %parallel_loop3A_1032, %parallel_loop3A_1033] : memref<2x8x1024xf32, #tpu.memory_space<vmem>> -> memref<1x8x1024xf32, #tpu.memory_space<vmem>>
          %parallel_loop3A_1035 = tpu.memref_squeeze %parallel_loop3A_1034 : memref<1x8x1024xf32, #tpu.memory_space<vmem>> -> memref<8x1024xf32, #tpu.memory_space<vmem>>
          %parallel_loop3A_1036 = arith.index_cast %scan3A_1015 : i32 to index
          %parallel_loop3A_1037 = arith.index_cast %parallel_loop3A_1020 : i32 to index
          %parallel_loop3A_1038 = tpu.vector_load %parallel_loop3A_1035[%parallel_loop3A_1036, %parallel_loop3A_1037] {strides = array<i32>} : memref<8x1024xf32, #tpu.memory_space<vmem>>, vector<1x16xf32>,
          %parallel_loop3A_1039 = vector.shape_cast %parallel_loop3A_1038 : vector<1x16xf32> to vector<16xf32>
          %parallel_loop3A_1040 = arith.addf %parallel_loop3A_1031, %parallel_loop3A_1039 : vector<16xf32>
          %parallel_loop3A_1041 = arith.constant 0 : i32
          %parallel_loop3A_1042 = arith.constant 0 : i32
          %parallel_loop3A_1043 = tpu.memref_slice %arg8[%scan3A_733, %parallel_loop3A_1041, %parallel_loop3A_1042] : memref<4x8x1024xf32, #tpu.memory_space<vmem>> -> memref<1x8x1024xf32, #tpu.memory_space<vmem>>
          %parallel_loop3A_1044 = tpu.memref_squeeze %parallel_loop3A_1043 : memref<1x8x1024xf32, #tpu.memory_space<vmem>> -> memref<8x1024xf32, #tpu.memory_space<vmem>>
          %parallel_loop3A_1045 = arith.index_cast %scan3A_1015 : i32 to index
          %parallel_loop3A_1046 = arith.index_cast %parallel_loop3A_1020 : i32 to index
          %parallel_loop3A_1047 = tpu.vector_load %parallel_loop3A_1044[%parallel_loop3A_1045, %parallel_loop3A_1046] {strides = array<i32>} : memref<8x1024xf32, #tpu.memory_space<vmem>>, vector<1x16xf32>,
          %parallel_loop3A_1048 = vector.shape_cast %parallel_loop3A_1047 : vector<1x16xf32> to vector<16xf32>
          %parallel_loop3A_1049 = vector.shape_cast %parallel_loop3A_1040 : vector<16xf32> to vector<1x16xf32>
          tpu.vector_store %parallel_loop3A_1044[%parallel_loop3A_1045, %parallel_loop3A_1046], %parallel_loop3A_1049 {strides = array<i32>} : memref<8x1024xf32, #tpu.memory_space<vmem>>, vector<1x16xf32>,
        } {sc.loop_unroll_factor = 4 : i64, sc.parallel_access}
        %scan3A_1019 = arith.constant 0 : i32
        scf.yield %scan3A_1019 : i32
      }
      %scan3A_740 = arith.constant 8 : i32
      %div3A_741 = arith.constant 4 : i32
      %div3A_742 = arith.divsi %add3A_664, %div3A_741 : i32
      %rem3A_743 = arith.constant 4 : i32
      %rem3A_744 = arith.remsi %add3A_664, %rem3A_743 : i32
      %mul3A_745 = arith.constant 2048 : i32
      %mul3A_746 = arith.muli %rem3A_744, %mul3A_745 : i32
      %add3A_747 = arith.addi %mul3A_746, %mul3A_2 : i32
      %mul3A_748 = arith.constant 8 : i32
      %mul3A_749 = arith.muli %div3A_742, %mul3A_748 : i32
      %add3A_750 = arith.addi %add3A_747, %mul3A_749 : i32
      %multiple_of3A_751 = tpu.assume_multiple %add3A_750, 8 : i32
      %dma_start3A_752 = arith.constant 0 : i32
      %dma_start3A_753 = arith.constant 0 : i32
      %dma_start3A_754 = arith.constant 0 : i32
      %dma_start3A_755 = tpu.memref_slice %arg8[%dma_start3A_752, %dma_start3A_753, %dma_start3A_754] : memref<4x8x1024xf32, #tpu.memory_space<vmem>> -> memref<1x8x1024xf32, #tpu.memory_space<vmem>>
      %dma_start3A_756 = tpu.memref_squeeze %dma_start3A_755 : memref<1x8x1024xf32, #tpu.memory_space<vmem>> -> memref<8x1024xf32, #tpu.memory_space<vmem>>
      %dma_start3A_757 = arith.constant 0 : i32
      %dma_start3A_758 = tpu.memref_slice %arg5[%multiple_of3A_751, %dma_start3A_757] : memref<8192x1024xf32, #tpu.memory_space<hbm>> -> memref<8x1024xf32, #tpu.memory_space<hbm>>
      %dma_start3A_759 = arith.constant 0 : i32
      %dma_start3A_760 = tpu.memref_slice %arg5[%multiple_of3A_751, %dma_start3A_759] : memref<8192x1024xf32, #tpu.memory_space<hbm>> -> memref<8x1024xf32, #tpu.memory_space<hbm>>
      %dma_start3A_761 = arith.constant 0 : i32
      %dma_start3A_762 = arith.constant 0 : i32
      %dma_start3A_763 = tpu.memref_slice %arg8[%dma_start3A_752, %dma_start3A_761, %dma_start3A_762] : memref<4x8x1024xf32, #tpu.memory_space<vmem>> -> memref<1x8x1024xf32, #tpu.memory_space<vmem>>
      %dma_start3A_764 = tpu.memref_squeeze %dma_start3A_763 : memref<1x8x1024xf32, #tpu.memory_space<vmem>> -> memref<8x1024xf32, #tpu.memory_space<vmem>>
      tpu.enqueue_dma source(%dma_start3A_764 : memref<8x1024xf32, #tpu.memory_space<vmem>>) target(%dma_start3A_760 : memref<8x1024xf32, #tpu.memory_space<hbm>>) target_semaphore(%arg18 : memref<!tpu.dma_semaphore, #tpu.memory_space<semaphore_mem>>)
      %add3A_765 = arith.constant 1 : i32
      %add3A_766 = arith.addi %mul3A_662, %add3A_765 : i32
      %lt3A_767 = arith.constant 3 : i32
      %lt3A_768 = arith.cmpi slt, %scan3A_358, %lt3A_767 : i32
      %convert_element_type3A_769 = arith.extui %lt3A_768 : i1 to i32
      %cond3A_770 = arith.constant 0 : i32
      %cond3A_771 = arith.cmpi ne, %convert_element_type3A_769, %cond3A_770 : i32
      scf.if %cond3A_771 {
        %add3A_1015 = arith.constant 7 : i32
        %add3A_1016 = arith.addi %add3A_766, %add3A_1015 : i32
        %div3A_1017 = arith.constant 4 : i32
        %div3A_1018 = arith.divsi %add3A_1016, %div3A_1017 : i32
        %rem3A_1019 = arith.constant 4 : i32
        %rem3A_1020 = arith.remsi %add3A_1016, %rem3A_1019 : i32
        %mul3A_1021 = arith.constant 8 : i32
        %mul3A_1022 = arith.muli %div3A_1018, %mul3A_1021 : i32
        %dma_start3A_1023 = arith.constant 4 : i32
        %dma_start3A_1024 = arith.constant 0 : i32
        %dma_start3A_1025 = arith.constant 0 : i32
        %dma_start3A_1026 = tpu.memref_slice %arg7[%dma_start3A_1023, %dma_start3A_1024, %dma_start3A_1025] : memref<8x8x1024xf32, #tpu.memory_space<vmem>> -> memref<1x8x1024xf32, #tpu.memory_space<vmem>>
        %dma_start3A_1027 = tpu.memref_squeeze %dma_start3A_1026 : memref<1x8x1024xf32, #tpu.memory_space<vmem>> -> memref<8x1024xf32, #tpu.memory_space<vmem>>
        %dma_start3A_1028 = tpu.memref_slice %arg9[%rem3A_1020, %mul3A_1022] : memref<4x64xi32, #tpu.memory_space<vmem>> -> memref<1x8xi32, #tpu.memory_space<vmem>>
        %dma_start3A_1029 = tpu.memref_squeeze %dma_start3A_1028 : memref<1x8xi32, #tpu.memory_space<vmem>> -> memref<8xi32, #tpu.memory_space<vmem>>
        %dma_start3A_1030 = arith.constant 0 : i32
        %dma_start3A_1031 = arith.constant 0 : i32
        %dma_start3A_1032 = tpu.memref_slice %arg3[%dma_start3A_1030, %dma_start3A_1031] : memref<100000x1024xf32, #tpu.memory_space<hbm>> -> memref<100000x1024xf32, #tpu.memory_space<hbm>>
        tpu.enqueue_indirect_dma source(%dma_start3A_1032 : memref<100000x1024xf32, #tpu.memory_space<hbm>>) target(%dma_start3A_1027 : memref<8x1024xf32, #tpu.memory_space<vmem>>) offsets(%dma_start3A_1029 : memref<8xi32, #tpu.memory_space<vmem>>) semaphore(%arg14 : memref<!tpu.dma_semaphore, #tpu.memory_space<semaphore_mem>>)
      } else {
      }
      %sub3A_772 = arith.constant 4 : i32
      %sub3A_773 = arith.subi %add3A_766, %sub3A_772 : i32
      %div3A_774 = arith.constant 4 : i32
      %div3A_775 = arith.divsi %sub3A_773, %div3A_774 : i32
      %rem3A_776 = arith.constant 4 : i32
      %rem3A_777 = arith.remsi %sub3A_773, %rem3A_776 : i32
      %mul3A_778 = arith.constant 2048 : i32
      %mul3A_779 = arith.muli %rem3A_777, %mul3A_778 : i32
      %add3A_780 = arith.addi %mul3A_779, %mul3A_2 : i32
      %mul3A_781 = arith.constant 8 : i32
      %mul3A_782 = arith.muli %div3A_775, %mul3A_781 : i32
      %add3A_783 = arith.addi %add3A_780, %mul3A_782 : i32
      %multiple_of3A_784 = tpu.assume_multiple %add3A_783, 8 : i32
      %dma_wait3A_785 = arith.constant 1 : i32
      %dma_wait3A_786 = arith.constant 0 : i32
      %dma_wait3A_787 = arith.constant 0 : i32
      %dma_wait3A_788 = tpu.memref_slice %arg8[%dma_wait3A_785, %dma_wait3A_786, %dma_wait3A_787] : memref<4x8x1024xf32, #tpu.memory_space<vmem>> -> memref<1x8x1024xf32, #tpu.memory_space<vmem>>
      %dma_wait3A_789 = tpu.memref_squeeze %dma_wait3A_788 : memref<1x8x1024xf32, #tpu.memory_space<vmem>> -> memref<8x1024xf32, #tpu.memory_space<vmem>>
      %dma_wait3A_790 = arith.constant 0 : i32
      %dma_wait3A_791 = tpu.memref_slice %arg5[%multiple_of3A_784, %dma_wait3A_790] : memref<8192x1024xf32, #tpu.memory_space<hbm>> -> memref<8x1024xf32, #tpu.memory_space<hbm>>
      %dma_wait3A_792 = arith.constant 0 : i32
      %dma_wait3A_793 = tpu.memref_slice %arg5[%multiple_of3A_784, %dma_wait3A_792] : memref<8192x1024xf32, #tpu.memory_space<hbm>> -> memref<8x1024xf32, #tpu.memory_space<hbm>>
      %dma_wait3A_794 = arith.constant 0 : i32
      %dma_wait3A_795 = arith.constant 0 : i32
      %dma_wait3A_796 = tpu.memref_slice %arg8[%dma_wait3A_785, %dma_wait3A_794, %dma_wait3A_795] : memref<4x8x1024xf32, #tpu.memory_space<vmem>> -> memref<1x8x1024xf32, #tpu.memory_space<vmem>>
      %dma_wait3A_797 = tpu.memref_squeeze %dma_wait3A_796 : memref<1x8x1024xf32, #tpu.memory_space<vmem>> -> memref<8x1024xf32, #tpu.memory_space<vmem>>
      tpu.wait_dma2 semaphore(%arg19 : memref<!tpu.dma_semaphore, #tpu.memory_space<semaphore_mem>>) src(%dma_wait3A_797 : memref<8x1024xf32, #tpu.memory_space<vmem>>) dst(%dma_wait3A_793 : memref<8x1024xf32, #tpu.memory_space<hbm>>)
      %div3A_798 = arith.constant 4 : i32
      %div3A_799 = arith.divsi %add3A_766, %div3A_798 : i32
      %rem3A_800 = arith.constant 4 : i32
      %rem3A_801 = arith.remsi %add3A_766, %rem3A_800 : i32
      %mul3A_802 = arith.constant 8 : i32
      %mul3A_803 = arith.muli %div3A_799, %mul3A_802 : i32
      %dma_wait3A_804 = arith.constant 5 : i32
      %dma_wait3A_805 = arith.constant 0 : i32
      %dma_wait3A_806 = arith.constant 0 : i32
      %dma_wait3A_807 = tpu.memref_slice %arg7[%dma_wait3A_804, %dma_wait3A_805, %dma_wait3A_806] : memref<8x8x1024xf32, #tpu.memory_space<vmem>> -> memref<1x8x1024xf32, #tpu.memory_space<vmem>>
      %dma_wait3A_808 = tpu.memref_squeeze %dma_wait3A_807 : memref<1x8x1024xf32, #tpu.memory_space<vmem>> -> memref<8x1024xf32, #tpu.memory_space<vmem>>
      %dma_wait3A_809 = tpu.memref_slice %arg9[%rem3A_801, %mul3A_803] : memref<4x64xi32, #tpu.memory_space<vmem>> -> memref<1x8xi32, #tpu.memory_space<vmem>>
      %dma_wait3A_810 = tpu.memref_squeeze %dma_wait3A_809 : memref<1x8xi32, #tpu.memory_space<vmem>> -> memref<8xi32, #tpu.memory_space<vmem>>
      %dma_wait3A_811 = arith.constant 0 : i32
      %dma_wait3A_812 = arith.constant 0 : i32
      %dma_wait3A_813 = tpu.memref_slice %arg3[%dma_wait3A_811, %dma_wait3A_812] : memref<100000x1024xf32, #tpu.memory_space<hbm>> -> memref<100000x1024xf32, #tpu.memory_space<hbm>>
      tpu.wait_indirect_dma semaphore(%arg15 : memref<!tpu.dma_semaphore, #tpu.memory_space<semaphore_mem>>) src(%dma_wait3A_813 : memref<100000x1024xf32, #tpu.memory_space<hbm>>) dst(%dma_wait3A_808 : memref<8x1024xf32, #tpu.memory_space<vmem>>)
      %scan3A_814 = arith.constant 5 : i32
      %scan3A_815 = arith.constant 1 : i32
      %scan3A_816 = arith.constant 1 : i32
      %scan3A_817 = arith.constant 0 : i32
      %scan3A_818 = arith.constant 0 : i32
      %scan3A_819 = arith.constant 8 : i32
      %scan3A_820 = arith.addi %scan3A_818, %scan3A_819 : i32
      %scan3A_821 = arith.constant 1 : i32
      %scan3A_822 = scf.for %scan3A_1015 = %scan3A_818 to %scan3A_820 step %scan3A_821 iter_args(%scan3A_1016 = %scan3A_817) -> (i32)  : i32 {
        %parallel_loop3A = arith.constant 0 : i32
        %parallel_loop3A_1017 = arith.constant 1024 : i32
        %parallel_loop3A_1018 = arith.constant 16 : i32
        scf.for %parallel_loop3A_1020 = %parallel_loop3A to %parallel_loop3A_1017 step %parallel_loop3A_1018  : i32 {
          %parallel_loop3A_1021 = arith.constant 0 : i32
          %parallel_loop3A_1022 = arith.constant 0 : i32
          %parallel_loop3A_1023 = tpu.memref_slice %arg7[%scan3A_814, %parallel_loop3A_1021, %parallel_loop3A_1022] : memref<8x8x1024xf32, #tpu.memory_space<vmem>> -> memref<1x8x1024xf32, #tpu.memory_space<vmem>>
          %parallel_loop3A_1024 = tpu.memref_squeeze %parallel_loop3A_1023 : memref<1x8x1024xf32, #tpu.memory_space<vmem>> -> memref<8x1024xf32, #tpu.memory_space<vmem>>
          %parallel_loop3A_1025 = arith.index_cast %scan3A_1015 : i32 to index
          %parallel_loop3A_1026 = arith.index_cast %parallel_loop3A_1020 : i32 to index
          %parallel_loop3A_1027 = tpu.vector_load %parallel_loop3A_1024[%parallel_loop3A_1025, %parallel_loop3A_1026] {strides = array<i32>} : memref<8x1024xf32, #tpu.memory_space<vmem>>, vector<1x16xf32>,
          %parallel_loop3A_1028 = vector.shape_cast %parallel_loop3A_1027 : vector<1x16xf32> to vector<16xf32>
          %parallel_loop3A_1029 = arith.constant 3.200000e+01 : f32
          %parallel_loop3A_1030 = vector.broadcast %parallel_loop3A_1029 : f32 to vector<16xf32>
          %parallel_loop3A_1031 = arith.mulf %parallel_loop3A_1028, %parallel_loop3A_1030 : vector<16xf32>
          %parallel_loop3A_1032 = arith.constant 0 : i32
          %parallel_loop3A_1033 = arith.constant 0 : i32
          %parallel_loop3A_1034 = tpu.memref_slice %arg6[%scan3A_815, %parallel_loop3A_1032, %parallel_loop3A_1033] : memref<2x8x1024xf32, #tpu.memory_space<vmem>> -> memref<1x8x1024xf32, #tpu.memory_space<vmem>>
          %parallel_loop3A_1035 = tpu.memref_squeeze %parallel_loop3A_1034 : memref<1x8x1024xf32, #tpu.memory_space<vmem>> -> memref<8x1024xf32, #tpu.memory_space<vmem>>
          %parallel_loop3A_1036 = arith.index_cast %scan3A_1015 : i32 to index
          %parallel_loop3A_1037 = arith.index_cast %parallel_loop3A_1020 : i32 to index
          %parallel_loop3A_1038 = tpu.vector_load %parallel_loop3A_1035[%parallel_loop3A_1036, %parallel_loop3A_1037] {strides = array<i32>} : memref<8x1024xf32, #tpu.memory_space<vmem>>, vector<1x16xf32>,
          %parallel_loop3A_1039 = vector.shape_cast %parallel_loop3A_1038 : vector<1x16xf32> to vector<16xf32>
          %parallel_loop3A_1040 = arith.addf %parallel_loop3A_1031, %parallel_loop3A_1039 : vector<16xf32>
          %parallel_loop3A_1041 = arith.constant 0 : i32
          %parallel_loop3A_1042 = arith.constant 0 : i32
          %parallel_loop3A_1043 = tpu.memref_slice %arg8[%scan3A_816, %parallel_loop3A_1041, %parallel_loop3A_1042] : memref<4x8x1024xf32, #tpu.memory_space<vmem>> -> memref<1x8x1024xf32, #tpu.memory_space<vmem>>
          %parallel_loop3A_1044 = tpu.memref_squeeze %parallel_loop3A_1043 : memref<1x8x1024xf32, #tpu.memory_space<vmem>> -> memref<8x1024xf32, #tpu.memory_space<vmem>>
          %parallel_loop3A_1045 = arith.index_cast %scan3A_1015 : i32 to index
          %parallel_loop3A_1046 = arith.index_cast %parallel_loop3A_1020 : i32 to index
          %parallel_loop3A_1047 = tpu.vector_load %parallel_loop3A_1044[%parallel_loop3A_1045, %parallel_loop3A_1046] {strides = array<i32>} : memref<8x1024xf32, #tpu.memory_space<vmem>>, vector<1x16xf32>,
          %parallel_loop3A_1048 = vector.shape_cast %parallel_loop3A_1047 : vector<1x16xf32> to vector<16xf32>
          %parallel_loop3A_1049 = vector.shape_cast %parallel_loop3A_1040 : vector<16xf32> to vector<1x16xf32>
          tpu.vector_store %parallel_loop3A_1044[%parallel_loop3A_1045, %parallel_loop3A_1046], %parallel_loop3A_1049 {strides = array<i32>} : memref<8x1024xf32, #tpu.memory_space<vmem>>, vector<1x16xf32>,
        } {sc.loop_unroll_factor = 4 : i64, sc.parallel_access}
        %scan3A_1019 = arith.constant 0 : i32
        scf.yield %scan3A_1019 : i32
      }
      %scan3A_823 = arith.constant 8 : i32
      %div3A_824 = arith.constant 4 : i32
      %div3A_825 = arith.divsi %add3A_766, %div3A_824 : i32
      %rem3A_826 = arith.constant 4 : i32
      %rem3A_827 = arith.remsi %add3A_766, %rem3A_826 : i32
      %mul3A_828 = arith.constant 2048 : i32
      %mul3A_829 = arith.muli %rem3A_827, %mul3A_828 : i32
      %add3A_830 = arith.addi %mul3A_829, %mul3A_2 : i32
      %mul3A_831 = arith.constant 8 : i32
      %mul3A_832 = arith.muli %div3A_825, %mul3A_831 : i32
      %add3A_833 = arith.addi %add3A_830, %mul3A_832 : i32
      %multiple_of3A_834 = tpu.assume_multiple %add3A_833, 8 : i32
      %dma_start3A_835 = arith.constant 1 : i32
      %dma_start3A_836 = arith.constant 0 : i32
      %dma_start3A_837 = arith.constant 0 : i32
      %dma_start3A_838 = tpu.memref_slice %arg8[%dma_start3A_835, %dma_start3A_836, %dma_start3A_837] : memref<4x8x1024xf32, #tpu.memory_space<vmem>> -> memref<1x8x1024xf32, #tpu.memory_space<vmem>>
      %dma_start3A_839 = tpu.memref_squeeze %dma_start3A_838 : memref<1x8x1024xf32, #tpu.memory_space<vmem>> -> memref<8x1024xf32, #tpu.memory_space<vmem>>
      %dma_start3A_840 = arith.constant 0 : i32
      %dma_start3A_841 = tpu.memref_slice %arg5[%multiple_of3A_834, %dma_start3A_840] : memref<8192x1024xf32, #tpu.memory_space<hbm>> -> memref<8x1024xf32, #tpu.memory_space<hbm>>
      %dma_start3A_842 = arith.constant 0 : i32
      %dma_start3A_843 = tpu.memref_slice %arg5[%multiple_of3A_834, %dma_start3A_842] : memref<8192x1024xf32, #tpu.memory_space<hbm>> -> memref<8x1024xf32, #tpu.memory_space<hbm>>
      %dma_start3A_844 = arith.constant 0 : i32
      %dma_start3A_845 = arith.constant 0 : i32
      %dma_start3A_846 = tpu.memref_slice %arg8[%dma_start3A_835, %dma_start3A_844, %dma_start3A_845] : memref<4x8x1024xf32, #tpu.memory_space<vmem>> -> memref<1x8x1024xf32, #tpu.memory_space<vmem>>
      %dma_start3A_847 = tpu.memref_squeeze %dma_start3A_846 : memref<1x8x1024xf32, #tpu.memory_space<vmem>> -> memref<8x1024xf32, #tpu.memory_space<vmem>>
      tpu.enqueue_dma source(%dma_start3A_847 : memref<8x1024xf32, #tpu.memory_space<vmem>>) target(%dma_start3A_843 : memref<8x1024xf32, #tpu.memory_space<hbm>>) target_semaphore(%arg19 : memref<!tpu.dma_semaphore, #tpu.memory_space<semaphore_mem>>)
      %add3A_848 = arith.constant 2 : i32
      %add3A_849 = arith.addi %mul3A_662, %add3A_848 : i32
      %lt3A_850 = arith.constant 3 : i32
      %lt3A_851 = arith.cmpi slt, %scan3A_358, %lt3A_850 : i32
      %convert_element_type3A_852 = arith.extui %lt3A_851 : i1 to i32
      %cond3A_853 = arith.constant 0 : i32
      %cond3A_854 = arith.cmpi ne, %convert_element_type3A_852, %cond3A_853 : i32
      scf.if %cond3A_854 {
        %add3A_1015 = arith.constant 7 : i32
        %add3A_1016 = arith.addi %add3A_849, %add3A_1015 : i32
        %div3A_1017 = arith.constant 4 : i32
        %div3A_1018 = arith.divsi %add3A_1016, %div3A_1017 : i32
        %rem3A_1019 = arith.constant 4 : i32
        %rem3A_1020 = arith.remsi %add3A_1016, %rem3A_1019 : i32
        %mul3A_1021 = arith.constant 8 : i32
        %mul3A_1022 = arith.muli %div3A_1018, %mul3A_1021 : i32
        %dma_start3A_1023 = arith.constant 5 : i32
        %dma_start3A_1024 = arith.constant 0 : i32
        %dma_start3A_1025 = arith.constant 0 : i32
        %dma_start3A_1026 = tpu.memref_slice %arg7[%dma_start3A_1023, %dma_start3A_1024, %dma_start3A_1025] : memref<8x8x1024xf32, #tpu.memory_space<vmem>> -> memref<1x8x1024xf32, #tpu.memory_space<vmem>>
        %dma_start3A_1027 = tpu.memref_squeeze %dma_start3A_1026 : memref<1x8x1024xf32, #tpu.memory_space<vmem>> -> memref<8x1024xf32, #tpu.memory_space<vmem>>
        %dma_start3A_1028 = tpu.memref_slice %arg9[%rem3A_1020, %mul3A_1022] : memref<4x64xi32, #tpu.memory_space<vmem>> -> memref<1x8xi32, #tpu.memory_space<vmem>>
        %dma_start3A_1029 = tpu.memref_squeeze %dma_start3A_1028 : memref<1x8xi32, #tpu.memory_space<vmem>> -> memref<8xi32, #tpu.memory_space<vmem>>
        %dma_start3A_1030 = arith.constant 0 : i32
        %dma_start3A_1031 = arith.constant 0 : i32
        %dma_start3A_1032 = tpu.memref_slice %arg3[%dma_start3A_1030, %dma_start3A_1031] : memref<100000x1024xf32, #tpu.memory_space<hbm>> -> memref<100000x1024xf32, #tpu.memory_space<hbm>>
        tpu.enqueue_indirect_dma source(%dma_start3A_1032 : memref<100000x1024xf32, #tpu.memory_space<hbm>>) target(%dma_start3A_1027 : memref<8x1024xf32, #tpu.memory_space<vmem>>) offsets(%dma_start3A_1029 : memref<8xi32, #tpu.memory_space<vmem>>) semaphore(%arg15 : memref<!tpu.dma_semaphore, #tpu.memory_space<semaphore_mem>>)
      } else {
      }
      %sub3A_855 = arith.constant 4 : i32
      %sub3A_856 = arith.subi %add3A_849, %sub3A_855 : i32
      %div3A_857 = arith.constant 4 : i32
      %div3A_858 = arith.divsi %sub3A_856, %div3A_857 : i32
      %rem3A_859 = arith.constant 4 : i32
      %rem3A_860 = arith.remsi %sub3A_856, %rem3A_859 : i32
      %mul3A_861 = arith.constant 2048 : i32
      %mul3A_862 = arith.muli %rem3A_860, %mul3A_861 : i32
      %add3A_863 = arith.addi %mul3A_862, %mul3A_2 : i32
      %mul3A_864 = arith.constant 8 : i32
      %mul3A_865 = arith.muli %div3A_858, %mul3A_864 : i32
      %add3A_866 = arith.addi %add3A_863, %mul3A_865 : i32
      %multiple_of3A_867 = tpu.assume_multiple %add3A_866, 8 : i32
      %dma_wait3A_868 = arith.constant 2 : i32
      %dma_wait3A_869 = arith.constant 0 : i32
      %dma_wait3A_870 = arith.constant 0 : i32
      %dma_wait3A_871 = tpu.memref_slice %arg8[%dma_wait3A_868, %dma_wait3A_869, %dma_wait3A_870] : memref<4x8x1024xf32, #tpu.memory_space<vmem>> -> memref<1x8x1024xf32, #tpu.memory_space<vmem>>
      %dma_wait3A_872 = tpu.memref_squeeze %dma_wait3A_871 : memref<1x8x1024xf32, #tpu.memory_space<vmem>> -> memref<8x1024xf32, #tpu.memory_space<vmem>>
      %dma_wait3A_873 = arith.constant 0 : i32
      %dma_wait3A_874 = tpu.memref_slice %arg5[%multiple_of3A_867, %dma_wait3A_873] : memref<8192x1024xf32, #tpu.memory_space<hbm>> -> memref<8x1024xf32, #tpu.memory_space<hbm>>
      %dma_wait3A_875 = arith.constant 0 : i32
      %dma_wait3A_876 = tpu.memref_slice %arg5[%multiple_of3A_867, %dma_wait3A_875] : memref<8192x1024xf32, #tpu.memory_space<hbm>> -> memref<8x1024xf32, #tpu.memory_space<hbm>>
      %dma_wait3A_877 = arith.constant 0 : i32
      %dma_wait3A_878 = arith.constant 0 : i32
      %dma_wait3A_879 = tpu.memref_slice %arg8[%dma_wait3A_868, %dma_wait3A_877, %dma_wait3A_878] : memref<4x8x1024xf32, #tpu.memory_space<vmem>> -> memref<1x8x1024xf32, #tpu.memory_space<vmem>>
      %dma_wait3A_880 = tpu.memref_squeeze %dma_wait3A_879 : memref<1x8x1024xf32, #tpu.memory_space<vmem>> -> memref<8x1024xf32, #tpu.memory_space<vmem>>
      tpu.wait_dma2 semaphore(%arg20 : memref<!tpu.dma_semaphore, #tpu.memory_space<semaphore_mem>>) src(%dma_wait3A_880 : memref<8x1024xf32, #tpu.memory_space<vmem>>) dst(%dma_wait3A_876 : memref<8x1024xf32, #tpu.memory_space<hbm>>)
      %div3A_881 = arith.constant 4 : i32
      %div3A_882 = arith.divsi %add3A_849, %div3A_881 : i32
      %rem3A_883 = arith.constant 4 : i32
      %rem3A_884 = arith.remsi %add3A_849, %rem3A_883 : i32
      %mul3A_885 = arith.constant 8 : i32
      %mul3A_886 = arith.muli %div3A_882, %mul3A_885 : i32
      %dma_wait3A_887 = arith.constant 6 : i32
      %dma_wait3A_888 = arith.constant 0 : i32
      %dma_wait3A_889 = arith.constant 0 : i32
      %dma_wait3A_890 = tpu.memref_slice %arg7[%dma_wait3A_887, %dma_wait3A_888, %dma_wait3A_889] : memref<8x8x1024xf32, #tpu.memory_space<vmem>> -> memref<1x8x1024xf32, #tpu.memory_space<vmem>>
      %dma_wait3A_891 = tpu.memref_squeeze %dma_wait3A_890 : memref<1x8x1024xf32, #tpu.memory_space<vmem>> -> memref<8x1024xf32, #tpu.memory_space<vmem>>
      %dma_wait3A_892 = tpu.memref_slice %arg9[%rem3A_884, %mul3A_886] : memref<4x64xi32, #tpu.memory_space<vmem>> -> memref<1x8xi32, #tpu.memory_space<vmem>>
      %dma_wait3A_893 = tpu.memref_squeeze %dma_wait3A_892 : memref<1x8xi32, #tpu.memory_space<vmem>> -> memref<8xi32, #tpu.memory_space<vmem>>
      %dma_wait3A_894 = arith.constant 0 : i32
      %dma_wait3A_895 = arith.constant 0 : i32
      %dma_wait3A_896 = tpu.memref_slice %arg3[%dma_wait3A_894, %dma_wait3A_895] : memref<100000x1024xf32, #tpu.memory_space<hbm>> -> memref<100000x1024xf32, #tpu.memory_space<hbm>>
      tpu.wait_indirect_dma semaphore(%arg16 : memref<!tpu.dma_semaphore, #tpu.memory_space<semaphore_mem>>) src(%dma_wait3A_896 : memref<100000x1024xf32, #tpu.memory_space<hbm>>) dst(%dma_wait3A_891 : memref<8x1024xf32, #tpu.memory_space<vmem>>)
      %scan3A_897 = arith.constant 6 : i32
      %scan3A_898 = arith.constant 1 : i32
      %scan3A_899 = arith.constant 2 : i32
      %scan3A_900 = arith.constant 0 : i32
      %scan3A_901 = arith.constant 0 : i32
      %scan3A_902 = arith.constant 8 : i32
      %scan3A_903 = arith.addi %scan3A_901, %scan3A_902 : i32
      %scan3A_904 = arith.constant 1 : i32
      %scan3A_905 = scf.for %scan3A_1015 = %scan3A_901 to %scan3A_903 step %scan3A_904 iter_args(%scan3A_1016 = %scan3A_900) -> (i32)  : i32 {
        %parallel_loop3A = arith.constant 0 : i32
        %parallel_loop3A_1017 = arith.constant 1024 : i32
        %parallel_loop3A_1018 = arith.constant 16 : i32
        scf.for %parallel_loop3A_1020 = %parallel_loop3A to %parallel_loop3A_1017 step %parallel_loop3A_1018  : i32 {
          %parallel_loop3A_1021 = arith.constant 0 : i32
          %parallel_loop3A_1022 = arith.constant 0 : i32
          %parallel_loop3A_1023 = tpu.memref_slice %arg7[%scan3A_897, %parallel_loop3A_1021, %parallel_loop3A_1022] : memref<8x8x1024xf32, #tpu.memory_space<vmem>> -> memref<1x8x1024xf32, #tpu.memory_space<vmem>>
          %parallel_loop3A_1024 = tpu.memref_squeeze %parallel_loop3A_1023 : memref<1x8x1024xf32, #tpu.memory_space<vmem>> -> memref<8x1024xf32, #tpu.memory_space<vmem>>
          %parallel_loop3A_1025 = arith.index_cast %scan3A_1015 : i32 to index
          %parallel_loop3A_1026 = arith.index_cast %parallel_loop3A_1020 : i32 to index
          %parallel_loop3A_1027 = tpu.vector_load %parallel_loop3A_1024[%parallel_loop3A_1025, %parallel_loop3A_1026] {strides = array<i32>} : memref<8x1024xf32, #tpu.memory_space<vmem>>, vector<1x16xf32>,
          %parallel_loop3A_1028 = vector.shape_cast %parallel_loop3A_1027 : vector<1x16xf32> to vector<16xf32>
          %parallel_loop3A_1029 = arith.constant 3.200000e+01 : f32
          %parallel_loop3A_1030 = vector.broadcast %parallel_loop3A_1029 : f32 to vector<16xf32>
          %parallel_loop3A_1031 = arith.mulf %parallel_loop3A_1028, %parallel_loop3A_1030 : vector<16xf32>
          %parallel_loop3A_1032 = arith.constant 0 : i32
          %parallel_loop3A_1033 = arith.constant 0 : i32
          %parallel_loop3A_1034 = tpu.memref_slice %arg6[%scan3A_898, %parallel_loop3A_1032, %parallel_loop3A_1033] : memref<2x8x1024xf32, #tpu.memory_space<vmem>> -> memref<1x8x1024xf32, #tpu.memory_space<vmem>>
          %parallel_loop3A_1035 = tpu.memref_squeeze %parallel_loop3A_1034 : memref<1x8x1024xf32, #tpu.memory_space<vmem>> -> memref<8x1024xf32, #tpu.memory_space<vmem>>
          %parallel_loop3A_1036 = arith.index_cast %scan3A_1015 : i32 to index
          %parallel_loop3A_1037 = arith.index_cast %parallel_loop3A_1020 : i32 to index
          %parallel_loop3A_1038 = tpu.vector_load %parallel_loop3A_1035[%parallel_loop3A_1036, %parallel_loop3A_1037] {strides = array<i32>} : memref<8x1024xf32, #tpu.memory_space<vmem>>, vector<1x16xf32>,
          %parallel_loop3A_1039 = vector.shape_cast %parallel_loop3A_1038 : vector<1x16xf32> to vector<16xf32>
          %parallel_loop3A_1040 = arith.addf %parallel_loop3A_1031, %parallel_loop3A_1039 : vector<16xf32>
          %parallel_loop3A_1041 = arith.constant 0 : i32
          %parallel_loop3A_1042 = arith.constant 0 : i32
          %parallel_loop3A_1043 = tpu.memref_slice %arg8[%scan3A_899, %parallel_loop3A_1041, %parallel_loop3A_1042] : memref<4x8x1024xf32, #tpu.memory_space<vmem>> -> memref<1x8x1024xf32, #tpu.memory_space<vmem>>
          %parallel_loop3A_1044 = tpu.memref_squeeze %parallel_loop3A_1043 : memref<1x8x1024xf32, #tpu.memory_space<vmem>> -> memref<8x1024xf32, #tpu.memory_space<vmem>>
          %parallel_loop3A_1045 = arith.index_cast %scan3A_1015 : i32 to index
          %parallel_loop3A_1046 = arith.index_cast %parallel_loop3A_1020 : i32 to index
          %parallel_loop3A_1047 = tpu.vector_load %parallel_loop3A_1044[%parallel_loop3A_1045, %parallel_loop3A_1046] {strides = array<i32>} : memref<8x1024xf32, #tpu.memory_space<vmem>>, vector<1x16xf32>,
          %parallel_loop3A_1048 = vector.shape_cast %parallel_loop3A_1047 : vector<1x16xf32> to vector<16xf32>
          %parallel_loop3A_1049 = vector.shape_cast %parallel_loop3A_1040 : vector<16xf32> to vector<1x16xf32>
          tpu.vector_store %parallel_loop3A_1044[%parallel_loop3A_1045, %parallel_loop3A_1046], %parallel_loop3A_1049 {strides = array<i32>} : memref<8x1024xf32, #tpu.memory_space<vmem>>, vector<1x16xf32>,
        } {sc.loop_unroll_factor = 4 : i64, sc.parallel_access}
        %scan3A_1019 = arith.constant 0 : i32
        scf.yield %scan3A_1019 : i32
      }
      %scan3A_906 = arith.constant 8 : i32
      %div3A_907 = arith.constant 4 : i32
      %div3A_908 = arith.divsi %add3A_849, %div3A_907 : i32
      %rem3A_909 = arith.constant 4 : i32
      %rem3A_910 = arith.remsi %add3A_849, %rem3A_909 : i32
      %mul3A_911 = arith.constant 2048 : i32
      %mul3A_912 = arith.muli %rem3A_910, %mul3A_911 : i32
      %add3A_913 = arith.addi %mul3A_912, %mul3A_2 : i32
      %mul3A_914 = arith.constant 8 : i32
      %mul3A_915 = arith.muli %div3A_908, %mul3A_914 : i32
      %add3A_916 = arith.addi %add3A_913, %mul3A_915 : i32
      %multiple_of3A_917 = tpu.assume_multiple %add3A_916, 8 : i32
      %dma_start3A_918 = arith.constant 2 : i32
      %dma_start3A_919 = arith.constant 0 : i32
      %dma_start3A_920 = arith.constant 0 : i32
      %dma_start3A_921 = tpu.memref_slice %arg8[%dma_start3A_918, %dma_start3A_919, %dma_start3A_920] : memref<4x8x1024xf32, #tpu.memory_space<vmem>> -> memref<1x8x1024xf32, #tpu.memory_space<vmem>>
      %dma_start3A_922 = tpu.memref_squeeze %dma_start3A_921 : memref<1x8x1024xf32, #tpu.memory_space<vmem>> -> memref<8x1024xf32, #tpu.memory_space<vmem>>
      %dma_start3A_923 = arith.constant 0 : i32
      %dma_start3A_924 = tpu.memref_slice %arg5[%multiple_of3A_917, %dma_start3A_923] : memref<8192x1024xf32, #tpu.memory_space<hbm>> -> memref<8x1024xf32, #tpu.memory_space<hbm>>
      %dma_start3A_925 = arith.constant 0 : i32
      %dma_start3A_926 = tpu.memref_slice %arg5[%multiple_of3A_917, %dma_start3A_925] : memref<8192x1024xf32, #tpu.memory_space<hbm>> -> memref<8x1024xf32, #tpu.memory_space<hbm>>
      %dma_start3A_927 = arith.constant 0 : i32
      %dma_start3A_928 = arith.constant 0 : i32
      %dma_start3A_929 = tpu.memref_slice %arg8[%dma_start3A_918, %dma_start3A_927, %dma_start3A_928] : memref<4x8x1024xf32, #tpu.memory_space<vmem>> -> memref<1x8x1024xf32, #tpu.memory_space<vmem>>
      %dma_start3A_930 = tpu.memref_squeeze %dma_start3A_929 : memref<1x8x1024xf32, #tpu.memory_space<vmem>> -> memref<8x1024xf32, #tpu.memory_space<vmem>>
      tpu.enqueue_dma source(%dma_start3A_930 : memref<8x1024xf32, #tpu.memory_space<vmem>>) target(%dma_start3A_926 : memref<8x1024xf32, #tpu.memory_space<hbm>>) target_semaphore(%arg20 : memref<!tpu.dma_semaphore, #tpu.memory_space<semaphore_mem>>)
      %add3A_931 = arith.constant 3 : i32
      %add3A_932 = arith.addi %mul3A_662, %add3A_931 : i32
      %lt3A_933 = arith.constant 3 : i32
      %lt3A_934 = arith.cmpi slt, %scan3A_358, %lt3A_933 : i32
      %convert_element_type3A_935 = arith.extui %lt3A_934 : i1 to i32
      %cond3A_936 = arith.constant 0 : i32
      %cond3A_937 = arith.cmpi ne, %convert_element_type3A_935, %cond3A_936 : i32
      scf.if %cond3A_937 {
        %add3A_1015 = arith.constant 7 : i32
        %add3A_1016 = arith.addi %add3A_932, %add3A_1015 : i32
        %div3A_1017 = arith.constant 4 : i32
        %div3A_1018 = arith.divsi %add3A_1016, %div3A_1017 : i32
        %rem3A_1019 = arith.constant 4 : i32
        %rem3A_1020 = arith.remsi %add3A_1016, %rem3A_1019 : i32
        %mul3A_1021 = arith.constant 8 : i32
        %mul3A_1022 = arith.muli %div3A_1018, %mul3A_1021 : i32
        %dma_start3A_1023 = arith.constant 6 : i32
        %dma_start3A_1024 = arith.constant 0 : i32
        %dma_start3A_1025 = arith.constant 0 : i32
        %dma_start3A_1026 = tpu.memref_slice %arg7[%dma_start3A_1023, %dma_start3A_1024, %dma_start3A_1025] : memref<8x8x1024xf32, #tpu.memory_space<vmem>> -> memref<1x8x1024xf32, #tpu.memory_space<vmem>>
        %dma_start3A_1027 = tpu.memref_squeeze %dma_start3A_1026 : memref<1x8x1024xf32, #tpu.memory_space<vmem>> -> memref<8x1024xf32, #tpu.memory_space<vmem>>
        %dma_start3A_1028 = tpu.memref_slice %arg9[%rem3A_1020, %mul3A_1022] : memref<4x64xi32, #tpu.memory_space<vmem>> -> memref<1x8xi32, #tpu.memory_space<vmem>>
        %dma_start3A_1029 = tpu.memref_squeeze %dma_start3A_1028 : memref<1x8xi32, #tpu.memory_space<vmem>> -> memref<8xi32, #tpu.memory_space<vmem>>
        %dma_start3A_1030 = arith.constant 0 : i32
        %dma_start3A_1031 = arith.constant 0 : i32
        %dma_start3A_1032 = tpu.memref_slice %arg3[%dma_start3A_1030, %dma_start3A_1031] : memref<100000x1024xf32, #tpu.memory_space<hbm>> -> memref<100000x1024xf32, #tpu.memory_space<hbm>>
        tpu.enqueue_indirect_dma source(%dma_start3A_1032 : memref<100000x1024xf32, #tpu.memory_space<hbm>>) target(%dma_start3A_1027 : memref<8x1024xf32, #tpu.memory_space<vmem>>) offsets(%dma_start3A_1029 : memref<8xi32, #tpu.memory_space<vmem>>) semaphore(%arg16 : memref<!tpu.dma_semaphore, #tpu.memory_space<semaphore_mem>>)
      } else {
      }
      %sub3A_938 = arith.constant 4 : i32
      %sub3A_939 = arith.subi %add3A_932, %sub3A_938 : i32
      %div3A_940 = arith.constant 4 : i32
      %div3A_941 = arith.divsi %sub3A_939, %div3A_940 : i32
      %rem3A_942 = arith.constant 4 : i32
      %rem3A_943 = arith.remsi %sub3A_939, %rem3A_942 : i32
      %mul3A_944 = arith.constant 2048 : i32
      %mul3A_945 = arith.muli %rem3A_943, %mul3A_944 : i32
      %add3A_946 = arith.addi %mul3A_945, %mul3A_2 : i32
      %mul3A_947 = arith.constant 8 : i32
      %mul3A_948 = arith.muli %div3A_941, %mul3A_947 : i32
      %add3A_949 = arith.addi %add3A_946, %mul3A_948 : i32
      %multiple_of3A_950 = tpu.assume_multiple %add3A_949, 8 : i32
      %dma_wait3A_951 = arith.constant 3 : i32
      %dma_wait3A_952 = arith.constant 0 : i32
      %dma_wait3A_953 = arith.constant 0 : i32
      %dma_wait3A_954 = tpu.memref_slice %arg8[%dma_wait3A_951, %dma_wait3A_952, %dma_wait3A_953] : memref<4x8x1024xf32, #tpu.memory_space<vmem>> -> memref<1x8x1024xf32, #tpu.memory_space<vmem>>
      %dma_wait3A_955 = tpu.memref_squeeze %dma_wait3A_954 : memref<1x8x1024xf32, #tpu.memory_space<vmem>> -> memref<8x1024xf32, #tpu.memory_space<vmem>>
      %dma_wait3A_956 = arith.constant 0 : i32
      %dma_wait3A_957 = tpu.memref_slice %arg5[%multiple_of3A_950, %dma_wait3A_956] : memref<8192x1024xf32, #tpu.memory_space<hbm>> -> memref<8x1024xf32, #tpu.memory_space<hbm>>
      %dma_wait3A_958 = arith.constant 0 : i32
      %dma_wait3A_959 = tpu.memref_slice %arg5[%multiple_of3A_950, %dma_wait3A_958] : memref<8192x1024xf32, #tpu.memory_space<hbm>> -> memref<8x1024xf32, #tpu.memory_space<hbm>>
      %dma_wait3A_960 = arith.constant 0 : i32
      %dma_wait3A_961 = arith.constant 0 : i32
      %dma_wait3A_962 = tpu.memref_slice %arg8[%dma_wait3A_951, %dma_wait3A_960, %dma_wait3A_961] : memref<4x8x1024xf32, #tpu.memory_space<vmem>> -> memref<1x8x1024xf32, #tpu.memory_space<vmem>>
      %dma_wait3A_963 = tpu.memref_squeeze %dma_wait3A_962 : memref<1x8x1024xf32, #tpu.memory_space<vmem>> -> memref<8x1024xf32, #tpu.memory_space<vmem>>
      tpu.wait_dma2 semaphore(%arg21 : memref<!tpu.dma_semaphore, #tpu.memory_space<semaphore_mem>>) src(%dma_wait3A_963 : memref<8x1024xf32, #tpu.memory_space<vmem>>) dst(%dma_wait3A_959 : memref<8x1024xf32, #tpu.memory_space<hbm>>)
      %div3A_964 = arith.constant 4 : i32
      %div3A_965 = arith.divsi %add3A_932, %div3A_964 : i32
      %rem3A_966 = arith.constant 4 : i32
      %rem3A_967 = arith.remsi %add3A_932, %rem3A_966 : i32
      %mul3A_968 = arith.constant 8 : i32
      %mul3A_969 = arith.muli %div3A_965, %mul3A_968 : i32
      %dma_wait3A_970 = arith.constant 7 : i32
      %dma_wait3A_971 = arith.constant 0 : i32
      %dma_wait3A_972 = arith.constant 0 : i32
      %dma_wait3A_973 = tpu.memref_slice %arg7[%dma_wait3A_970, %dma_wait3A_971, %dma_wait3A_972] : memref<8x8x1024xf32, #tpu.memory_space<vmem>> -> memref<1x8x1024xf32, #tpu.memory_space<vmem>>
      %dma_wait3A_974 = tpu.memref_squeeze %dma_wait3A_973 : memref<1x8x1024xf32, #tpu.memory_space<vmem>> -> memref<8x1024xf32, #tpu.memory_space<vmem>>
      %dma_wait3A_975 = tpu.memref_slice %arg9[%rem3A_967, %mul3A_969] : memref<4x64xi32, #tpu.memory_space<vmem>> -> memref<1x8xi32, #tpu.memory_space<vmem>>
      %dma_wait3A_976 = tpu.memref_squeeze %dma_wait3A_975 : memref<1x8xi32, #tpu.memory_space<vmem>> -> memref<8xi32, #tpu.memory_space<vmem>>
      %dma_wait3A_977 = arith.constant 0 : i32
      %dma_wait3A_978 = arith.constant 0 : i32
      %dma_wait3A_979 = tpu.memref_slice %arg3[%dma_wait3A_977, %dma_wait3A_978] : memref<100000x1024xf32, #tpu.memory_space<hbm>> -> memref<100000x1024xf32, #tpu.memory_space<hbm>>
      tpu.wait_indirect_dma semaphore(%arg17 : memref<!tpu.dma_semaphore, #tpu.memory_space<semaphore_mem>>) src(%dma_wait3A_979 : memref<100000x1024xf32, #tpu.memory_space<hbm>>) dst(%dma_wait3A_974 : memref<8x1024xf32, #tpu.memory_space<vmem>>)
      %scan3A_980 = arith.constant 7 : i32
      %scan3A_981 = arith.constant 1 : i32
      %scan3A_982 = arith.constant 3 : i32
      %scan3A_983 = arith.constant 0 : i32
      %scan3A_984 = arith.constant 0 : i32
      %scan3A_985 = arith.constant 8 : i32
      %scan3A_986 = arith.addi %scan3A_984, %scan3A_985 : i32
      %scan3A_987 = arith.constant 1 : i32
      %scan3A_988 = scf.for %scan3A_1015 = %scan3A_984 to %scan3A_986 step %scan3A_987 iter_args(%scan3A_1016 = %scan3A_983) -> (i32)  : i32 {
        %parallel_loop3A = arith.constant 0 : i32
        %parallel_loop3A_1017 = arith.constant 1024 : i32
        %parallel_loop3A_1018 = arith.constant 16 : i32
        scf.for %parallel_loop3A_1020 = %parallel_loop3A to %parallel_loop3A_1017 step %parallel_loop3A_1018  : i32 {
          %parallel_loop3A_1021 = arith.constant 0 : i32
          %parallel_loop3A_1022 = arith.constant 0 : i32
          %parallel_loop3A_1023 = tpu.memref_slice %arg7[%scan3A_980, %parallel_loop3A_1021, %parallel_loop3A_1022] : memref<8x8x1024xf32, #tpu.memory_space<vmem>> -> memref<1x8x1024xf32, #tpu.memory_space<vmem>>
          %parallel_loop3A_1024 = tpu.memref_squeeze %parallel_loop3A_1023 : memref<1x8x1024xf32, #tpu.memory_space<vmem>> -> memref<8x1024xf32, #tpu.memory_space<vmem>>
          %parallel_loop3A_1025 = arith.index_cast %scan3A_1015 : i32 to index
          %parallel_loop3A_1026 = arith.index_cast %parallel_loop3A_1020 : i32 to index
          %parallel_loop3A_1027 = tpu.vector_load %parallel_loop3A_1024[%parallel_loop3A_1025, %parallel_loop3A_1026] {strides = array<i32>} : memref<8x1024xf32, #tpu.memory_space<vmem>>, vector<1x16xf32>,
          %parallel_loop3A_1028 = vector.shape_cast %parallel_loop3A_1027 : vector<1x16xf32> to vector<16xf32>
          %parallel_loop3A_1029 = arith.constant 3.200000e+01 : f32
          %parallel_loop3A_1030 = vector.broadcast %parallel_loop3A_1029 : f32 to vector<16xf32>
          %parallel_loop3A_1031 = arith.mulf %parallel_loop3A_1028, %parallel_loop3A_1030 : vector<16xf32>
          %parallel_loop3A_1032 = arith.constant 0 : i32
          %parallel_loop3A_1033 = arith.constant 0 : i32
          %parallel_loop3A_1034 = tpu.memref_slice %arg6[%scan3A_981, %parallel_loop3A_1032, %parallel_loop3A_1033] : memref<2x8x1024xf32, #tpu.memory_space<vmem>> -> memref<1x8x1024xf32, #tpu.memory_space<vmem>>
          %parallel_loop3A_1035 = tpu.memref_squeeze %parallel_loop3A_1034 : memref<1x8x1024xf32, #tpu.memory_space<vmem>> -> memref<8x1024xf32, #tpu.memory_space<vmem>>
          %parallel_loop3A_1036 = arith.index_cast %scan3A_1015 : i32 to index
          %parallel_loop3A_1037 = arith.index_cast %parallel_loop3A_1020 : i32 to index
          %parallel_loop3A_1038 = tpu.vector_load %parallel_loop3A_1035[%parallel_loop3A_1036, %parallel_loop3A_1037] {strides = array<i32>} : memref<8x1024xf32, #tpu.memory_space<vmem>>, vector<1x16xf32>,
          %parallel_loop3A_1039 = vector.shape_cast %parallel_loop3A_1038 : vector<1x16xf32> to vector<16xf32>
          %parallel_loop3A_1040 = arith.addf %parallel_loop3A_1031, %parallel_loop3A_1039 : vector<16xf32>
          %parallel_loop3A_1041 = arith.constant 0 : i32
          %parallel_loop3A_1042 = arith.constant 0 : i32
          %parallel_loop3A_1043 = tpu.memref_slice %arg8[%scan3A_982, %parallel_loop3A_1041, %parallel_loop3A_1042] : memref<4x8x1024xf32, #tpu.memory_space<vmem>> -> memref<1x8x1024xf32, #tpu.memory_space<vmem>>
          %parallel_loop3A_1044 = tpu.memref_squeeze %parallel_loop3A_1043 : memref<1x8x1024xf32, #tpu.memory_space<vmem>> -> memref<8x1024xf32, #tpu.memory_space<vmem>>
          %parallel_loop3A_1045 = arith.index_cast %scan3A_1015 : i32 to index
          %parallel_loop3A_1046 = arith.index_cast %parallel_loop3A_1020 : i32 to index
          %parallel_loop3A_1047 = tpu.vector_load %parallel_loop3A_1044[%parallel_loop3A_1045, %parallel_loop3A_1046] {strides = array<i32>} : memref<8x1024xf32, #tpu.memory_space<vmem>>, vector<1x16xf32>,
          %parallel_loop3A_1048 = vector.shape_cast %parallel_loop3A_1047 : vector<1x16xf32> to vector<16xf32>
          %parallel_loop3A_1049 = vector.shape_cast %parallel_loop3A_1040 : vector<16xf32> to vector<1x16xf32>
          tpu.vector_store %parallel_loop3A_1044[%parallel_loop3A_1045, %parallel_loop3A_1046], %parallel_loop3A_1049 {strides = array<i32>} : memref<8x1024xf32, #tpu.memory_space<vmem>>, vector<1x16xf32>,
        } {sc.loop_unroll_factor = 4 : i64, sc.parallel_access}
        %scan3A_1019 = arith.constant 0 : i32
        scf.yield %scan3A_1019 : i32
      }
      %scan3A_989 = arith.constant 8 : i32
      %div3A_990 = arith.constant 4 : i32
      %div3A_991 = arith.divsi %add3A_932, %div3A_990 : i32
      %rem3A_992 = arith.constant 4 : i32
      %rem3A_993 = arith.remsi %add3A_932, %rem3A_992 : i32
      %mul3A_994 = arith.constant 2048 : i32
      %mul3A_995 = arith.muli %rem3A_993, %mul3A_994 : i32
      %add3A_996 = arith.addi %mul3A_995, %mul3A_2 : i32
      %mul3A_997 = arith.constant 8 : i32
      %mul3A_998 = arith.muli %div3A_991, %mul3A_997 : i32
      %add3A_999 = arith.addi %add3A_996, %mul3A_998 : i32
      %multiple_of3A_1000 = tpu.assume_multiple %add3A_999, 8 : i32
      %dma_start3A_1001 = arith.constant 3 : i32
      %dma_start3A_1002 = arith.constant 0 : i32
      %dma_start3A_1003 = arith.constant 0 : i32
      %dma_start3A_1004 = tpu.memref_slice %arg8[%dma_start3A_1001, %dma_start3A_1002, %dma_start3A_1003] : memref<4x8x1024xf32, #tpu.memory_space<vmem>> -> memref<1x8x1024xf32, #tpu.memory_space<vmem>>
      %dma_start3A_1005 = tpu.memref_squeeze %dma_start3A_1004 : memref<1x8x1024xf32, #tpu.memory_space<vmem>> -> memref<8x1024xf32, #tpu.memory_space<vmem>>
      %dma_start3A_1006 = arith.constant 0 : i32
      %dma_start3A_1007 = tpu.memref_slice %arg5[%multiple_of3A_1000, %dma_start3A_1006] : memref<8192x1024xf32, #tpu.memory_space<hbm>> -> memref<8x1024xf32, #tpu.memory_space<hbm>>
      %dma_start3A_1008 = arith.constant 0 : i32
      %dma_start3A_1009 = tpu.memref_slice %arg5[%multiple_of3A_1000, %dma_start3A_1008] : memref<8192x1024xf32, #tpu.memory_space<hbm>> -> memref<8x1024xf32, #tpu.memory_space<hbm>>
      %dma_start3A_1010 = arith.constant 0 : i32
      %dma_start3A_1011 = arith.constant 0 : i32
      %dma_start3A_1012 = tpu.memref_slice %arg8[%dma_start3A_1001, %dma_start3A_1010, %dma_start3A_1011] : memref<4x8x1024xf32, #tpu.memory_space<vmem>> -> memref<1x8x1024xf32, #tpu.memory_space<vmem>>
      %dma_start3A_1013 = tpu.memref_squeeze %dma_start3A_1012 : memref<1x8x1024xf32, #tpu.memory_space<vmem>> -> memref<8x1024xf32, #tpu.memory_space<vmem>>
      tpu.enqueue_dma source(%dma_start3A_1013 : memref<8x1024xf32, #tpu.memory_space<vmem>>) target(%dma_start3A_1009 : memref<8x1024xf32, #tpu.memory_space<hbm>>) target_semaphore(%arg21 : memref<!tpu.dma_semaphore, #tpu.memory_space<semaphore_mem>>)
      %scan3A_1014 = arith.constant 0 : i32
      scf.yield %scan3A_1014 : i32
    }
    %scan3A_253 = arith.constant 4 : i32
    %div3A_254 = arith.constant 28 : i32
    %div3A_255 = arith.constant 4 : i32
    %div3A_256 = arith.divsi %div3A_254, %div3A_255 : i32
    %rem3A_257 = arith.constant 28 : i32
    %rem3A_258 = arith.constant 4 : i32
    %rem3A_259 = arith.remsi %rem3A_257, %rem3A_258 : i32
    %mul3A_260 = arith.constant 2048 : i32
    %mul3A_261 = arith.muli %rem3A_259, %mul3A_260 : i32
    %add3A_262 = arith.addi %mul3A_261, %mul3A_2 : i32
    %mul3A_263 = arith.constant 8 : i32
    %mul3A_264 = arith.muli %div3A_256, %mul3A_263 : i32
    %add3A_265 = arith.addi %add3A_262, %mul3A_264 : i32
    %multiple_of3A_266 = tpu.assume_multiple %add3A_265, 8 : i32
    %dma_wait3A_267 = arith.constant 0 : i32
    %dma_wait3A_268 = arith.constant 0 : i32
    %dma_wait3A_269 = arith.constant 0 : i32
    %dma_wait3A_270 = tpu.memref_slice %arg8[%dma_wait3A_267, %dma_wait3A_268, %dma_wait3A_269] : memref<4x8x1024xf32, #tpu.memory_space<vmem>> -> memref<1x8x1024xf32, #tpu.memory_space<vmem>>
    %dma_wait3A_271 = tpu.memref_squeeze %dma_wait3A_270 : memref<1x8x1024xf32, #tpu.memory_space<vmem>> -> memref<8x1024xf32, #tpu.memory_space<vmem>>
    %dma_wait3A_272 = arith.constant 0 : i32
    %dma_wait3A_273 = tpu.memref_slice %arg5[%multiple_of3A_266, %dma_wait3A_272] : memref<8192x1024xf32, #tpu.memory_space<hbm>> -> memref<8x1024xf32, #tpu.memory_space<hbm>>
    %dma_wait3A_274 = arith.constant 0 : i32
    %dma_wait3A_275 = tpu.memref_slice %arg5[%multiple_of3A_266, %dma_wait3A_274] : memref<8192x1024xf32, #tpu.memory_space<hbm>> -> memref<8x1024xf32, #tpu.memory_space<hbm>>
    %dma_wait3A_276 = arith.constant 0 : i32
    %dma_wait3A_277 = arith.constant 0 : i32
    %dma_wait3A_278 = tpu.memref_slice %arg8[%dma_wait3A_267, %dma_wait3A_276, %dma_wait3A_277] : memref<4x8x1024xf32, #tpu.memory_space<vmem>> -> memref<1x8x1024xf32, #tpu.memory_space<vmem>>
    %dma_wait3A_279 = tpu.memref_squeeze %dma_wait3A_278 : memref<1x8x1024xf32, #tpu.memory_space<vmem>> -> memref<8x1024xf32, #tpu.memory_space<vmem>>
    tpu.wait_dma2 semaphore(%arg18 : memref<!tpu.dma_semaphore, #tpu.memory_space<semaphore_mem>>) src(%dma_wait3A_279 : memref<8x1024xf32, #tpu.memory_space<vmem>>) dst(%dma_wait3A_275 : memref<8x1024xf32, #tpu.memory_space<hbm>>)
    %div3A_280 = arith.constant 29 : i32
    %div3A_281 = arith.constant 4 : i32
    %div3A_282 = arith.divsi %div3A_280, %div3A_281 : i32
    %rem3A_283 = arith.constant 29 : i32
    %rem3A_284 = arith.constant 4 : i32
    %rem3A_285 = arith.remsi %rem3A_283, %rem3A_284 : i32
    %mul3A_286 = arith.constant 2048 : i32
    %mul3A_287 = arith.muli %rem3A_285, %mul3A_286 : i32
    %add3A_288 = arith.addi %mul3A_287, %mul3A_2 : i32
    %mul3A_289 = arith.constant 8 : i32
    %mul3A_290 = arith.muli %div3A_282, %mul3A_289 : i32
    %add3A_291 = arith.addi %add3A_288, %mul3A_290 : i32
    %multiple_of3A_292 = tpu.assume_multiple %add3A_291, 8 : i32
    %dma_wait3A_293 = arith.constant 1 : i32
    %dma_wait3A_294 = arith.constant 0 : i32
    %dma_wait3A_295 = arith.constant 0 : i32
    %dma_wait3A_296 = tpu.memref_slice %arg8[%dma_wait3A_293, %dma_wait3A_294, %dma_wait3A_295] : memref<4x8x1024xf32, #tpu.memory_space<vmem>> -> memref<1x8x1024xf32, #tpu.memory_space<vmem>>
    %dma_wait3A_297 = tpu.memref_squeeze %dma_wait3A_296 : memref<1x8x1024xf32, #tpu.memory_space<vmem>> -> memref<8x1024xf32, #tpu.memory_space<vmem>>
    %dma_wait3A_298 = arith.constant 0 : i32
    %dma_wait3A_299 = tpu.memref_slice %arg5[%multiple_of3A_292, %dma_wait3A_298] : memref<8192x1024xf32, #tpu.memory_space<hbm>> -> memref<8x1024xf32, #tpu.memory_space<hbm>>
    %dma_wait3A_300 = arith.constant 0 : i32
    %dma_wait3A_301 = tpu.memref_slice %arg5[%multiple_of3A_292, %dma_wait3A_300] : memref<8192x1024xf32, #tpu.memory_space<hbm>> -> memref<8x1024xf32, #tpu.memory_space<hbm>>
    %dma_wait3A_302 = arith.constant 0 : i32
    %dma_wait3A_303 = arith.constant 0 : i32
    %dma_wait3A_304 = tpu.memref_slice %arg8[%dma_wait3A_293, %dma_wait3A_302, %dma_wait3A_303] : memref<4x8x1024xf32, #tpu.memory_space<vmem>> -> memref<1x8x1024xf32, #tpu.memory_space<vmem>>
    %dma_wait3A_305 = tpu.memref_squeeze %dma_wait3A_304 : memref<1x8x1024xf32, #tpu.memory_space<vmem>> -> memref<8x1024xf32, #tpu.memory_space<vmem>>
    tpu.wait_dma2 semaphore(%arg19 : memref<!tpu.dma_semaphore, #tpu.memory_space<semaphore_mem>>) src(%dma_wait3A_305 : memref<8x1024xf32, #tpu.memory_space<vmem>>) dst(%dma_wait3A_301 : memref<8x1024xf32, #tpu.memory_space<hbm>>)
    %div3A_306 = arith.constant 30 : i32
    %div3A_307 = arith.constant 4 : i32
    %div3A_308 = arith.divsi %div3A_306, %div3A_307 : i32
    %rem3A_309 = arith.constant 30 : i32
    %rem3A_310 = arith.constant 4 : i32
    %rem3A_311 = arith.remsi %rem3A_309, %rem3A_310 : i32
    %mul3A_312 = arith.constant 2048 : i32
    %mul3A_313 = arith.muli %rem3A_311, %mul3A_312 : i32
    %add3A_314 = arith.addi %mul3A_313, %mul3A_2 : i32
    %mul3A_315 = arith.constant 8 : i32
    %mul3A_316 = arith.muli %div3A_308, %mul3A_315 : i32
    %add3A_317 = arith.addi %add3A_314, %mul3A_316 : i32
    %multiple_of3A_318 = tpu.assume_multiple %add3A_317, 8 : i32
    %dma_wait3A_319 = arith.constant 2 : i32
    %dma_wait3A_320 = arith.constant 0 : i32
    %dma_wait3A_321 = arith.constant 0 : i32
    %dma_wait3A_322 = tpu.memref_slice %arg8[%dma_wait3A_319, %dma_wait3A_320, %dma_wait3A_321] : memref<4x8x1024xf32, #tpu.memory_space<vmem>> -> memref<1x8x1024xf32, #tpu.memory_space<vmem>>
    %dma_wait3A_323 = tpu.memref_squeeze %dma_wait3A_322 : memref<1x8x1024xf32, #tpu.memory_space<vmem>> -> memref<8x1024xf32, #tpu.memory_space<vmem>>
    %dma_wait3A_324 = arith.constant 0 : i32
    %dma_wait3A_325 = tpu.memref_slice %arg5[%multiple_of3A_318, %dma_wait3A_324] : memref<8192x1024xf32, #tpu.memory_space<hbm>> -> memref<8x1024xf32, #tpu.memory_space<hbm>>
    %dma_wait3A_326 = arith.constant 0 : i32
    %dma_wait3A_327 = tpu.memref_slice %arg5[%multiple_of3A_318, %dma_wait3A_326] : memref<8192x1024xf32, #tpu.memory_space<hbm>> -> memref<8x1024xf32, #tpu.memory_space<hbm>>
    %dma_wait3A_328 = arith.constant 0 : i32
    %dma_wait3A_329 = arith.constant 0 : i32
    %dma_wait3A_330 = tpu.memref_slice %arg8[%dma_wait3A_319, %dma_wait3A_328, %dma_wait3A_329] : memref<4x8x1024xf32, #tpu.memory_space<vmem>> -> memref<1x8x1024xf32, #tpu.memory_space<vmem>>
    %dma_wait3A_331 = tpu.memref_squeeze %dma_wait3A_330 : memref<1x8x1024xf32, #tpu.memory_space<vmem>> -> memref<8x1024xf32, #tpu.memory_space<vmem>>
    tpu.wait_dma2 semaphore(%arg20 : memref<!tpu.dma_semaphore, #tpu.memory_space<semaphore_mem>>) src(%dma_wait3A_331 : memref<8x1024xf32, #tpu.memory_space<vmem>>) dst(%dma_wait3A_327 : memref<8x1024xf32, #tpu.memory_space<hbm>>)
    %div3A_332 = arith.constant 31 : i32
    %div3A_333 = arith.constant 4 : i32
    %div3A_334 = arith.divsi %div3A_332, %div3A_333 : i32
    %rem3A_335 = arith.constant 31 : i32
    %rem3A_336 = arith.constant 4 : i32
    %rem3A_337 = arith.remsi %rem3A_335, %rem3A_336 : i32
    %mul3A_338 = arith.constant 2048 : i32
    %mul3A_339 = arith.muli %rem3A_337, %mul3A_338 : i32
    %add3A_340 = arith.addi %mul3A_339, %mul3A_2 : i32
    %mul3A_341 = arith.constant 8 : i32
    %mul3A_342 = arith.muli %div3A_334, %mul3A_341 : i32
    %add3A_343 = arith.addi %add3A_340, %mul3A_342 : i32
    %multiple_of3A_344 = tpu.assume_multiple %add3A_343, 8 : i32
    %dma_wait3A_345 = arith.constant 3 : i32
    %dma_wait3A_346 = arith.constant 0 : i32
    %dma_wait3A_347 = arith.constant 0 : i32
    %dma_wait3A_348 = tpu.memref_slice %arg8[%dma_wait3A_345, %dma_wait3A_346, %dma_wait3A_347] : memref<4x8x1024xf32, #tpu.memory_space<vmem>> -> memref<1x8x1024xf32, #tpu.memory_space<vmem>>
    %dma_wait3A_349 = tpu.memref_squeeze %dma_wait3A_348 : memref<1x8x1024xf32, #tpu.memory_space<vmem>> -> memref<8x1024xf32, #tpu.memory_space<vmem>>
    %dma_wait3A_350 = arith.constant 0 : i32
    %dma_wait3A_351 = tpu.memref_slice %arg5[%multiple_of3A_344, %dma_wait3A_350] : memref<8192x1024xf32, #tpu.memory_space<hbm>> -> memref<8x1024xf32, #tpu.memory_space<hbm>>
    %dma_wait3A_352 = arith.constant 0 : i32
    %dma_wait3A_353 = tpu.memref_slice %arg5[%multiple_of3A_344, %dma_wait3A_352] : memref<8192x1024xf32, #tpu.memory_space<hbm>> -> memref<8x1024xf32, #tpu.memory_space<hbm>>
    %dma_wait3A_354 = arith.constant 0 : i32
    %dma_wait3A_355 = arith.constant 0 : i32
    %dma_wait3A_356 = tpu.memref_slice %arg8[%dma_wait3A_345, %dma_wait3A_354, %dma_wait3A_355] : memref<4x8x1024xf32, #tpu.memory_space<vmem>> -> memref<1x8x1024xf32, #tpu.memory_space<vmem>>
    %dma_wait3A_357 = tpu.memref_squeeze %dma_wait3A_356 : memref<1x8x1024xf32, #tpu.memory_space<vmem>> -> memref<8x1024xf32, #tpu.memory_space<vmem>>
    tpu.wait_dma2 semaphore(%arg21 : memref<!tpu.dma_semaphore, #tpu.memory_space<semaphore_mem>>) src(%dma_wait3A_357 : memref<8x1024xf32, #tpu.memory_space<vmem>>) dst(%dma_wait3A_353 : memref<8x1024xf32, #tpu.memory_space<hbm>>)
    return
  }
}

</mosaic_0001>

<sc_bundles>
// kernel: kernel.3.cloned.1.call-start
scs
__scs_entry_jumppad:
0x0: {  	(pc) =	sbr.rel $0x88, $3  }
0x1: {  	(tag) =	ssettag $0x0;
	lr =	simm.s32 $0x1  }
0x2: {  	[smem:$0x3F9E] =	sst lr;
	_ =	strace $0xD0000000  }
0x3: {  	_ = 	snop  }
0x4: {  	_ = 	snop  }
0x5: {  	_ = 	snop  }
0x6: {  	_ = 	snop  }
0x7: {  	_ = 	snop  }
__scs_overlays_trampoline_lowered:
0x8: {  	[smem:$0x3FAD] =	sst s0  }
0x9: {  	[smem:$0x3FAE] =	sst s1  }
0xa: {  	[smem:$0x3FAF] =	sst s2  }
0xb: {  	[smem:$0x3FB0] =	sst s3  }
0xc: {  	[smem:$0x3FB1] =	sst s4  }
0xd: {  	[smem:$0x3FB2] =	sst s5  }
0xe: {  	[smem:$0x3FB3] =	sst s6  }
0xf: {  	[smem:$0x3FB4] =	sst s7  }
0x10: {  	[smem:$0x3FB5] =	sst s8  }
0x11: {  	[smem:$0x3FB6] =	sst s9;
	s0 =	simm.s32 @!p0 $0x0  }
0x12: {  	s1 =	sld [smem:$0x3F9C];
	s0 =	simm.s32 @p0 $0x1  }
0x13: {  	[smem:$0x3FB7] =	sst s0;
	s0 =	simm.s32 @!p1 $0x0  }
0x14: {  	s2 =	sld [smem:$0x3F9B];
	s0 =	simm.s32 @p1 $0x1  }
0x15: {  	[smem:$0x3FB8] =	sst s0;
	s0 =	simm.s32 @!p2 $0x0  }
0x16: {  	s3 =	sld [smem:$0x3FDB];
	s0 =	simm.s32 @p2 $0x1  }
0x17: {  	s4 =	simm.s32 $0x1BF5;
	[smem:$0x3FBA] =	sst s0  }
0x18: {  	s0 =	sld [smem:$0x3F9D];
	_ =	swait.ge [sflag:s4], $0x0  }
0x19: {  	s7 =	sld [smem:$0x3F9E]  }
0x1a: {  	s8 =	sadd.s32 $0xFFFFE003, lr  }
0x1b: {  	s9 =	sadd.s32 $0xFFFFFEF7, lr;
	s5 =	simm.s32 $0xFFFFFFFF;
	p2 =	slt.u32 s8, $0xFFFFF086  }
0x1c: {  	p1 =	slt.u32 s9, $0xF7A;
	s5 =	simm.s32 @!p2 $0x0  }
0x1d: {  	s5 =	simm.s32 @p1 $0x1;
	p0 =	seq.s32 s7, s2  }
0x1e: {  	s7 =	smul.u32 @!p0 $0xF7A, s2;
	p2 =	seq.s32 @!p0 s5, $0x0  }
0x1f: {  	s9 =	smul.u32 $0xF7A, s1;
	s8 =	simm.s32 @!p0 $0x1BF5;
	p2 =	por !p2, p0  }
0x20: {  	[sflag:s8] =	ssyncset.s32 @!p0 $0xFFFFF086;
	s6 =	sadd.s32 @!p0 s3, s7;
	s7 =	simm.s32 @!p0 $0x108  }
0x21: {  	s3 =	sadd.s32 s3, s9;
	s6 =	sadd.s32 @!p0 $0x88, s6;
	s7 =	simm.s32 @p2 $0x1082  }
0x22: {  	[simem:s7], [sflag:s8] =	dma.local @!p0 [hbm:s6], $0xF7A  }
0x23: {  	s9 =	sor.u32 $0xD0000000, s2;
	s6 =	simm.s32 $0x108;
	_ =	swait.ge @!p0 [sflag:s8], $0x0  }
0x24: {  	s3 =	sadd.s32 $0x88, s3;
	s6 =	simm.s32 @!p1 $0x1082;
	[sflag:s4] =	ssyncset.s32 $0xFFFFF086  }
0x25: {  	[simem:s6], [sflag:s4] =	dma.local [hbm:s3], $0xF7A  }
0x26: {  	[smem:$0x3F9E] =	sst s1;
	(tag) =	ssettag s2;
	_ =	strace s9  }
0x27: {  	s1 =	sld [smem:$0x3FAE]  }
0x28: {  	s2 =	sld [smem:$0x3FAF]  }
0x29: {  	s4 =	sld [smem:$0x3FB1]  }
0x2a: {  	p0 =	seq.s32 s5, $0x0;
	s5 =	sld [smem:$0x3FB2]  }
0x2b: {  	s6 =	sld [smem:$0x3FB3]  }
0x2c: {  	s7 =	sld [smem:$0x3FB4]  }
0x2d: {  	s3 =	simm.s32 $0x108;
	s8 =	sld [smem:$0x3FB5]  }
0x2e: {  	s3 =	simm.s32 @!p0 $0x1082;
	s9 =	sld [smem:$0x3FB6]  }
0x2f: {  	lr =	sadd.s32 s0, s3;
	s0 =	sld [smem:$0x3FAD]  }
0x30: {  	s3 =	sld [smem:$0x3FB0]  }
0x31: {  	[smem:$0x3FB9] =	sst s10  }
0x32: {  	s10 =	sld [smem:$0x3FB7];
	_ =	sdelay $0x3  }
0x33: {  	p0 =	seq.s32 s10, $0x1;
	s10 =	sld [smem:$0x3FB9];
	_ =	sdelay $0x3  }
0x34: {  	[smem:$0x3FB9] =	sst s10  }
0x35: {  	s10 =	sld [smem:$0x3FB8];
	_ =	sdelay $0x3  }
0x36: {  	p1 =	seq.s32 s10, $0x1;
	s10 =	sld [smem:$0x3FB9];
	_ =	sdelay $0x3  }
0x37: {  	[smem:$0x3FB9] =	sst s10  }
0x38: {  	s10 =	sld [smem:$0x3FBA]  }
0x39: {  	_ = 	snop;
	(pc) =	sbr.ind lr, $3  }
0x3a: {  	_ = 	snop  }
0x3b: {  	_ = 	snop  }
0x3c: {  	p2 =	seq.s32 s10, $0x1;
	s10 =	sld [smem:$0x3FB9]  }
0x3d: {  	_ =	shalt  }
0x3e: {  	_ =	shalt  }
0x3f: {  	_ =	shalt  }
0x40: {  	_ =	shalt  }
0x41: {  	_ =	shalt  }
0x42: {  	_ =	shalt  }
0x43: {  	_ =	shalt  }
0x44: {  	_ =	shalt  }
0x45: {  	_ =	shalt  }
0x46: {  	_ =	shalt  }
0x47: {  	_ =	shalt  }
0x48: {  	_ =	shalt  }
0x49: {  	_ =	shalt  }
0x4a: {  	_ =	shalt  }
0x4b: {  	_ =	shalt  }
0x4c: {  	_ =	shalt  }
0x4d: {  	_ =	shalt  }
0x4e: {  	_ =	shalt  }
0x4f: {  	_ =	shalt  }
0x50: {  	_ =	shalt  }
0x51: {  	_ =	shalt  }
0x52: {  	_ =	shalt  }
0x53: {  	_ =	shalt  }
0x54: {  	_ =	shalt  }
0x55: {  	_ =	shalt  }
0x56: {  	_ =	shalt  }
0x57: {  	_ =	shalt  }
0x58: {  	_ =	shalt  }
0x59: {  	_ =	shalt  }
0x5a: {  	_ =	shalt  }
0x5b: {  	_ =	shalt  }
0x5c: {  	_ =	shalt  }
0x5d: {  	_ =	shalt  }
0x5e: {  	_ =	shalt  }
0x5f: {  	_ =	shalt  }
0x60: {  	_ =	shalt  }
0x61: {  	_ =	shalt  }
0x62: {  	_ =	shalt  }
0x63: {  	_ =	shalt  }
0x64: {  	_ =	shalt  }
0x65: {  	_ =	shalt  }
0x66: {  	_ =	shalt  }
0x67: {  	_ =	shalt  }
0x68: {  	_ =	shalt  }
0x69: {  	_ =	shalt  }
0x6a: {  	_ =	shalt  }
0x6b: {  	_ =	shalt  }
0x6c: {  	_ =	shalt  }
0x6d: {  	_ =	shalt  }
0x6e: {  	_ =	shalt  }
0x6f: {  	_ =	shalt  }
0x70: {  	_ =	shalt  }
0x71: {  	_ =	shalt  }
0x72: {  	_ =	shalt  }
0x73: {  	_ =	shalt  }
0x74: {  	_ =	shalt  }
0x75: {  	_ =	shalt  }
0x76: {  	_ =	shalt  }
0x77: {  	_ =	shalt  }
0x78: {  	_ =	shalt  }
0x79: {  	_ =	shalt  }
0x7a: {  	_ =	shalt  }
0x7b: {  	_ =	shalt  }
0x7c: {  	_ =	shalt  }
0x7d: {  	_ =	shalt  }
0x7e: {  	_ =	shalt  }
0x7f: {  	_ =	shalt  }
0x80: {  	_ =	shalt  }
0x81: {  	_ =	shalt  }
0x82: {  	_ =	shalt  }
0x83: {  	_ =	shalt  }
0x84: {  	_ =	shalt  }
0x85: {  	_ =	shalt  }
0x86: {  	_ =	shalt  }
0x87: {  	_ =	shalt  }
.Lfunc_end0:
.L_simem_size_0:
called_computation_lowered:
.L_overlay_start_0:
0x88: {  	s2 =	sld [smem:$0x3FD9]  }
0x89: {  	s3 =	sld [smem:$0x3FFE];
	_ =	sdelay $0x1  }
0x8a: {  	s1 =	srdreg.scid  }
0x8b: {  	s0 =	sand.u32 $0x1, s1  }
0x8c: {  	s18 =	sshll.u32 s0, $0xA;
	s2 =	sadd.s32 s3, s2  }
0x8d: {  	s2 =	sadd.s32 s2, s18  }
0x8e: {  	[smem:$0x3FC5] =	sst s2  }
0x8f: {  	_ = 	snop  }
0x90: {  	s2 =	sld [smem:$0x3FC9]  }
0x91: {  	s19 =	sld [smem:$0x3FC8]  }
0x92: {  	s4 =	sld [smem:$0x3FC7]  }
0x93: {  	s5 =	sld [smem:$0x3FD0];
	(tm) =	ssettm $0x1  }
0x94: {  	s6 =	sld [smem:$0x3FFB];
	_ =	sdelay $0x3  }
0x95: {  	_ =	strace s6  }
0x96: {  	s6 =	sld [smem:$0x3FFC];
	_ =	sdelay $0x3  }
0x97: {  	_ =	strace s6  }
0x98: {  	s6 =	sld [smem:$0x3FFD];
	_ =	sdelay $0x3  }
0x99: {  	_ =	strace s6  }
0x9a: {  	_ =	strace $0x8FFFFFFF  }
0x9b: {  	s20 =	sld [smem:$0x3FDB];
	_ =	sdelay $0x1  }
0x9c: {  	s7 =	simm.s32 $_scs_section_size  }
0x9d: {  	s8 =	simm.s32 $_size__tile_overlayer_lowered;
	s9 =	simm.s32 $_tile_overlayer_lowered  }
0x9e: {  	s23 =	simm.s32 $0x1BFF;
	s22 =	sshll.u32 s9, $0x1;
	s6 =	sadd.s32 s7, s20  }
0x9f: {  	s10 =	simm.s32 $0x0;
	s21 =	sshll.u32 s8, $0x1;
	s8 =	sadd.s32 s22, s6  }
0xa0: {  	[timem:s10], [sflag:s23] =	dma.local [hbm:s8], s21  }
0xa1: {  	_ =	swait.ge [sflag:s23], s21  }
0xa2: {  	s7 =	ssub.s32 $0x0, s21;
	[sflag:s23] =	ssyncset.done $0x0  }
0xa3: {  	[sflag:s23] =	ssyncadd.s32 s7;
	_ =	sdelay $0x1  }
0xa4: {  	s24 =	simm.s32 $0x1B8B  }
0xa5: {  	_ =	swait.ge [sflag:s24], $0x1  }
0xa6: {  	[sflag:s24] =	ssyncset.done $0x0  }
0xa7: {  	s25 =	simm.s32 $0x1B8E;
	[sflag:s24] =	ssyncadd.s32 $0xFFFFFFFF  }
0xa8: {  	s26 =	simm.s32 $execute0_lowered;
	[smem:$0x3FD2] =	sst s25  }
0xa9: {  	s7 =	sshll.u32 s26, $0x1;
	_ =	strace $0x80000046;
	[dreg:$0x1] =	wrdreg $0xFFFFFFFF  }
0xaa: {  	s28 =	simm.s32 $_size_execute0_lowered;
	s6 =	sadd.s32 s6, s7;
	[dreg:$0x0] =	wrdreg $0x0  }
0xab: {  	s7 =	sshll.u32 s28, $0x1;
	[dreg:$0x2] =	wrdreg s6  }
0xac: {  	[dreg:$0x3] =	wrdreg s7  }
0xad: {  	[dreg:$0x4] =	wrdreg $0xC0  }
0xae: {  	_ =	task [dreg:s10], $0x5FFFF  }
0xaf: {  	[dreg:$0x1] =	wrdreg $0xFFFFFFFF  }
0xb0: {  	[dreg:$0x0] =	wrdreg $0x60  }
0xb1: {  	[dreg:$0x2] =	wrdreg s2  }
0xb2: {  	[dreg:$0x3] =	wrdreg s19  }
0xb3: {  	[dreg:$0x4] =	wrdreg s4  }
0xb4: {  	[dreg:$0x5] =	wrdreg s5  }
0xb5: {  	[dreg:$0x6] =	wrdreg $0x9  }
0xb6: {  	_ =	task.clear_ibuf [dreg:s10], $0x7FFFF;
	_ =	strace $0x90000046  }
0xb7: {  	s29 =	simm.s32 $0x9;
	_ =	strace $0x80000048  }
0xb8: {  	_ =	swait.ge [sflag:s29], $0x1  }
0xb9: {  	[sflag:s29] =	ssyncadd.s32 $0xFFFFFFFF  }
0xba: {  	_ =	strace $0x90000048  }
0xbb: {  	_ =	sfence  }
0xbc: {  	s30 =	sld [smem:$0x0];
	_ =	sdelay $0x2  }
0xbd: {  	s31 =	sshll.u32 s1, $0xD;
	s1 =	sshrl.u32 s1, $0x2  }
0xbe: {  	s3 =	sand.u32 $0x4000, s31;
	s1 =	sadd.s32 s1, s30  }
0xbf: {  	s0 =	sor.u32 s3, s0;
	s1 =	sshll.u32 s1, $0x11  }
0xc0: {  	s0 =	sor.u32 s1, s0  }
0xc1: {  	s0 =	sadd.s32 $0x8F2B, s0  }
0xc2: {  	[sflag:s0] =	ssyncadd.remote.s32 $0x1  }
0xc3: {  	_ =	sfence.sel $0xFFFF  }
0xc4: {  	[dreg:$0x0] =	wrdreg $0xFFFFFFFF;
	(pc) =	sbr.abs _section_cstart, $3  }
0xc5: {  	[dreg:$0x1] =	wrdreg $0xFFFFFFFF  }
0xc6: {  	_ =	task.clear_ibuf [dreg:s10], $0x2FFFF;
	_ =	strace $0x9FFFFFFF  }
0xc7: {  	(tm) =	ssettm $0x7FFFFFFF  }
tec
execute0_lowered:
.L_overlay_start_1:
0x0: {  	(tag) =	ssettag $0x1  }
0x1: {  	s0 =	rddreg [dreg:$0x0]  }
0x2: {  	s2 =	srdreg.scid;
	s1 =	rddreg [dreg:$0x1]  }
0x3: {  	s4 =	stileid.u32;
	s9 =	rddreg [dreg:$0x2]  }
0x4: {  	s10 =	rddreg [dreg:$0x3];
	s5 =	simm.s32 $0x0;
	s2 =	sand.u32 $0x1, s2  }
0x5: {  	s4 =	sshll.u32 s4, $0x6;
	[smem:$0x7FF] =	sst s5;
	s12 =	sadd.s32 $0x100, s1  }
0x6: {  	s29 =	sadd.s32 $0x40000, s10;
	s31 =	sadd.s32 $0x80000, s10;
	s3 =	sshll.u32 s2, $0xA  }
0x7: {  	_ =	strace $0x80000047;
	s2 =	ssub.s32 $0x2, s2;
	[dreg:$0xc] =	wrdreg s29  }
0x8: {  	[dreg:$0xd] =	wrdreg s31;
	s3 =	sor.u32 s4, s3;
	s4 =	sand.u32 $0x40, s4  }
0x9: {  	s8 =	sshrl.u32 s2, $0x1;
	s6 =	sshll.u32 s3, $0x2;
	s28 =	sshll.u32 s3, $0x7  }
0xa: {  	s3 =	sshrl.u32 s3, $0x3;
	s7 =	sand.u32 $0x1E00, s6;
	[dreg:$0x9] =	wrdreg s28  }
0xb: {  	s2 =	ssub.s32 s2, s8;
	[dreg:$0xb] =	wrdreg s3;
	s7 =	sor.u32 s4, s7  }
0xc: {  	s2 =	smax.u32 s2, $0x1;
	s4 =	sor.u32 s4, s6;
	s7 =	sshrl.u32 s7, $0x3  }
0xd: {  	[dreg:$0xe] =	wrdreg s2;
	s4 =	sshrl.u32 s4, $0x3;
	s25 =	sadd.s32 s0, s7  }
0xe: {  	s26 =	sor.u32 $0x20, s4;
	[dreg:$0x5] =	wrdreg s25;
	s6 =	sadd.s32 $0x10, s25  }
0xf: {  	s4 =	sor.u32 $0x30, s4;
	[dreg:$0x6] =	wrdreg s6;
	s6 =	sadd.s32 s0, s26  }
0x10: {  	s13 =	sadd.s32 $0x200, s1;
	s0 =	sadd.s32 s0, s4;
	[dreg:$0x7] =	wrdreg s6  }
0x11: {  	v0 =	vlaneseq.u32;
	s14 =	sadd.s32 $0x300, s1;
	[dreg:$0x8] =	wrdreg s0;
	s0 =	sadd.s32 s9, s28  }
0x12: {  	s30 =	sadd.s32 $0xC0000, s10;
	v1 =	vshrl.u32 v0, $0x3;
	[dreg:$0xa] =	wrdreg s0;
	s0 =	sadd.s32 $0x800, s0  }
0x13: {  	vm0 =	vmmov $0xffff;
	v0 =	vand.u32 $0x7, v0;
	v1 =	vmul.u32 $0x8, v1;
	s3 =	simm.s32 $0x0;
	[dreg:$0xf] =	wrdreg s0;
	s0 =	simm.s32 $0xC  }
.LBB2_1:
0x14: {  	[dreg:$0x10] =	wrdreg s3  }
0x15: {  	s2 =	rddreg [dreg:$0x5];
	s16 =	simm.s32 $0x1C000  }
0x16: {  	[tilespmem:s16], [sflag:$0xF] =	stream.linear.gather [hbm4b:s2+s5], $0x40, $0x38;
	[tilespmem:$0x1C200] =	vst v63  }
0x17: {  	s17 =	rddreg [dreg:$0x6];
	s18 =	simm.s32 $0x1C080  }
0x18: {  	[tilespmem:s18], [sflag:$0xF] =	stream.linear.gather [hbm4b:s17+s5], $0x40, $0x38;
	[tilespmem:$0x1C200] =	vst v63  }
0x19: {  	s19 =	rddreg [dreg:$0x7];
	s20 =	simm.s32 $0x1C100  }
0x1a: {  	[tilespmem:s20], [sflag:$0xF] =	stream.linear.gather [hbm4b:s19+s5], $0x40, $0x38;
	[tilespmem:$0x1C200] =	vst v63  }
0x1b: {  	s21 =	rddreg [dreg:$0x8];
	s22 =	simm.s32 $0x1C180;
	s23 =	simm.s32 $0xF  }
0x1c: {  	[tilespmem:s22], [sflag:$0xF] =	stream.linear.gather [hbm4b:s21+s5], $0x40, $0x38;
	[tilespmem:$0x1C200] =	vst v63  }
0x1d: {  	_ =	swait.ge [sflag:s23], $0x40  }
0x1e: {  	[sflag:s23] =	ssyncset.done $0x0  }
0x1f: {  	[sflag:s23] =	ssyncadd.s32 $0xFFFFFFC0  }
0x20: {  	_ =	swait.ge [sflag:s23], $0x40  }
0x21: {  	[sflag:s23] =	ssyncset.done $0x0  }
0x22: {  	[sflag:s23] =	ssyncadd.s32 $0xFFFFFFC0  }
0x23: {  	_ =	swait.ge [sflag:s23], $0x40  }
0x24: {  	[sflag:s23] =	ssyncset.done $0x0  }
0x25: {  	[sflag:s23] =	ssyncadd.s32 $0xFFFFFFC0  }
0x26: {  	_ =	swait.ge [sflag:s23], $0x40  }
0x27: {  	[sflag:s23] =	ssyncset.done $0x0  }
0x28: {  	s24 =	rddreg [dreg:$0xa];
	[sflag:s23] =	ssyncadd.s32 $0xFFFFFFC0  }
0x29: {  	[tilespmem:s5], [sflag:$0xD] =	stream.linear.gather [hbm4b:s24+s5], $0x2000, $0x38;
	[tilespmem:$0x1C200] =	vst v63  }
0x2a: {  	v2 =	vld.msk [tilespmem:$0x1C000], $0xff;
	_ =	sdelay $0x4  }
0x2b: {  	v3 =	vshll.u32 v2, $0x3  }
0x2c: {  	v2 =	vand.u32 $0x7, v2;
	v3 =	vand.u32 $0xFFFFFFC0, v3  }
0x2d: {  	v2 =	vor.u32 v2, v3  }
0x2e: {  	v2 =	vperm.xlane v2, v0;
	_ =	sdelay $0x1  }
0x2f: {  	v2 =	vadd.s32 v1, v2;
	_ =	sdelay $0x3  }
0x30: {  	s25 =	simm.s32 $0x4000  }
0x31: {  	[tilespmem:s25], [sflag:$0x1] =	stream.indirect_vreg.gather [hbm4b:s1+s5], $0x80, v2, vm0, $0xb8;
	[tilespmem:$0x1C200] =	vst v63  }
0x32: {  	s26 =	simm.s32 $0x4800  }
0x33: {  	[tilespmem:s26], [sflag:$0x1] =	stream.indirect_vreg.gather [hbm4b:s12+s5], $0x80, v2, vm0, $0xb8;
	[tilespmem:$0x1C200] =	vst v63  }
0x34: {  	s28 =	simm.s32 $0x5000  }
0x35: {  	[tilespmem:s28], [sflag:$0x1] =	stream.indirect_vreg.gather [hbm4b:s13+s5], $0x80, v2, vm0, $0xb8;
	[tilespmem:$0x1C200] =	vst v63  }
0x36: {  	s29 =	simm.s32 $0x5800  }
0x37: {  	[tilespmem:s29], [sflag:$0x1] =	stream.indirect_vreg.gather [hbm4b:s14+s5], $0x80, v2, vm0, $0xb8;
	[tilespmem:$0x1C200] =	vst v63  }
0x38: {  	v2 =	vld.msk [tilespmem:$0x1C080], $0xff;
	_ =	sdelay $0x4  }
0x39: {  	v3 =	vshll.u32 v2, $0x3  }
0x3a: {  	v2 =	vand.u32 $0x7, v2;
	v3 =	vand.u32 $0xFFFFFFC0, v3  }
0x3b: {  	v2 =	vor.u32 v2, v3  }
0x3c: {  	v2 =	vperm.xlane v2, v0;
	_ =	sdelay $0x1  }
0x3d: {  	v2 =	vadd.s32 v1, v2;
	_ =	sdelay $0x3  }
0x3e: {  	s31 =	simm.s32 $0x6000  }
0x3f: {  	[tilespmem:s31], [sflag:$0x2] =	stream.indirect_vreg.gather [hbm4b:s1+s5], $0x80, v2, vm0, $0xb8;
	[tilespmem:$0x1C200] =	vst v63  }
0x40: {  	s3 =	simm.s32 $0x6800  }
0x41: {  	[tilespmem:s3], [sflag:$0x2] =	stream.indirect_vreg.gather [hbm4b:s12+s5], $0x80, v2, vm0, $0xb8;
	[tilespmem:$0x1C200] =	vst v63  }
0x42: {  	s4 =	simm.s32 $0x7000  }
0x43: {  	[tilespmem:s4], [sflag:$0x2] =	stream.indirect_vreg.gather [hbm4b:s13+s5], $0x80, v2, vm0, $0xb8;
	[tilespmem:$0x1C200] =	vst v63  }
0x44: {  	s6 =	simm.s32 $0x7800  }
0x45: {  	[tilespmem:s6], [sflag:$0x2] =	stream.indirect_vreg.gather [hbm4b:s14+s5], $0x80, v2, vm0, $0xb8;
	[tilespmem:$0x1C200] =	vst v63  }
0x46: {  	v2 =	vld.msk [tilespmem:$0x1C100], $0xff;
	_ =	sdelay $0x4  }
0x47: {  	v3 =	vshll.u32 v2, $0x3  }
0x48: {  	v2 =	vand.u32 $0x7, v2;
	v3 =	vand.u32 $0xFFFFFFC0, v3  }
0x49: {  	v2 =	vor.u32 v2, v3  }
0x4a: {  	v2 =	vperm.xlane v2, v0;
	_ =	sdelay $0x1  }
0x4b: {  	v2 =	vadd.s32 v1, v2;
	_ =	sdelay $0x3  }
0x4c: {  	s7 =	simm.s32 $0x8000  }
0x4d: {  	[tilespmem:s7], [sflag:$0x3] =	stream.indirect_vreg.gather [hbm4b:s1+s5], $0x80, v2, vm0, $0xb8;
	[tilespmem:$0x1C200] =	vst v63  }
0x4e: {  	s8 =	simm.s32 $0x8800  }
0x4f: {  	[tilespmem:s8], [sflag:$0x3] =	stream.indirect_vreg.gather [hbm4b:s12+s5], $0x80, v2, vm0, $0xb8;
	[tilespmem:$0x1C200] =	vst v63  }
0x50: {  	s9 =	simm.s32 $0x9000  }
0x51: {  	[tilespmem:s9], [sflag:$0x3] =	stream.indirect_vreg.gather [hbm4b:s13+s5], $0x80, v2, vm0, $0xb8;
	[tilespmem:$0x1C200] =	vst v63  }
0x52: {  	s10 =	simm.s32 $0x9800  }
0x53: {  	[tilespmem:s10], [sflag:$0x3] =	stream.indirect_vreg.gather [hbm4b:s14+s5], $0x80, v2, vm0, $0xb8;
	[tilespmem:$0x1C200] =	vst v63  }
0x54: {  	v2 =	vld.msk [tilespmem:$0x1C180], $0xff;
	_ =	sdelay $0x4  }
0x55: {  	v3 =	vshll.u32 v2, $0x3  }
0x56: {  	v2 =	vand.u32 $0x7, v2;
	v3 =	vand.u32 $0xFFFFFFC0, v3  }
0x57: {  	v2 =	vor.u32 v2, v3  }
0x58: {  	v2 =	vperm.xlane v2, v0;
	_ =	sdelay $0x1  }
0x59: {  	v2 =	vadd.s32 v1, v2;
	_ =	sdelay $0x3  }
0x5a: {  	s11 =	simm.s32 $0xA000  }
0x5b: {  	[tilespmem:s11], [sflag:$0x4] =	stream.indirect_vreg.gather [hbm4b:s1+s5], $0x80, v2, vm0, $0xb8;
	[tilespmem:$0x1C200] =	vst v63  }
0x5c: {  	s15 =	simm.s32 $0xA800  }
0x5d: {  	[tilespmem:s15], [sflag:$0x4] =	stream.indirect_vreg.gather [hbm4b:s12+s5], $0x80, v2, vm0, $0xb8;
	[tilespmem:$0x1C200] =	vst v63  }
0x5e: {  	s16 =	simm.s32 $0xB000  }
0x5f: {  	[tilespmem:s16], [sflag:$0x4] =	stream.indirect_vreg.gather [hbm4b:s13+s5], $0x80, v2, vm0, $0xb8;
	[tilespmem:$0x1C200] =	vst v63  }
0x60: {  	s17 =	simm.s32 $0xB800  }
0x61: {  	[tilespmem:s17], [sflag:$0x4] =	stream.indirect_vreg.gather [hbm4b:s14+s5], $0x80, v2, vm0, $0xb8;
	[tilespmem:$0x1C200] =	vst v63  }
0x62: {  	v2 =	vld.msk [tilespmem:$0x1C008], $0xff;
	_ =	sdelay $0x4  }
0x63: {  	v3 =	vshll.u32 v2, $0x3  }
0x64: {  	v2 =	vand.u32 $0x7, v2;
	v3 =	vand.u32 $0xFFFFFFC0, v3  }
0x65: {  	v2 =	vor.u32 v2, v3  }
0x66: {  	v2 =	vperm.xlane v2, v0;
	_ =	sdelay $0x1  }
0x67: {  	v2 =	vadd.s32 v1, v2;
	_ =	sdelay $0x3  }
0x68: {  	s18 =	simm.s32 $0xC000  }
0x69: {  	[tilespmem:s18], [sflag:$0x5] =	stream.indirect_vreg.gather [hbm4b:s1+s5], $0x80, v2, vm0, $0xb8;
	[tilespmem:$0x1C200] =	vst v63  }
0x6a: {  	s19 =	simm.s32 $0xC800  }
0x6b: {  	[tilespmem:s19], [sflag:$0x5] =	stream.indirect_vreg.gather [hbm4b:s12+s5], $0x80, v2, vm0, $0xb8;
	[tilespmem:$0x1C200] =	vst v63  }
0x6c: {  	s20 =	simm.s32 $0xD000  }
0x6d: {  	[tilespmem:s20], [sflag:$0x5] =	stream.indirect_vreg.gather [hbm4b:s13+s5], $0x80, v2, vm0, $0xb8;
	[tilespmem:$0x1C200] =	vst v63  }
0x6e: {  	s21 =	simm.s32 $0xD800  }
0x6f: {  	[tilespmem:s21], [sflag:$0x5] =	stream.indirect_vreg.gather [hbm4b:s14+s5], $0x80, v2, vm0, $0xb8;
	[tilespmem:$0x1C200] =	vst v63  }
0x70: {  	v2 =	vld.msk [tilespmem:$0x1C088], $0xff;
	_ =	sdelay $0x4  }
0x71: {  	v3 =	vshll.u32 v2, $0x3  }
0x72: {  	v2 =	vand.u32 $0x7, v2;
	v3 =	vand.u32 $0xFFFFFFC0, v3  }
0x73: {  	v2 =	vor.u32 v2, v3  }
0x74: {  	v2 =	vperm.xlane v2, v0;
	_ =	sdelay $0x1  }
0x75: {  	v2 =	vadd.s32 v1, v2;
	_ =	sdelay $0x3  }
0x76: {  	s22 =	simm.s32 $0xE000  }
0x77: {  	[tilespmem:s22], [sflag:$0x6] =	stream.indirect_vreg.gather [hbm4b:s1+s5], $0x80, v2, vm0, $0xb8;
	[tilespmem:$0x1C200] =	vst v63  }
0x78: {  	s23 =	simm.s32 $0xE800  }
0x79: {  	[tilespmem:s23], [sflag:$0x6] =	stream.indirect_vreg.gather [hbm4b:s12+s5], $0x80, v2, vm0, $0xb8;
	[tilespmem:$0x1C200] =	vst v63  }
0x7a: {  	s24 =	simm.s32 $0xF000  }
0x7b: {  	[tilespmem:s24], [sflag:$0x6] =	stream.indirect_vreg.gather [hbm4b:s13+s5], $0x80, v2, vm0, $0xb8;
	[tilespmem:$0x1C200] =	vst v63  }
0x7c: {  	s25 =	simm.s32 $0xF800  }
0x7d: {  	[tilespmem:s25], [sflag:$0x6] =	stream.indirect_vreg.gather [hbm4b:s14+s5], $0x80, v2, vm0, $0xb8;
	[tilespmem:$0x1C200] =	vst v63  }
0x7e: {  	v2 =	vld.msk [tilespmem:$0x1C108], $0xff;
	_ =	sdelay $0x4  }
0x7f: {  	v3 =	vshll.u32 v2, $0x3  }
0x80: {  	v2 =	vand.u32 $0x7, v2;
	v3 =	vand.u32 $0xFFFFFFC0, v3  }
0x81: {  	v2 =	vor.u32 v2, v3  }
0x82: {  	v2 =	vperm.xlane v2, v0;
	_ =	sdelay $0x1  }
0x83: {  	v2 =	vadd.s32 v1, v2;
	_ =	sdelay $0x3  }
0x84: {  	s26 =	simm.s32 $0x10000  }
0x85: {  	[tilespmem:s26], [sflag:$0x7] =	stream.indirect_vreg.gather [hbm4b:s1+s5], $0x80, v2, vm0, $0xb8;
	[tilespmem:$0x1C200] =	vst v63  }
0x86: {  	s28 =	simm.s32 $0x10800  }
0x87: {  	[tilespmem:s28], [sflag:$0x7] =	stream.indirect_vreg.gather [hbm4b:s12+s5], $0x80, v2, vm0, $0xb8;
	[tilespmem:$0x1C200] =	vst v63  }
0x88: {  	s29 =	simm.s32 $0x11000  }
0x89: {  	[tilespmem:s29], [sflag:$0x7] =	stream.indirect_vreg.gather [hbm4b:s13+s5], $0x80, v2, vm0, $0xb8;
	[tilespmem:$0x1C200] =	vst v63  }
0x8a: {  	s31 =	simm.s32 $0x11800;
	s22 =	simm.s32 $0x0  }
0x8b: {  	[tilespmem:s31], [sflag:$0x7] =	stream.indirect_vreg.gather [hbm4b:s14+s5], $0x80, v2, vm0, $0xb8;
	[tilespmem:$0x1C200] =	vst v63  }
.LBB2_2:
0x8c: {  	s26 =	sshll.u32 s22, $0x6  }
0x8d: {  	s2 =	sshrl.u32 s26, $0x2  }
0x8e: {  	v2 =	vld.msk [tilespmem:s2+$0x1C188], $0xff;
	_ =	sdelay $0x4  }
0x8f: {  	v3 =	vshll.u32 v2, $0x3  }
0x90: {  	v2 =	vand.u32 $0x7, v2;
	v3 =	vand.u32 $0xFFFFFFC0, v3  }
0x91: {  	v2 =	vor.u32 v2, v3  }
0x92: {  	v2 =	vperm.xlane v2, v0;
	_ =	sdelay $0x1  }
0x93: {  	v2 =	vadd.s32 v1, v2;
	_ =	sdelay $0x3  }
0x94: {  	s19 =	simm.s32 $0x12000  }
0x95: {  	[tilespmem:s19], [sflag:$0x8] =	stream.indirect_vreg.gather [hbm4b:s1+s5], $0x80, v2, vm0, $0xb8;
	[tilespmem:$0x1C200] =	vst v63  }
0x96: {  	s20 =	simm.s32 $0x12800  }
0x97: {  	[tilespmem:s20], [sflag:$0x8] =	stream.indirect_vreg.gather [hbm4b:s12+s5], $0x80, v2, vm0, $0xb8;
	[tilespmem:$0x1C200] =	vst v63  }
0x98: {  	s21 =	simm.s32 $0x13000;
	p0 =	seq.s32 s22, $0x0  }
0x99: {  	[tilespmem:s21], [sflag:$0x8] =	stream.indirect_vreg.gather [hbm4b:s13+s5], $0x80, v2, vm0, $0xb8;
	[tilespmem:$0x1C200] =	vst v63  }
0x9a: {  	s23 =	simm.s32 $0x13800;
	s2 =	simm.s32 @!p0 $0x9  }
0x9b: {  	[tilespmem:s23], [sflag:$0x8] =	stream.indirect_vreg.gather [hbm4b:s14+s5], $0x80, v2, vm0, $0xb8;
	[tilespmem:$0x1C200] =	vst v63  }
0x9c: {  	_ =	swait.ge @!p0 [sflag:s2], $0x2000  }
0x9d: {  	[sflag:s2] =	ssyncset.done @!p0 $0x0  }
0x9e: {  	s24 =	simm.s32 $0xD;
	[sflag:s2] =	ssyncadd.s32 @!p0 $0xFFFFE000  }
0x9f: {  	s3 =	sshll.u32 s22, $0x1;
	_ =	swait.ge [sflag:s24], $0x2000  }
0xa0: {  	s4 =	sor.u32 $0x1, s3;
	s28 =	rddreg [dreg:$0xb];
	[sflag:s24] =	ssyncset.done $0x0  }
0xa1: {  	s25 =	smov.u32 s30;
	s2 =	sor.u32 s28, s4;
	[sflag:s24] =	ssyncadd.s32 $0xFFFFE000  }
0xa2: {  	s10 =	simm.s32 $0x0;
	s23 =	sshll.u32 s2, $0xA;
	s29 =	rddreg [dreg:$0x2]  }
0xa3: {  	s30 =	simm.s32 $0x2000;
	s31 =	simm.s32 $0x1;
	s2 =	sadd.s32 s29, s23  }
0xa4: {  	[tilespmem:s30], [sflag:$0xE] =	stream.linear.gather [hbm4b:s2+s10], $0x2000, $0x38;
	[tilespmem:$0x1C200] =	vst v63  }
0xa5: {  	_ =	swait.ge [sflag:s31], $0x2000  }
0xa6: {  	[sflag:s31] =	ssyncset.done $0x0  }
0xa7: {  	s15 =	simm.s32 $0x0;
	[sflag:s31] =	ssyncadd.s32 $0xFFFFE000  }
.LBB2_3:
0xa8: {  	s20 =	sshll.u32 s15, $0x7;
	s2 =	simm.s32 $0x0  }
0xa9: {  	s29 =	sor.u32 $0x30, s20;
	s2 =	sand.u32 $0x40, s2  }
0xaa: {  	s8 =	sand.u32 $0x1C00, s10;
	s3 =	sor.u32 s29, s2  }
0xab: {  	s7 =	sor.u32 s20, s2;
	s16 =	sor.u32 s8, s3  }
0xac: {  	s9 =	sor.u32 $0x10, s20;
	s7 =	sor.u32 s8, s7;
	v2 =	vld [tilespmem:s16+$0x4000]  }
0xad: {  	s24 =	sor.u32 $0x20, s20;
	s11 =	sor.u32 s9, s2;
	v3 =	vld [tilespmem:s7+$0x4000]  }
0xae: {  	s2 =	sor.u32 s24, s2;
	s3 =	sor.u32 s8, s11;
	v4 =	vld [tilespmem:s16+$0x0]  }
0xaf: {  	s11 =	sor.u32 s8, s2;
	v6 =	vld [tilespmem:s3+$0x4000]  }
0xb0: {  	s30 =	simm.s32 $0x40;
	v7 =	vld [tilespmem:s11+$0x4000]  }
0xb1: {  	s19 =	simm.s32 $0x200;
	s17 =	sand.u32 $0x40, s30;
	v8 =	vld [tilespmem:s7+$0x0]  }
0xb2: {  	s6 =	sand.u32 $0x1C00, s19;
	s21 =	sor.u32 s29, s17;
	v10 =	vld [tilespmem:s3+$0x0];
	v9 =	vmul.f32 $3.200000000e+01, v2  }
0xb3: {  	s31 =	sor.u32 s20, s17;
	s28 =	sor.u32 s6, s21;
	v2 =	vld [tilespmem:s11+$0x0]  }
0xb4: {  	s21 =	sor.u32 s6, s31;
	v5 =	vld [tilespmem:s28+$0x4000];
	v11 =	vmul.f32 $3.200000000e+01, v3;
	v9 =	vadd.f32 v4, v9  }
0xb5: {  	s18 =	sor.u32 s9, s17;
	v12 =	vmul.f32 $3.200000000e+01, v6;
	v3 =	vld [tilespmem:s21+$0x4000]  }
0xb6: {  	s17 =	sor.u32 s24, s17;
	s2 =	sor.u32 s6, s18;
	v7 =	vmul.f32 $3.200000000e+01, v7;
	v4 =	vld [tilespmem:s28+$0x0];
	[tilespmem:s16+$0x14000] =	vst v9;
	v9 =	vadd.f32 v8, v11  }
0xb7: {  	s8 =	sor.u32 s6, s17;
	v6 =	vld [tilespmem:s2+$0x4000];
	v8 =	vadd.f32 v10, v12  }
.LBB2_4:
0xb8: {  	s30 =	sadd.s32 $0x40, s30;
	v10 =	vld [tilespmem:s8+$0x4000];
	[tilespmem:s7+$0x14000] =	vst v9;
	v2 =	vadd.f32 v2, v7;
	s7 =	smov.u32 s21;
	s19 =	sadd.s32 $0x200, s19  }
0xb9: {  	s16 =	sand.u32 $0x40, s30;
	p0 =	slt.u32 s30, $0x3C0;
	v9 =	vld [tilespmem:s7+$0x0];
	v5 =	vmul.f32 $3.200000000e+01, v5;
	[tilespmem:s3+$0x14000] =	vst v8;
	s3 =	sand.u32 $0x1C00, s19  }
0xba: {  	s17 =	sor.u32 s20, s16;
	s21 =	sor.u32 s29, s16;
	v8 =	vmul.f32 $3.200000000e+01, v3;
	v11 =	vld [tilespmem:s2+$0x0];
	[tilespmem:s11+$0x14000] =	vst v2;
	s11 =	sor.u32 s9, s16  }
.Ltmp0:
0xbb: {  	s16 =	sor.u32 s24, s16;
	s31 =	sor.u32 s3, s21;
	v2 =	vld [tilespmem:s8+$0x0];
	v4 =	vadd.f32 v4, v5;
	(pc) =	sbr.rel @p0 .LBB2_4-.Ltmp0, $4  }
0xbc: {  	s21 =	sor.u32 s3, s17;
	s11 =	sor.u32 s3, s11;
	s16 =	sor.u32 s3, s16;
	v5 =	vld [tilespmem:s31+$0x4000];
	v12 =	vmul.f32 $3.200000000e+01, v6  }
0xbd: {  	s3 =	smov.u32 s2;
	s2 =	smov.u32 s11;
	v3 =	vld [tilespmem:s21+$0x4000];
	v7 =	vmul.f32 $3.200000000e+01, v10;
	[tilespmem:s28+$0x14000] =	vst v4;
	s28 =	smov.u32 s31  }
0xbe: {  	s11 =	smov.u32 s8;
	s8 =	smov.u32 s16;
	v4 =	vld [tilespmem:s28+$0x0];
	v9 =	vadd.f32 v9, v8  }
0xbf: {  	v6 =	vld [tilespmem:s2+$0x4000];
	v8 =	vadd.f32 v11, v12  }
0xc0: {  	v10 =	vld [tilespmem:s8+$0x4000]  }
0xc1: {  	v11 =	vld [tilespmem:s21+$0x0]  }
0xc2: {  	v12 =	vld [tilespmem:s2+$0x0]  }
0xc3: {  	v13 =	vld [tilespmem:s8+$0x0];
	v5 =	vmul.f32 $3.200000000e+01, v5  }
0xc4: {  	[tilespmem:s7+$0x14000] =	vst v9;
	v2 =	vadd.f32 v2, v7;
	s15 =	sadd.s32 $0x1, s15;
	v3 =	vmul.f32 $3.200000000e+01, v3  }
0xc5: {  	[tilespmem:s3+$0x14000] =	vst v8;
	p0 =	sne.s32 s15, $0x8;
	v4 =	vadd.f32 v4, v5;
	v62 =	vmul.f32 $3.200000000e+01, v6  }
.Ltmp1:
0xc6: {  	[tilespmem:s11+$0x14000] =	vst v2;
	v2 =	vmul.f32 $3.200000000e+01, v10;
	v3 =	vadd.f32 v11, v3;
	(pc) =	sbr.rel @p0 .LBB2_3-.Ltmp1, $4  }
0xc7: {  	[tilespmem:s28+$0x14000] =	vst v4;
	v63 =	vadd.f32 v12, v62  }
0xc8: {  	[tilespmem:s21+$0x14000] =	vst v3;
	v2 =	vadd.f32 v13, v2  }
0xc9: {  	[tilespmem:s2+$0x14000] =	vst v63  }
0xca: {  	[tilespmem:s8+$0x14000] =	vst v2  }
0xcb: {  	s10 =	sshll.u32 s22, $0xB;
	s2 =	rddreg [dreg:$0x9]  }
0xcc: {  	s30 =	rddreg [dreg:$0x3];
	p0 =	seq.s32 s22, $0x3;
	s15 =	sadd.s32 s2, s10  }
0xcd: {  	s3 =	simm.s32 $0x14000;
	s26 =	sshrl.u32 @!p0 s26, $0x2;
	s2 =	sadd.s32 s30, s15  }
0xce: {  	[hbm4b:s2+s5] =	stream.linear.scatter [tilespmem:s3], [sflag:$0x9], $0x2000, $0x38;
	[tilespmem:$0x1C200] =	vst v63  }
0xcf: {  	v2 =	vld.msk @!p0 [tilespmem:s26+$0x1C010], $0xff;
	_ =	sdelay $0x4  }
0xd0: {  	v3 =	vshll.u32 @!p0 v2, $0x3  }
0xd1: {  	v4 =	vlaneseq.u32 @!p0;
	v2 =	vand.u32 @!p0 $0x7, v2;
	v3 =	vand.u32 @!p0 $0xFFFFFFC0, v3  }
0xd2: {  	v2 =	vor.u32 @!p0 v2, v3;
	v3 =	vand.u32 @!p0 $0x7, v4;
	v4 =	vshrl.u32 @!p0 v4, $0x3  }
0xd3: {  	v2 =	vperm.xlane @!p0 v2, v3;
	v3 =	vmul.u32 @!p0 $0x8, v4;
	_ =	sdelay $0x1  }
0xd4: {  	v2 =	vadd.s32 @!p0 v3, v2;
	_ =	sdelay $0x3  }
0xd5: {  	vm1 =	vmmov @!p0 $0xffff;
	s2 =	simm.s32 @!p0 $0x0;
	s3 =	simm.s32 @!p0 $0x4000  }
0xd6: {  	[tilespmem:s3], [sflag:$0x1] =	stream.indirect_vreg.gather @!p0 [hbm4b:s1+s2], $0x80, v2, vm1, $0xb8;
	[tilespmem:$0x1C200] =	vst v63  }
0xd7: {  	s3 =	simm.s32 @!p0 $0x4800  }
0xd8: {  	[tilespmem:s3], [sflag:$0x1] =	stream.indirect_vreg.gather @!p0 [hbm4b:s12+s2], $0x80, v2, vm1, $0xb8;
	[tilespmem:$0x1C200] =	vst v63  }
0xd9: {  	p1 =	seq.s32 @!p0 s22, $0x0;
	s3 =	simm.s32 @!p0 $0x5000  }
0xda: {  	[tilespmem:s3], [sflag:$0x1] =	stream.indirect_vreg.gather @!p0 [hbm4b:s13+s2], $0x80, v2, vm1, $0xb8;
	[tilespmem:$0x1C200] =	vst v63  }
0xdb: {  	p1 =	por p0, !p1;
	s3 =	simm.s32 @!p0 $0x5800  }
0xdc: {  	[tilespmem:s3], [sflag:$0x1] =	stream.indirect_vreg.gather @!p0 [hbm4b:s14+s2], $0x80, v2, vm1, $0xb8;
	[tilespmem:$0x1C200] =	vst v63  }
0xdd: {  	s2 =	simm.s32 @p1 $0xA  }
0xde: {  	_ =	swait.ge @p1 [sflag:s2], $0x2000  }
0xdf: {  	[sflag:s2] =	ssyncset.done @p1 $0x0  }
0xe0: {  	s31 =	simm.s32 $0x2;
	[sflag:s2] =	ssyncadd.s32 @p1 $0xFFFFE000  }
0xe1: {  	_ =	swait.ge [sflag:s31], $0x2000  }
0xe2: {  	[sflag:s31] =	ssyncset.done $0x0  }
0xe3: {  	s20 =	simm.s32 $0x0;
	s29 =	simm.s32 $0x0;
	[sflag:s31] =	ssyncadd.s32 $0xFFFFE000  }
.LBB2_7:
0xe4: {  	s31 =	sshll.u32 s29, $0x7;
	s2 =	simm.s32 $0x0  }
0xe5: {  	s7 =	sor.u32 $0x30, s31;
	s2 =	sand.u32 $0x40, s2  }
0xe6: {  	s3 =	sand.u32 $0x1C00, s20;
	s8 =	sor.u32 s7, s2  }
0xe7: {  	s9 =	sor.u32 s31, s2;
	s17 =	sor.u32 s3, s8  }
0xe8: {  	s24 =	sor.u32 $0x10, s31;
	s9 =	sor.u32 s3, s9;
	v2 =	vld [tilespmem:s17+$0x6000]  }
0xe9: {  	s28 =	sor.u32 $0x20, s31;
	s21 =	sor.u32 s24, s2;
	v3 =	vld [tilespmem:s9+$0x6000]  }
0xea: {  	s2 =	sor.u32 s28, s2;
	s21 =	sor.u32 s3, s21;
	v4 =	vld [tilespmem:s17+$0x0]  }
0xeb: {  	s3 =	sor.u32 s3, s2;
	v6 =	vld [tilespmem:s21+$0x6000]  }
0xec: {  	s2 =	simm.s32 $0x40;
	v7 =	vld [tilespmem:s3+$0x6000]  }
0xed: {  	s11 =	simm.s32 $0x200;
	s6 =	sand.u32 $0x40, s2;
	v8 =	vld [tilespmem:s9+$0x0]  }
0xee: {  	s19 =	sand.u32 $0x1C00, s11;
	v10 =	vld [tilespmem:s21+$0x0];
	s16 =	sor.u32 s7, s6;
	v9 =	vmul.f32 $3.200000000e+01, v2  }
0xef: {  	s18 =	sor.u32 s31, s6;
	s30 =	sor.u32 s19, s16;
	v2 =	vld [tilespmem:s3+$0x0]  }
0xf0: {  	s16 =	sor.u32 s19, s18;
	v5 =	vld [tilespmem:s30+$0x6000];
	v11 =	vmul.f32 $3.200000000e+01, v3;
	v9 =	vadd.f32 v4, v9  }
0xf1: {  	s18 =	sor.u32 s24, s6;
	v12 =	vmul.f32 $3.200000000e+01, v6;
	v3 =	vld [tilespmem:s16+$0x6000]  }
0xf2: {  	s6 =	sor.u32 s28, s6;
	s8 =	sor.u32 s19, s18;
	v7 =	vmul.f32 $3.200000000e+01, v7;
	v4 =	vld [tilespmem:s30+$0x0];
	[tilespmem:s17+$0x16000] =	vst v9;
	v9 =	vadd.f32 v8, v11  }
0xf3: {  	s19 =	sor.u32 s19, s6;
	v6 =	vld [tilespmem:s8+$0x6000];
	v8 =	vadd.f32 v10, v12  }
.LBB2_8:
0xf4: {  	s2 =	sadd.s32 $0x40, s2;
	v10 =	vld [tilespmem:s19+$0x6000];
	[tilespmem:s9+$0x16000] =	vst v9;
	v2 =	vadd.f32 v2, v7;
	s9 =	smov.u32 s16;
	s11 =	sadd.s32 $0x200, s11  }
0xf5: {  	s6 =	sand.u32 $0x40, s2;
	p2 =	slt.u32 s2, $0x3C0;
	v9 =	vld [tilespmem:s9+$0x0];
	v5 =	vmul.f32 $3.200000000e+01, v5;
	[tilespmem:s21+$0x16000] =	vst v8;
	s17 =	sand.u32 $0x1C00, s11  }
0xf6: {  	s16 =	sor.u32 s31, s6;
	s18 =	sor.u32 s7, s6;
	v8 =	vmul.f32 $3.200000000e+01, v3;
	v11 =	vld [tilespmem:s8+$0x0];
	[tilespmem:s3+$0x16000] =	vst v2;
	s3 =	sor.u32 s24, s6  }
.Ltmp2:
0xf7: {  	s6 =	sor.u32 s28, s6;
	s18 =	sor.u32 s17, s18;
	v2 =	vld [tilespmem:s19+$0x0];
	v4 =	vadd.f32 v4, v5;
	(pc) =	sbr.rel @p2 .LBB2_8-.Ltmp2, $4  }
0xf8: {  	s16 =	sor.u32 s17, s16;
	s3 =	sor.u32 s17, s3;
	s6 =	sor.u32 s17, s6;
	v5 =	vld [tilespmem:s18+$0x6000];
	v12 =	vmul.f32 $3.200000000e+01, v6  }
0xf9: {  	s21 =	smov.u32 s8;
	s8 =	smov.u32 s3;
	v3 =	vld [tilespmem:s16+$0x6000];
	v7 =	vmul.f32 $3.200000000e+01, v10;
	[tilespmem:s30+$0x16000] =	vst v4;
	s30 =	smov.u32 s18  }
0xfa: {  	s3 =	smov.u32 s19;
	s19 =	smov.u32 s6;
	v4 =	vld [tilespmem:s30+$0x0];
	v9 =	vadd.f32 v9, v8  }
0xfb: {  	v6 =	vld [tilespmem:s8+$0x6000];
	v8 =	vadd.f32 v11, v12  }
0xfc: {  	v10 =	vld [tilespmem:s19+$0x6000]  }
0xfd: {  	v11 =	vld [tilespmem:s16+$0x0]  }
0xfe: {  	v12 =	vld [tilespmem:s8+$0x0]  }
0xff: {  	v13 =	vld [tilespmem:s19+$0x0];
	v5 =	vmul.f32 $3.200000000e+01, v5  }
0x100: {  	[tilespmem:s9+$0x16000] =	vst v9;
	v2 =	vadd.f32 v2, v7;
	s29 =	sadd.s32 $0x1, s29;
	v3 =	vmul.f32 $3.200000000e+01, v3  }
0x101: {  	[tilespmem:s21+$0x16000] =	vst v8;
	p2 =	sne.s32 s29, $0x8;
	v4 =	vadd.f32 v4, v5;
	v62 =	vmul.f32 $3.200000000e+01, v6  }
.Ltmp3:
0x102: {  	[tilespmem:s3+$0x16000] =	vst v2;
	v2 =	vmul.f32 $3.200000000e+01, v10;
	v3 =	vadd.f32 v11, v3;
	(pc) =	sbr.rel @p2 .LBB2_7-.Ltmp3, $4  }
0x103: {  	[tilespmem:s30+$0x16000] =	vst v4;
	v63 =	vadd.f32 v12, v62  }
0x104: {  	[tilespmem:s16+$0x16000] =	vst v3;
	v2 =	vadd.f32 v13, v2  }
0x105: {  	[tilespmem:s8+$0x16000] =	vst v63  }
0x106: {  	[tilespmem:s19+$0x16000] =	vst v2  }
0x107: {  	s2 =	rddreg [dreg:$0xc]  }
0x108: {  	s3 =	simm.s32 $0x16000;
	s2 =	sadd.s32 s15, s2  }
0x109: {  	[hbm4b:s2+s5] =	stream.linear.scatter [tilespmem:s3], [sflag:$0xA], $0x2000, $0x38;
	[tilespmem:$0x1C200] =	vst v63  }
0x10a: {  	v2 =	vld.msk @!p0 [tilespmem:s26+$0x1C090], $0xff;
	_ =	sdelay $0x4  }
0x10b: {  	v3 =	vshll.u32 @!p0 v2, $0x3  }
0x10c: {  	v4 =	vlaneseq.u32 @!p0;
	v2 =	vand.u32 @!p0 $0x7, v2;
	v3 =	vand.u32 @!p0 $0xFFFFFFC0, v3  }
0x10d: {  	v2 =	vor.u32 @!p0 v2, v3;
	v3 =	vand.u32 @!p0 $0x7, v4;
	v4 =	vshrl.u32 @!p0 v4, $0x3  }
0x10e: {  	v2 =	vperm.xlane @!p0 v2, v3;
	v3 =	vmul.u32 @!p0 $0x8, v4;
	_ =	sdelay $0x1  }
0x10f: {  	v2 =	vadd.s32 @!p0 v3, v2;
	_ =	sdelay $0x3  }
0x110: {  	s2 =	simm.s32 @!p0 $0x0;
	s3 =	simm.s32 @!p0 $0x6000  }
0x111: {  	[tilespmem:s3], [sflag:$0x2] =	stream.indirect_vreg.gather @!p0 [hbm4b:s1+s2], $0x80, v2, vm1, $0xb8;
	[tilespmem:$0x1C200] =	vst v63  }
0x112: {  	s3 =	simm.s32 @!p0 $0x6800  }
0x113: {  	[tilespmem:s3], [sflag:$0x2] =	stream.indirect_vreg.gather @!p0 [hbm4b:s12+s2], $0x80, v2, vm1, $0xb8;
	[tilespmem:$0x1C200] =	vst v63  }
0x114: {  	s3 =	simm.s32 @!p0 $0x7000  }
0x115: {  	[tilespmem:s3], [sflag:$0x2] =	stream.indirect_vreg.gather @!p0 [hbm4b:s13+s2], $0x80, v2, vm1, $0xb8;
	[tilespmem:$0x1C200] =	vst v63  }
0x116: {  	s3 =	simm.s32 @!p0 $0x7800  }
0x117: {  	[tilespmem:s3], [sflag:$0x2] =	stream.indirect_vreg.gather @!p0 [hbm4b:s14+s2], $0x80, v2, vm1, $0xb8;
	[tilespmem:$0x1C200] =	vst v63  }
0x118: {  	s2 =	simm.s32 @p1 $0xB  }
0x119: {  	_ =	swait.ge @p1 [sflag:s2], $0x2000  }
0x11a: {  	[sflag:s2] =	ssyncset.done @p1 $0x0  }
0x11b: {  	s31 =	simm.s32 $0x3;
	[sflag:s2] =	ssyncadd.s32 @p1 $0xFFFFE000  }
0x11c: {  	_ =	swait.ge [sflag:s31], $0x2000  }
0x11d: {  	[sflag:s31] =	ssyncset.done $0x0  }
0x11e: {  	s20 =	simm.s32 $0x0;
	s29 =	simm.s32 $0x0;
	[sflag:s31] =	ssyncadd.s32 $0xFFFFE000  }
.LBB2_11:
0x11f: {  	s31 =	sshll.u32 s29, $0x7;
	s2 =	simm.s32 $0x0  }
0x120: {  	s7 =	sor.u32 $0x30, s31;
	s2 =	sand.u32 $0x40, s2  }
0x121: {  	s3 =	sand.u32 $0x1C00, s20;
	s6 =	sor.u32 s7, s2  }
0x122: {  	s8 =	sor.u32 s31, s2;
	s6 =	sor.u32 s3, s6  }
0x123: {  	s24 =	sor.u32 $0x10, s31;
	s9 =	sor.u32 s3, s8;
	v2 =	vld [tilespmem:s6+$0x8000]  }
0x124: {  	s28 =	sor.u32 $0x20, s31;
	s18 =	sor.u32 s24, s2;
	v3 =	vld [tilespmem:s9+$0x8000]  }
0x125: {  	s2 =	sor.u32 s28, s2;
	s21 =	sor.u32 s3, s18;
	v4 =	vld [tilespmem:s6+$0x0]  }
0x126: {  	s3 =	sor.u32 s3, s2;
	v6 =	vld [tilespmem:s21+$0x8000]  }
0x127: {  	s2 =	simm.s32 $0x40;
	v7 =	vld [tilespmem:s3+$0x8000]  }
0x128: {  	s11 =	simm.s32 $0x200;
	s19 =	sand.u32 $0x40, s2;
	v8 =	vld [tilespmem:s9+$0x0]  }
0x129: {  	s17 =	sand.u32 $0x1C00, s11;
	v10 =	vld [tilespmem:s21+$0x0];
	s16 =	sor.u32 s7, s19;
	v9 =	vmul.f32 $3.200000000e+01, v2  }
0x12a: {  	s18 =	sor.u32 s31, s19;
	s30 =	sor.u32 s17, s16;
	v2 =	vld [tilespmem:s3+$0x0]  }
0x12b: {  	s16 =	sor.u32 s17, s18;
	v5 =	vld [tilespmem:s30+$0x8000];
	v11 =	vmul.f32 $3.200000000e+01, v3;
	v9 =	vadd.f32 v4, v9  }
0x12c: {  	s18 =	sor.u32 s24, s19;
	v12 =	vmul.f32 $3.200000000e+01, v6;
	v3 =	vld [tilespmem:s16+$0x8000]  }
0x12d: {  	s19 =	sor.u32 s28, s19;
	s8 =	sor.u32 s17, s18;
	v7 =	vmul.f32 $3.200000000e+01, v7;
	v4 =	vld [tilespmem:s30+$0x0];
	[tilespmem:s6+$0x18000] =	vst v9;
	v9 =	vadd.f32 v8, v11  }
0x12e: {  	s19 =	sor.u32 s17, s19;
	v6 =	vld [tilespmem:s8+$0x8000];
	v8 =	vadd.f32 v10, v12  }
.LBB2_12:
0x12f: {  	s2 =	sadd.s32 $0x40, s2;
	v10 =	vld [tilespmem:s19+$0x8000];
	[tilespmem:s9+$0x18000] =	vst v9;
	v2 =	vadd.f32 v2, v7;
	s9 =	smov.u32 s16;
	s11 =	sadd.s32 $0x200, s11  }
0x130: {  	s6 =	sand.u32 $0x40, s2;
	p2 =	slt.u32 s2, $0x3C0;
	v9 =	vld [tilespmem:s9+$0x0];
	v5 =	vmul.f32 $3.200000000e+01, v5;
	[tilespmem:s21+$0x18000] =	vst v8;
	s17 =	sand.u32 $0x1C00, s11  }
0x131: {  	s16 =	sor.u32 s31, s6;
	s18 =	sor.u32 s7, s6;
	v8 =	vmul.f32 $3.200000000e+01, v3;
	v11 =	vld [tilespmem:s8+$0x0];
	[tilespmem:s3+$0x18000] =	vst v2;
	s3 =	sor.u32 s24, s6  }
.Ltmp4:
0x132: {  	s6 =	sor.u32 s28, s6;
	s18 =	sor.u32 s17, s18;
	v2 =	vld [tilespmem:s19+$0x0];
	v4 =	vadd.f32 v4, v5;
	(pc) =	sbr.rel @p2 .LBB2_12-.Ltmp4, $4  }
0x133: {  	s16 =	sor.u32 s17, s16;
	s3 =	sor.u32 s17, s3;
	s6 =	sor.u32 s17, s6;
	v5 =	vld [tilespmem:s18+$0x8000];
	v12 =	vmul.f32 $3.200000000e+01, v6  }
0x134: {  	s21 =	smov.u32 s8;
	s8 =	smov.u32 s3;
	v3 =	vld [tilespmem:s16+$0x8000];
	v7 =	vmul.f32 $3.200000000e+01, v10;
	[tilespmem:s30+$0x18000] =	vst v4;
	s30 =	smov.u32 s18  }
0x135: {  	s3 =	smov.u32 s19;
	s19 =	smov.u32 s6;
	v4 =	vld [tilespmem:s30+$0x0];
	v9 =	vadd.f32 v9, v8  }
0x136: {  	v6 =	vld [tilespmem:s8+$0x8000];
	v8 =	vadd.f32 v11, v12  }
0x137: {  	v10 =	vld [tilespmem:s19+$0x8000]  }
0x138: {  	v11 =	vld [tilespmem:s16+$0x0]  }
0x139: {  	v12 =	vld [tilespmem:s8+$0x0]  }
0x13a: {  	v13 =	vld [tilespmem:s19+$0x0];
	v5 =	vmul.f32 $3.200000000e+01, v5  }
0x13b: {  	[tilespmem:s9+$0x18000] =	vst v9;
	v2 =	vadd.f32 v2, v7;
	s29 =	sadd.s32 $0x1, s29;
	v3 =	vmul.f32 $3.200000000e+01, v3  }
0x13c: {  	[tilespmem:s21+$0x18000] =	vst v8;
	p2 =	sne.s32 s29, $0x8;
	v4 =	vadd.f32 v4, v5;
	v62 =	vmul.f32 $3.200000000e+01, v6  }
.Ltmp5:
0x13d: {  	[tilespmem:s3+$0x18000] =	vst v2;
	v2 =	vmul.f32 $3.200000000e+01, v10;
	v3 =	vadd.f32 v11, v3;
	(pc) =	sbr.rel @p2 .LBB2_11-.Ltmp5, $4  }
0x13e: {  	[tilespmem:s30+$0x18000] =	vst v4;
	v63 =	vadd.f32 v12, v62  }
0x13f: {  	[tilespmem:s16+$0x18000] =	vst v3;
	v2 =	vadd.f32 v13, v2  }
0x140: {  	[tilespmem:s8+$0x18000] =	vst v63  }
0x141: {  	[tilespmem:s19+$0x18000] =	vst v2  }
0x142: {  	s2 =	rddreg [dreg:$0xd]  }
0x143: {  	s3 =	simm.s32 $0x18000;
	s2 =	sadd.s32 s15, s2  }
0x144: {  	[hbm4b:s2+s5] =	stream.linear.scatter [tilespmem:s3], [sflag:$0xB], $0x2000, $0x38;
	[tilespmem:$0x1C200] =	vst v63  }
0x145: {  	v2 =	vld.msk @!p0 [tilespmem:s26+$0x1C110], $0xff;
	_ =	sdelay $0x4  }
0x146: {  	v3 =	vshll.u32 @!p0 v2, $0x3  }
0x147: {  	v4 =	vlaneseq.u32 @!p0;
	v2 =	vand.u32 @!p0 $0x7, v2;
	v3 =	vand.u32 @!p0 $0xFFFFFFC0, v3  }
0x148: {  	v2 =	vor.u32 @!p0 v2, v3;
	v3 =	vand.u32 @!p0 $0x7, v4;
	v4 =	vshrl.u32 @!p0 v4, $0x3  }
0x149: {  	v2 =	vperm.xlane @!p0 v2, v3;
	v3 =	vmul.u32 @!p0 $0x8, v4;
	_ =	sdelay $0x1  }
0x14a: {  	v2 =	vadd.s32 @!p0 v3, v2;
	_ =	sdelay $0x3  }
0x14b: {  	s2 =	simm.s32 @!p0 $0x0;
	s3 =	simm.s32 @!p0 $0x8000  }
0x14c: {  	[tilespmem:s3], [sflag:$0x3] =	stream.indirect_vreg.gather @!p0 [hbm4b:s1+s2], $0x80, v2, vm1, $0xb8;
	[tilespmem:$0x1C200] =	vst v63  }
0x14d: {  	s3 =	simm.s32 @!p0 $0x8800  }
0x14e: {  	[tilespmem:s3], [sflag:$0x3] =	stream.indirect_vreg.gather @!p0 [hbm4b:s12+s2], $0x80, v2, vm1, $0xb8;
	[tilespmem:$0x1C200] =	vst v63  }
0x14f: {  	s3 =	simm.s32 @!p0 $0x9000  }
0x150: {  	[tilespmem:s3], [sflag:$0x3] =	stream.indirect_vreg.gather @!p0 [hbm4b:s13+s2], $0x80, v2, vm1, $0xb8;
	[tilespmem:$0x1C200] =	vst v63  }
0x151: {  	s3 =	simm.s32 @!p0 $0x9800  }
0x152: {  	[tilespmem:s3], [sflag:$0x3] =	stream.indirect_vreg.gather @!p0 [hbm4b:s14+s2], $0x80, v2, vm1, $0xb8;
	[tilespmem:$0x1C200] =	vst v63  }
0x153: {  	_ =	swait.ge @p1 [sflag:s0], $0x2000  }
0x154: {  	[sflag:s0] =	ssyncset.done @p1 $0x0  }
0x155: {  	s31 =	simm.s32 $0x4;
	[sflag:s0] =	ssyncadd.s32 @p1 $0xFFFFE000  }
0x156: {  	_ =	swait.ge [sflag:s31], $0x2000  }
0x157: {  	[sflag:s31] =	ssyncset.done $0x0  }
0x158: {  	s20 =	simm.s32 $0x0;
	s29 =	simm.s32 $0x0;
	[sflag:s31] =	ssyncadd.s32 $0xFFFFE000  }
.LBB2_15:
0x159: {  	s31 =	sshll.u32 s29, $0x7;
	s2 =	simm.s32 $0x0  }
0x15a: {  	s7 =	sor.u32 $0x30, s31;
	s2 =	sand.u32 $0x40, s2  }
0x15b: {  	s3 =	sand.u32 $0x1C00, s20;
	s6 =	sor.u32 s7, s2  }
0x15c: {  	s8 =	sor.u32 s31, s2;
	s6 =	sor.u32 s3, s6  }
0x15d: {  	s24 =	sor.u32 $0x10, s31;
	s9 =	sor.u32 s3, s8;
	v2 =	vld [tilespmem:s6+$0xA000]  }
0x15e: {  	s28 =	sor.u32 $0x20, s31;
	s18 =	sor.u32 s24, s2;
	v3 =	vld [tilespmem:s9+$0xA000]  }
0x15f: {  	s2 =	sor.u32 s28, s2;
	s21 =	sor.u32 s3, s18;
	v4 =	vld [tilespmem:s6+$0x0]  }
0x160: {  	s3 =	sor.u32 s3, s2;
	v6 =	vld [tilespmem:s21+$0xA000]  }
0x161: {  	s2 =	simm.s32 $0x40;
	v7 =	vld [tilespmem:s3+$0xA000]  }
0x162: {  	s11 =	simm.s32 $0x200;
	s19 =	sand.u32 $0x40, s2;
	v8 =	vld [tilespmem:s9+$0x0]  }
0x163: {  	s17 =	sand.u32 $0x1C00, s11;
	v10 =	vld [tilespmem:s21+$0x0];
	s16 =	sor.u32 s7, s19;
	v9 =	vmul.f32 $3.200000000e+01, v2  }
0x164: {  	s18 =	sor.u32 s31, s19;
	s30 =	sor.u32 s17, s16;
	v2 =	vld [tilespmem:s3+$0x0]  }
0x165: {  	s16 =	sor.u32 s17, s18;
	v5 =	vld [tilespmem:s30+$0xA000];
	v11 =	vmul.f32 $3.200000000e+01, v3;
	v9 =	vadd.f32 v4, v9  }
0x166: {  	s18 =	sor.u32 s24, s19;
	v12 =	vmul.f32 $3.200000000e+01, v6;
	v3 =	vld [tilespmem:s16+$0xA000]  }
0x167: {  	s19 =	sor.u32 s28, s19;
	s8 =	sor.u32 s17, s18;
	v7 =	vmul.f32 $3.200000000e+01, v7;
	v4 =	vld [tilespmem:s30+$0x0];
	[tilespmem:s6+$0x1A000] =	vst v9;
	v9 =	vadd.f32 v8, v11  }
0x168: {  	s19 =	sor.u32 s17, s19;
	v6 =	vld [tilespmem:s8+$0xA000];
	v8 =	vadd.f32 v10, v12  }
.LBB2_16:
0x169: {  	s2 =	sadd.s32 $0x40, s2;
	v10 =	vld [tilespmem:s19+$0xA000];
	[tilespmem:s9+$0x1A000] =	vst v9;
	v2 =	vadd.f32 v2, v7;
	s9 =	smov.u32 s16;
	s11 =	sadd.s32 $0x200, s11  }
0x16a: {  	s6 =	sand.u32 $0x40, s2;
	p1 =	slt.u32 s2, $0x3C0;
	v9 =	vld [tilespmem:s9+$0x0];
	v5 =	vmul.f32 $3.200000000e+01, v5;
	[tilespmem:s21+$0x1A000] =	vst v8;
	s17 =	sand.u32 $0x1C00, s11  }
0x16b: {  	s16 =	sor.u32 s31, s6;
	s18 =	sor.u32 s7, s6;
	v8 =	vmul.f32 $3.200000000e+01, v3;
	v11 =	vld [tilespmem:s8+$0x0];
	[tilespmem:s3+$0x1A000] =	vst v2;
	s3 =	sor.u32 s24, s6  }
.Ltmp6:
0x16c: {  	s6 =	sor.u32 s28, s6;
	s18 =	sor.u32 s17, s18;
	v2 =	vld [tilespmem:s19+$0x0];
	v4 =	vadd.f32 v4, v5;
	(pc) =	sbr.rel @p1 .LBB2_16-.Ltmp6, $4  }
0x16d: {  	s16 =	sor.u32 s17, s16;
	s3 =	sor.u32 s17, s3;
	s6 =	sor.u32 s17, s6;
	v5 =	vld [tilespmem:s18+$0xA000];
	v12 =	vmul.f32 $3.200000000e+01, v6  }
0x16e: {  	s21 =	smov.u32 s8;
	s8 =	smov.u32 s3;
	v3 =	vld [tilespmem:s16+$0xA000];
	v7 =	vmul.f32 $3.200000000e+01, v10;
	[tilespmem:s30+$0x1A000] =	vst v4;
	s30 =	smov.u32 s18  }
0x16f: {  	s3 =	smov.u32 s19;
	s19 =	smov.u32 s6;
	v4 =	vld [tilespmem:s30+$0x0];
	v9 =	vadd.f32 v9, v8  }
0x170: {  	v6 =	vld [tilespmem:s8+$0xA000];
	v8 =	vadd.f32 v11, v12  }
0x171: {  	v10 =	vld [tilespmem:s19+$0xA000]  }
0x172: {  	v11 =	vld [tilespmem:s16+$0x0]  }
0x173: {  	v12 =	vld [tilespmem:s8+$0x0]  }
0x174: {  	v13 =	vld [tilespmem:s19+$0x0];
	v5 =	vmul.f32 $3.200000000e+01, v5  }
0x175: {  	[tilespmem:s9+$0x1A000] =	vst v9;
	v2 =	vadd.f32 v2, v7;
	s29 =	sadd.s32 $0x1, s29;
	v3 =	vmul.f32 $3.200000000e+01, v3  }
0x176: {  	[tilespmem:s21+$0x1A000] =	vst v8;
	p1 =	sne.s32 s29, $0x8;
	v4 =	vadd.f32 v4, v5;
	v62 =	vmul.f32 $3.200000000e+01, v6  }
.Ltmp7:
0x177: {  	[tilespmem:s3+$0x1A000] =	vst v2;
	v2 =	vmul.f32 $3.200000000e+01, v10;
	v3 =	vadd.f32 v11, v3;
	(pc) =	sbr.rel @p1 .LBB2_15-.Ltmp7, $4  }
0x178: {  	[tilespmem:s30+$0x1A000] =	vst v4;
	v63 =	vadd.f32 v12, v62  }
0x179: {  	[tilespmem:s16+$0x1A000] =	vst v3;
	v2 =	vadd.f32 v13, v2  }
0x17a: {  	[tilespmem:s8+$0x1A000] =	vst v63  }
0x17b: {  	[tilespmem:s19+$0x1A000] =	vst v2  }
0x17c: {  	s30 =	smov.u32 s25;
	s2 =	sadd.s32 s15, s25;
	s25 =	simm.s32 $0x1A000  }
0x17d: {  	[hbm4b:s2+s5] =	stream.linear.scatter [tilespmem:s25], [sflag:$0xC], $0x2000, $0x38;
	[tilespmem:$0x1C200] =	vst v63  }
0x17e: {  	s2 =	simm.s32 @p0 $0x9  }
0x17f: {  	_ =	swait.ge @p0 [sflag:s2], $0x2000  }
0x180: {  	[sflag:s2] =	ssyncset.done @p0 $0x0  }
0x181: {  	[sflag:s2] =	ssyncadd.s32 @p0 $0xFFFFE000;
	s2 =	simm.s32 @p0 $0xE  }
0x182: {  	_ =	swait.ge @p0 [sflag:s2], $0x2000  }
0x183: {  	[sflag:s2] =	ssyncset.done @p0 $0x0  }
0x184: {  	[sflag:s2] =	ssyncadd.s32 @p0 $0xFFFFE000  }
0x185: {  	v2 =	vld.msk @!p0 [tilespmem:s26+$0x1C190], $0xff;
	_ =	sdelay $0x4  }
0x186: {  	v3 =	vshll.u32 @!p0 v2, $0x3  }
0x187: {  	v4 =	vlaneseq.u32 @!p0;
	v2 =	vand.u32 @!p0 $0x7, v2;
	v3 =	vand.u32 @!p0 $0xFFFFFFC0, v3  }
0x188: {  	v2 =	vor.u32 @!p0 v2, v3;
	v3 =	vand.u32 @!p0 $0x7, v4;
	v4 =	vshrl.u32 @!p0 v4, $0x3  }
0x189: {  	v2 =	vperm.xlane @!p0 v2, v3;
	v3 =	vmul.u32 @!p0 $0x8, v4;
	_ =	sdelay $0x1  }
0x18a: {  	v2 =	vadd.s32 @!p0 v3, v2;
	_ =	sdelay $0x3  }
0x18b: {  	s3 =	simm.s32 @!p0 $0xA000;
	s2 =	simm.s32 @!p0 $0x0  }
0x18c: {  	[tilespmem:s3], [sflag:$0x4] =	stream.indirect_vreg.gather @!p0 [hbm4b:s1+s2], $0x80, v2, vm1, $0xb8;
	[tilespmem:$0x1C200] =	vst v63  }
0x18d: {  	s3 =	simm.s32 @!p0 $0xA800  }
0x18e: {  	[tilespmem:s3], [sflag:$0x4] =	stream.indirect_vreg.gather @!p0 [hbm4b:s12+s2], $0x80, v2, vm1, $0xb8;
	[tilespmem:$0x1C200] =	vst v63  }
0x18f: {  	s3 =	simm.s32 @!p0 $0xB000  }
0x190: {  	[tilespmem:s3], [sflag:$0x4] =	stream.indirect_vreg.gather @!p0 [hbm4b:s13+s2], $0x80, v2, vm1, $0xb8;
	[tilespmem:$0x1C200] =	vst v63  }
0x191: {  	s3 =	simm.s32 @!p0 $0xB800  }
0x192: {  	[tilespmem:s3], [sflag:$0x4] =	stream.indirect_vreg.gather @!p0 [hbm4b:s14+s2], $0x80, v2, vm1, $0xb8;
	[tilespmem:$0x1C200] =	vst v63  }
0x193: {  	s3 =	simm.s32 @!p0 $0x9  }
0x194: {  	_ =	swait.ge @!p0 [sflag:s3], $0x2000  }
0x195: {  	[sflag:s3] =	ssyncset.done @!p0 $0x0  }
0x196: {  	[sflag:s3] =	ssyncadd.s32 @!p0 $0xFFFFE000;
	s3 =	simm.s32 @!p0 $0xE  }
0x197: {  	_ =	swait.ge @!p0 [sflag:s3], $0x2000  }
0x198: {  	[sflag:s3] =	ssyncset.done @!p0 $0x0  }
0x199: {  	[sflag:s3] =	ssyncadd.s32 @!p0 $0xFFFFE000;
	s3 =	rddreg [dreg:$0xf]  }
0x19a: {  	s31 =	simm.s32 $0x5;
	s3 =	sadd.s32 @!p0 s3, s10  }
0x19b: {  	[tilespmem:s2], [sflag:$0xD] =	stream.linear.gather @!p0 [hbm4b:s3+s2], $0x2000, $0x38;
	[tilespmem:$0x1C200] =	vst v63  }
0x19c: {  	_ =	swait.ge [sflag:s31], $0x2000  }
0x19d: {  	[sflag:s31] =	ssyncset.done $0x0  }
0x19e: {  	s15 =	simm.s32 $0x0;
	s10 =	simm.s32 $0x0;
	[sflag:s31] =	ssyncadd.s32 $0xFFFFE000  }
.LBB2_19:
0x19f: {  	s20 =	sshll.u32 s15, $0x7;
	s2 =	simm.s32 $0x0  }
0x1a0: {  	s7 =	sor.u32 $0x30, s20;
	s2 =	sand.u32 $0x40, s2  }
0x1a1: {  	s3 =	sand.u32 $0x1C00, s10;
	s6 =	sor.u32 s7, s2  }
0x1a2: {  	s8 =	sor.u32 s20, s2;
	s6 =	sor.u32 s3, s6  }
0x1a3: {  	s24 =	sor.u32 $0x10, s20;
	s9 =	sor.u32 s3, s8;
	v2 =	vld [tilespmem:s6+$0xC000]  }
0x1a4: {  	s28 =	sor.u32 $0x20, s20;
	s18 =	sor.u32 s24, s2;
	v3 =	vld [tilespmem:s9+$0xC000]  }
0x1a5: {  	s2 =	sor.u32 s28, s2;
	s21 =	sor.u32 s3, s18;
	v4 =	vld [tilespmem:s6+$0x2000]  }
0x1a6: {  	s3 =	sor.u32 s3, s2;
	v6 =	vld [tilespmem:s21+$0xC000]  }
0x1a7: {  	s2 =	simm.s32 $0x40;
	v7 =	vld [tilespmem:s3+$0xC000]  }
0x1a8: {  	s11 =	simm.s32 $0x200;
	s19 =	sand.u32 $0x40, s2;
	v8 =	vld [tilespmem:s9+$0x2000]  }
0x1a9: {  	s17 =	sand.u32 $0x1C00, s11;
	v10 =	vld [tilespmem:s21+$0x2000];
	s16 =	sor.u32 s7, s19;
	v9 =	vmul.f32 $3.200000000e+01, v2  }
0x1aa: {  	s18 =	sor.u32 s20, s19;
	s29 =	sor.u32 s17, s16;
	v2 =	vld [tilespmem:s3+$0x2000]  }
0x1ab: {  	s16 =	sor.u32 s17, s18;
	v5 =	vld [tilespmem:s29+$0xC000];
	v11 =	vmul.f32 $3.200000000e+01, v3;
	v9 =	vadd.f32 v4, v9  }
0x1ac: {  	s31 =	sor.u32 s24, s19;
	v12 =	vmul.f32 $3.200000000e+01, v6;
	v3 =	vld [tilespmem:s16+$0xC000]  }
0x1ad: {  	s19 =	sor.u32 s28, s19;
	s8 =	sor.u32 s17, s31;
	v7 =	vmul.f32 $3.200000000e+01, v7;
	v4 =	vld [tilespmem:s29+$0x2000];
	[tilespmem:s6+$0x14000] =	vst v9;
	v9 =	vadd.f32 v8, v11  }
0x1ae: {  	s19 =	sor.u32 s17, s19;
	v6 =	vld [tilespmem:s8+$0xC000];
	v8 =	vadd.f32 v10, v12  }
.LBB2_20:
0x1af: {  	s2 =	sadd.s32 $0x40, s2;
	v10 =	vld [tilespmem:s19+$0xC000];
	[tilespmem:s9+$0x14000] =	vst v9;
	v2 =	vadd.f32 v2, v7;
	s9 =	smov.u32 s16;
	s11 =	sadd.s32 $0x200, s11  }
0x1b0: {  	s6 =	sand.u32 $0x40, s2;
	p1 =	slt.u32 s2, $0x3C0;
	v9 =	vld [tilespmem:s9+$0x2000];
	v5 =	vmul.f32 $3.200000000e+01, v5;
	[tilespmem:s21+$0x14000] =	vst v8;
	s17 =	sand.u32 $0x1C00, s11  }
0x1b1: {  	s16 =	sor.u32 s20, s6;
	s18 =	sor.u32 s7, s6;
	v8 =	vmul.f32 $3.200000000e+01, v3;
	v11 =	vld [tilespmem:s8+$0x2000];
	[tilespmem:s3+$0x14000] =	vst v2;
	s3 =	sor.u32 s24, s6  }
.Ltmp8:
0x1b2: {  	s6 =	sor.u32 s28, s6;
	s18 =	sor.u32 s17, s18;
	v2 =	vld [tilespmem:s19+$0x2000];
	v4 =	vadd.f32 v4, v5;
	(pc) =	sbr.rel @p1 .LBB2_20-.Ltmp8, $4  }
0x1b3: {  	s16 =	sor.u32 s17, s16;
	s3 =	sor.u32 s17, s3;
	s6 =	sor.u32 s17, s6;
	v5 =	vld [tilespmem:s18+$0xC000];
	v12 =	vmul.f32 $3.200000000e+01, v6  }
0x1b4: {  	s21 =	smov.u32 s8;
	s8 =	smov.u32 s3;
	v3 =	vld [tilespmem:s16+$0xC000];
	v7 =	vmul.f32 $3.200000000e+01, v10;
	[tilespmem:s29+$0x14000] =	vst v4;
	s29 =	smov.u32 s18  }
0x1b5: {  	s3 =	smov.u32 s19;
	s19 =	smov.u32 s6;
	v4 =	vld [tilespmem:s29+$0x2000];
	v9 =	vadd.f32 v9, v8  }
0x1b6: {  	v6 =	vld [tilespmem:s8+$0xC000];
	v8 =	vadd.f32 v11, v12  }
0x1b7: {  	v10 =	vld [tilespmem:s19+$0xC000]  }
0x1b8: {  	v11 =	vld [tilespmem:s16+$0x2000]  }
0x1b9: {  	v12 =	vld [tilespmem:s8+$0x2000]  }
0x1ba: {  	v13 =	vld [tilespmem:s19+$0x2000];
	v5 =	vmul.f32 $3.200000000e+01, v5  }
0x1bb: {  	[tilespmem:s9+$0x14000] =	vst v9;
	v2 =	vadd.f32 v2, v7;
	s15 =	sadd.s32 $0x1, s15;
	v3 =	vmul.f32 $3.200000000e+01, v3  }
0x1bc: {  	[tilespmem:s21+$0x14000] =	vst v8;
	p1 =	sne.s32 s15, $0x8;
	v4 =	vadd.f32 v4, v5;
	v62 =	vmul.f32 $3.200000000e+01, v6  }
.Ltmp9:
0x1bd: {  	[tilespmem:s3+$0x14000] =	vst v2;
	v2 =	vmul.f32 $3.200000000e+01, v10;
	v3 =	vadd.f32 v11, v3;
	(pc) =	sbr.rel @p1 .LBB2_19-.Ltmp9, $4  }
0x1be: {  	[tilespmem:s29+$0x14000] =	vst v4;
	v63 =	vadd.f32 v12, v62  }
0x1bf: {  	[tilespmem:s16+$0x14000] =	vst v3;
	v2 =	vadd.f32 v13, v2  }
0x1c0: {  	[tilespmem:s8+$0x14000] =	vst v63  }
0x1c1: {  	[tilespmem:s19+$0x14000] =	vst v2  }
0x1c2: {  	s2 =	rddreg [dreg:$0x3]  }
0x1c3: {  	s3 =	simm.s32 $0x14000;
	s2 =	sadd.s32 s2, s23  }
0x1c4: {  	[hbm4b:s2+s5] =	stream.linear.scatter [tilespmem:s3], [sflag:$0x9], $0x2000, $0x38;
	[tilespmem:$0x1C200] =	vst v63  }
0x1c5: {  	s2 =	sshll.u32 @!p0 s4, $0x3  }
0x1c6: {  	s2 =	sand.u32 @!p0 $0x3FFFFFF8, s2  }
0x1c7: {  	v2 =	vld.msk @!p0 [tilespmem:s2+$0x1C010], $0xff;
	_ =	sdelay $0x4  }
0x1c8: {  	v3 =	vshll.u32 @!p0 v2, $0x3  }
0x1c9: {  	v4 =	vlaneseq.u32 @!p0;
	v2 =	vand.u32 @!p0 $0x7, v2;
	v3 =	vand.u32 @!p0 $0xFFFFFFC0, v3  }
0x1ca: {  	v2 =	vor.u32 @!p0 v2, v3;
	v3 =	vand.u32 @!p0 $0x7, v4;
	v4 =	vshrl.u32 @!p0 v4, $0x3  }
0x1cb: {  	v2 =	vperm.xlane @!p0 v2, v3;
	v3 =	vmul.u32 @!p0 $0x8, v4;
	_ =	sdelay $0x1  }
0x1cc: {  	v2 =	vadd.s32 @!p0 v3, v2;
	_ =	sdelay $0x3  }
0x1cd: {  	s3 =	simm.s32 @!p0 $0xC000;
	s2 =	simm.s32 @!p0 $0x0  }
0x1ce: {  	[tilespmem:s3], [sflag:$0x5] =	stream.indirect_vreg.gather @!p0 [hbm4b:s1+s2], $0x80, v2, vm1, $0xb8;
	[tilespmem:$0x1C200] =	vst v63  }
0x1cf: {  	s3 =	simm.s32 @!p0 $0xC800  }
0x1d0: {  	[tilespmem:s3], [sflag:$0x5] =	stream.indirect_vreg.gather @!p0 [hbm4b:s12+s2], $0x80, v2, vm1, $0xb8;
	[tilespmem:$0x1C200] =	vst v63  }
0x1d1: {  	s3 =	simm.s32 @!p0 $0xD000  }
0x1d2: {  	[tilespmem:s3], [sflag:$0x5] =	stream.indirect_vreg.gather @!p0 [hbm4b:s13+s2], $0x80, v2, vm1, $0xb8;
	[tilespmem:$0x1C200] =	vst v63  }
0x1d3: {  	s29 =	simm.s32 $0xA;
	s3 =	simm.s32 @!p0 $0xD800  }
0x1d4: {  	[tilespmem:s3], [sflag:$0x5] =	stream.indirect_vreg.gather @!p0 [hbm4b:s14+s2], $0x80, v2, vm1, $0xb8;
	[tilespmem:$0x1C200] =	vst v63  }
0x1d5: {  	_ =	swait.ge [sflag:s29], $0x2000  }
0x1d6: {  	[sflag:s29] =	ssyncset.done $0x0  }
0x1d7: {  	s31 =	simm.s32 $0x6;
	[sflag:s29] =	ssyncadd.s32 $0xFFFFE000  }
0x1d8: {  	_ =	swait.ge [sflag:s31], $0x2000  }
0x1d9: {  	[sflag:s31] =	ssyncset.done $0x0  }
0x1da: {  	s10 =	simm.s32 $0x0;
	s4 =	simm.s32 $0x0;
	[sflag:s31] =	ssyncadd.s32 $0xFFFFE000  }
.LBB2_23:
0x1db: {  	s15 =	sshll.u32 s10, $0x7;
	s2 =	simm.s32 $0x0  }
0x1dc: {  	s7 =	sor.u32 $0x30, s15;
	s2 =	sand.u32 $0x40, s2  }
0x1dd: {  	s3 =	sand.u32 $0x1C00, s4;
	s6 =	sor.u32 s7, s2  }
0x1de: {  	s8 =	sor.u32 s15, s2;
	s6 =	sor.u32 s3, s6  }
0x1df: {  	s20 =	sor.u32 $0x10, s15;
	s9 =	sor.u32 s3, s8;
	v2 =	vld [tilespmem:s6+$0xE000]  }
0x1e0: {  	s24 =	sor.u32 $0x20, s15;
	s21 =	sor.u32 s20, s2;
	v3 =	vld [tilespmem:s9+$0xE000]  }
0x1e1: {  	s2 =	sor.u32 s24, s2;
	s21 =	sor.u32 s3, s21;
	v4 =	vld [tilespmem:s6+$0x2000]  }
0x1e2: {  	s3 =	sor.u32 s3, s2;
	v6 =	vld [tilespmem:s21+$0xE000]  }
0x1e3: {  	s2 =	simm.s32 $0x40;
	v7 =	vld [tilespmem:s3+$0xE000]  }
0x1e4: {  	s11 =	simm.s32 $0x200;
	s29 =	sand.u32 $0x40, s2;
	v8 =	vld [tilespmem:s9+$0x2000]  }
0x1e5: {  	s17 =	sand.u32 $0x1C00, s11;
	v10 =	vld [tilespmem:s21+$0x2000];
	s16 =	sor.u32 s7, s29;
	v9 =	vmul.f32 $3.200000000e+01, v2  }
0x1e6: {  	s18 =	sor.u32 s15, s29;
	s28 =	sor.u32 s17, s16;
	v2 =	vld [tilespmem:s3+$0x2000]  }
0x1e7: {  	s16 =	sor.u32 s17, s18;
	v5 =	vld [tilespmem:s28+$0xE000];
	v11 =	vmul.f32 $3.200000000e+01, v3;
	v9 =	vadd.f32 v4, v9  }
0x1e8: {  	s31 =	sor.u32 s20, s29;
	v12 =	vmul.f32 $3.200000000e+01, v6;
	v3 =	vld [tilespmem:s16+$0xE000]  }
0x1e9: {  	s19 =	sor.u32 s24, s29;
	s8 =	sor.u32 s17, s31;
	v7 =	vmul.f32 $3.200000000e+01, v7;
	v4 =	vld [tilespmem:s28+$0x2000];
	[tilespmem:s6+$0x16000] =	vst v9;
	v9 =	vadd.f32 v8, v11  }
0x1ea: {  	s19 =	sor.u32 s17, s19;
	v6 =	vld [tilespmem:s8+$0xE000];
	v8 =	vadd.f32 v10, v12  }
.LBB2_24:
0x1eb: {  	s2 =	sadd.s32 $0x40, s2;
	v10 =	vld [tilespmem:s19+$0xE000];
	[tilespmem:s9+$0x16000] =	vst v9;
	v2 =	vadd.f32 v2, v7;
	s9 =	smov.u32 s16;
	s11 =	sadd.s32 $0x200, s11  }
0x1ec: {  	s6 =	sand.u32 $0x40, s2;
	p1 =	slt.u32 s2, $0x3C0;
	v9 =	vld [tilespmem:s9+$0x2000];
	v5 =	vmul.f32 $3.200000000e+01, v5;
	[tilespmem:s21+$0x16000] =	vst v8;
	s17 =	sand.u32 $0x1C00, s11  }
0x1ed: {  	s16 =	sor.u32 s15, s6;
	s18 =	sor.u32 s7, s6;
	v8 =	vmul.f32 $3.200000000e+01, v3;
	v11 =	vld [tilespmem:s8+$0x2000];
	[tilespmem:s3+$0x16000] =	vst v2;
	s3 =	sor.u32 s20, s6  }
.Ltmp10:
0x1ee: {  	s6 =	sor.u32 s24, s6;
	s18 =	sor.u32 s17, s18;
	v2 =	vld [tilespmem:s19+$0x2000];
	v4 =	vadd.f32 v4, v5;
	(pc) =	sbr.rel @p1 .LBB2_24-.Ltmp10, $4  }
0x1ef: {  	s16 =	sor.u32 s17, s16;
	s3 =	sor.u32 s17, s3;
	s6 =	sor.u32 s17, s6;
	v5 =	vld [tilespmem:s18+$0xE000];
	v12 =	vmul.f32 $3.200000000e+01, v6  }
0x1f0: {  	s21 =	smov.u32 s8;
	s8 =	smov.u32 s3;
	v3 =	vld [tilespmem:s16+$0xE000];
	v7 =	vmul.f32 $3.200000000e+01, v10;
	[tilespmem:s28+$0x16000] =	vst v4;
	s28 =	smov.u32 s18  }
0x1f1: {  	s3 =	smov.u32 s19;
	s19 =	smov.u32 s6;
	v4 =	vld [tilespmem:s28+$0x2000];
	v9 =	vadd.f32 v9, v8  }
0x1f2: {  	v6 =	vld [tilespmem:s8+$0xE000];
	v8 =	vadd.f32 v11, v12  }
0x1f3: {  	v10 =	vld [tilespmem:s19+$0xE000]  }
0x1f4: {  	v11 =	vld [tilespmem:s16+$0x2000]  }
0x1f5: {  	v12 =	vld [tilespmem:s8+$0x2000]  }
0x1f6: {  	v13 =	vld [tilespmem:s19+$0x2000];
	v5 =	vmul.f32 $3.200000000e+01, v5  }
0x1f7: {  	[tilespmem:s9+$0x16000] =	vst v9;
	v2 =	vadd.f32 v2, v7;
	s10 =	sadd.s32 $0x1, s10;
	v3 =	vmul.f32 $3.200000000e+01, v3  }
0x1f8: {  	[tilespmem:s21+$0x16000] =	vst v8;
	p1 =	sne.s32 s10, $0x8;
	v4 =	vadd.f32 v4, v5;
	v62 =	vmul.f32 $3.200000000e+01, v6  }
.Ltmp11:
0x1f9: {  	[tilespmem:s3+$0x16000] =	vst v2;
	v2 =	vmul.f32 $3.200000000e+01, v10;
	v3 =	vadd.f32 v11, v3;
	(pc) =	sbr.rel @p1 .LBB2_23-.Ltmp11, $4  }
0x1fa: {  	[tilespmem:s28+$0x16000] =	vst v4;
	v63 =	vadd.f32 v12, v62  }
0x1fb: {  	[tilespmem:s16+$0x16000] =	vst v3;
	v2 =	vadd.f32 v13, v2  }
0x1fc: {  	[tilespmem:s8+$0x16000] =	vst v63  }
0x1fd: {  	[tilespmem:s19+$0x16000] =	vst v2  }
0x1fe: {  	s2 =	sand.u32 $0x1FFBFC00, s23;
	s3 =	rddreg [dreg:$0xc]  }
0x1ff: {  	s28 =	simm.s32 $0x16000;
	s2 =	sadd.s32 s2, s3  }
0x200: {  	[hbm4b:s2+s5] =	stream.linear.scatter [tilespmem:s28], [sflag:$0xA], $0x2000, $0x38;
	[tilespmem:$0x1C200] =	vst v63  }
0x201: {  	v2 =	vld.msk @!p0 [tilespmem:s26+$0x1C098], $0xff;
	_ =	sdelay $0x4  }
0x202: {  	v3 =	vshll.u32 @!p0 v2, $0x3  }
0x203: {  	v4 =	vlaneseq.u32 @!p0;
	v2 =	vand.u32 @!p0 $0x7, v2;
	v3 =	vand.u32 @!p0 $0xFFFFFFC0, v3  }
0x204: {  	v2 =	vor.u32 @!p0 v2, v3;
	v3 =	vand.u32 @!p0 $0x7, v4;
	v4 =	vshrl.u32 @!p0 v4, $0x3  }
0x205: {  	v2 =	vperm.xlane @!p0 v2, v3;
	v3 =	vmul.u32 @!p0 $0x8, v4;
	_ =	sdelay $0x1  }
0x206: {  	v2 =	vadd.s32 @!p0 v3, v2;
	_ =	sdelay $0x3  }
0x207: {  	s3 =	simm.s32 @!p0 $0xE000;
	s2 =	simm.s32 @!p0 $0x0  }
0x208: {  	[tilespmem:s3], [sflag:$0x6] =	stream.indirect_vreg.gather @!p0 [hbm4b:s1+s2], $0x80, v2, vm1, $0xb8;
	[tilespmem:$0x1C200] =	vst v63  }
0x209: {  	s3 =	simm.s32 @!p0 $0xE800  }
0x20a: {  	[tilespmem:s3], [sflag:$0x6] =	stream.indirect_vreg.gather @!p0 [hbm4b:s12+s2], $0x80, v2, vm1, $0xb8;
	[tilespmem:$0x1C200] =	vst v63  }
0x20b: {  	s3 =	simm.s32 @!p0 $0xF000  }
0x20c: {  	[tilespmem:s3], [sflag:$0x6] =	stream.indirect_vreg.gather @!p0 [hbm4b:s13+s2], $0x80, v2, vm1, $0xb8;
	[tilespmem:$0x1C200] =	vst v63  }
0x20d: {  	s29 =	simm.s32 $0xB;
	s3 =	simm.s32 @!p0 $0xF800  }
0x20e: {  	[tilespmem:s3], [sflag:$0x6] =	stream.indirect_vreg.gather @!p0 [hbm4b:s14+s2], $0x80, v2, vm1, $0xb8;
	[tilespmem:$0x1C200] =	vst v63  }
0x20f: {  	_ =	swait.ge [sflag:s29], $0x2000  }
0x210: {  	[sflag:s29] =	ssyncset.done $0x0  }
0x211: {  	s31 =	simm.s32 $0x7;
	[sflag:s29] =	ssyncadd.s32 $0xFFFFE000  }
0x212: {  	_ =	swait.ge [sflag:s31], $0x2000  }
0x213: {  	[sflag:s31] =	ssyncset.done $0x0  }
0x214: {  	s4 =	simm.s32 $0x0;
	s10 =	simm.s32 $0x0;
	[sflag:s31] =	ssyncadd.s32 $0xFFFFE000  }
.LBB2_27:
0x215: {  	s15 =	sshll.u32 s10, $0x7;
	s2 =	simm.s32 $0x0  }
0x216: {  	s7 =	sor.u32 $0x30, s15;
	s2 =	sand.u32 $0x40, s2  }
0x217: {  	s3 =	sand.u32 $0x1C00, s4;
	s6 =	sor.u32 s7, s2  }
0x218: {  	s8 =	sor.u32 s15, s2;
	s6 =	sor.u32 s3, s6  }
0x219: {  	s20 =	sor.u32 $0x10, s15;
	s9 =	sor.u32 s3, s8;
	v2 =	vld [tilespmem:s6+$0x10000]  }
0x21a: {  	s24 =	sor.u32 $0x20, s15;
	s21 =	sor.u32 s20, s2;
	v3 =	vld [tilespmem:s9+$0x10000]  }
0x21b: {  	s2 =	sor.u32 s24, s2;
	s21 =	sor.u32 s3, s21;
	v4 =	vld [tilespmem:s6+$0x2000]  }
0x21c: {  	s3 =	sor.u32 s3, s2;
	v6 =	vld [tilespmem:s21+$0x10000]  }
0x21d: {  	s2 =	simm.s32 $0x40;
	v7 =	vld [tilespmem:s3+$0x10000]  }
0x21e: {  	s11 =	simm.s32 $0x200;
	s29 =	sand.u32 $0x40, s2;
	v8 =	vld [tilespmem:s9+$0x2000]  }
0x21f: {  	s17 =	sand.u32 $0x1C00, s11;
	v10 =	vld [tilespmem:s21+$0x2000];
	s16 =	sor.u32 s7, s29;
	v9 =	vmul.f32 $3.200000000e+01, v2  }
0x220: {  	s18 =	sor.u32 s15, s29;
	s28 =	sor.u32 s17, s16;
	v2 =	vld [tilespmem:s3+$0x2000]  }
0x221: {  	s16 =	sor.u32 s17, s18;
	v5 =	vld [tilespmem:s28+$0x10000];
	v11 =	vmul.f32 $3.200000000e+01, v3;
	v9 =	vadd.f32 v4, v9  }
0x222: {  	s31 =	sor.u32 s20, s29;
	v12 =	vmul.f32 $3.200000000e+01, v6;
	v3 =	vld [tilespmem:s16+$0x10000]  }
0x223: {  	s19 =	sor.u32 s24, s29;
	s8 =	sor.u32 s17, s31;
	v7 =	vmul.f32 $3.200000000e+01, v7;
	v4 =	vld [tilespmem:s28+$0x2000];
	[tilespmem:s6+$0x18000] =	vst v9;
	v9 =	vadd.f32 v8, v11  }
0x224: {  	s19 =	sor.u32 s17, s19;
	v6 =	vld [tilespmem:s8+$0x10000];
	v8 =	vadd.f32 v10, v12  }
.LBB2_28:
0x225: {  	s2 =	sadd.s32 $0x40, s2;
	v10 =	vld [tilespmem:s19+$0x10000];
	[tilespmem:s9+$0x18000] =	vst v9;
	v2 =	vadd.f32 v2, v7;
	s9 =	smov.u32 s16;
	s11 =	sadd.s32 $0x200, s11  }
0x226: {  	s6 =	sand.u32 $0x40, s2;
	p1 =	slt.u32 s2, $0x3C0;
	v9 =	vld [tilespmem:s9+$0x2000];
	v5 =	vmul.f32 $3.200000000e+01, v5;
	[tilespmem:s21+$0x18000] =	vst v8;
	s17 =	sand.u32 $0x1C00, s11  }
0x227: {  	s16 =	sor.u32 s15, s6;
	s18 =	sor.u32 s7, s6;
	v8 =	vmul.f32 $3.200000000e+01, v3;
	v11 =	vld [tilespmem:s8+$0x2000];
	[tilespmem:s3+$0x18000] =	vst v2;
	s3 =	sor.u32 s20, s6  }
.Ltmp12:
0x228: {  	s6 =	sor.u32 s24, s6;
	s18 =	sor.u32 s17, s18;
	v2 =	vld [tilespmem:s19+$0x2000];
	v4 =	vadd.f32 v4, v5;
	(pc) =	sbr.rel @p1 .LBB2_28-.Ltmp12, $4  }
0x229: {  	s16 =	sor.u32 s17, s16;
	s3 =	sor.u32 s17, s3;
	s6 =	sor.u32 s17, s6;
	v5 =	vld [tilespmem:s18+$0x10000];
	v12 =	vmul.f32 $3.200000000e+01, v6  }
0x22a: {  	s21 =	smov.u32 s8;
	s8 =	smov.u32 s3;
	v3 =	vld [tilespmem:s16+$0x10000];
	v7 =	vmul.f32 $3.200000000e+01, v10;
	[tilespmem:s28+$0x18000] =	vst v4;
	s28 =	smov.u32 s18  }
0x22b: {  	s3 =	smov.u32 s19;
	s19 =	smov.u32 s6;
	v4 =	vld [tilespmem:s28+$0x2000];
	v9 =	vadd.f32 v9, v8  }
0x22c: {  	v6 =	vld [tilespmem:s8+$0x10000];
	v8 =	vadd.f32 v11, v12  }
0x22d: {  	v10 =	vld [tilespmem:s19+$0x10000]  }
0x22e: {  	v11 =	vld [tilespmem:s16+$0x2000]  }
0x22f: {  	v12 =	vld [tilespmem:s8+$0x2000]  }
0x230: {  	v13 =	vld [tilespmem:s19+$0x2000];
	v5 =	vmul.f32 $3.200000000e+01, v5  }
0x231: {  	[tilespmem:s9+$0x18000] =	vst v9;
	v2 =	vadd.f32 v2, v7;
	s10 =	sadd.s32 $0x1, s10;
	v3 =	vmul.f32 $3.200000000e+01, v3  }
0x232: {  	[tilespmem:s21+$0x18000] =	vst v8;
	p1 =	sne.s32 s10, $0x8;
	v4 =	vadd.f32 v4, v5;
	v62 =	vmul.f32 $3.200000000e+01, v6  }
.Ltmp13:
0x233: {  	[tilespmem:s3+$0x18000] =	vst v2;
	v2 =	vmul.f32 $3.200000000e+01, v10;
	v3 =	vadd.f32 v11, v3;
	(pc) =	sbr.rel @p1 .LBB2_27-.Ltmp13, $4  }
0x234: {  	[tilespmem:s28+$0x18000] =	vst v4;
	v63 =	vadd.f32 v12, v62  }
0x235: {  	[tilespmem:s16+$0x18000] =	vst v3;
	v2 =	vadd.f32 v13, v2  }
0x236: {  	[tilespmem:s8+$0x18000] =	vst v63  }
0x237: {  	[tilespmem:s19+$0x18000] =	vst v2  }
0x238: {  	s2 =	sand.u32 $0x1FF7FC00, s23;
	s3 =	rddreg [dreg:$0xd]  }
0x239: {  	s29 =	simm.s32 $0x18000;
	s2 =	sadd.s32 s2, s3  }
0x23a: {  	[hbm4b:s2+s5] =	stream.linear.scatter [tilespmem:s29], [sflag:$0xB], $0x2000, $0x38;
	[tilespmem:$0x1C200] =	vst v63  }
0x23b: {  	v2 =	vld.msk @!p0 [tilespmem:s26+$0x1C118], $0xff;
	_ =	sdelay $0x4  }
0x23c: {  	v3 =	vshll.u32 @!p0 v2, $0x3  }
0x23d: {  	v4 =	vlaneseq.u32 @!p0;
	v2 =	vand.u32 @!p0 $0x7, v2;
	v3 =	vand.u32 @!p0 $0xFFFFFFC0, v3  }
0x23e: {  	v2 =	vor.u32 @!p0 v2, v3;
	v3 =	vand.u32 @!p0 $0x7, v4;
	v4 =	vshrl.u32 @!p0 v4, $0x3  }
0x23f: {  	v2 =	vperm.xlane @!p0 v2, v3;
	v3 =	vmul.u32 @!p0 $0x8, v4;
	_ =	sdelay $0x1  }
0x240: {  	v2 =	vadd.s32 @!p0 v3, v2;
	_ =	sdelay $0x3  }
0x241: {  	s3 =	simm.s32 @!p0 $0x10000;
	s2 =	simm.s32 @!p0 $0x0  }
0x242: {  	[tilespmem:s3], [sflag:$0x7] =	stream.indirect_vreg.gather @!p0 [hbm4b:s1+s2], $0x80, v2, vm1, $0xb8;
	[tilespmem:$0x1C200] =	vst v63  }
0x243: {  	s3 =	simm.s32 @!p0 $0x10800  }
0x244: {  	[tilespmem:s3], [sflag:$0x7] =	stream.indirect_vreg.gather @!p0 [hbm4b:s12+s2], $0x80, v2, vm1, $0xb8;
	[tilespmem:$0x1C200] =	vst v63  }
0x245: {  	s3 =	simm.s32 @!p0 $0x11000  }
0x246: {  	[tilespmem:s3], [sflag:$0x7] =	stream.indirect_vreg.gather @!p0 [hbm4b:s13+s2], $0x80, v2, vm1, $0xb8;
	[tilespmem:$0x1C200] =	vst v63  }
0x247: {  	s3 =	simm.s32 @!p0 $0x11800  }
0x248: {  	[tilespmem:s3], [sflag:$0x7] =	stream.indirect_vreg.gather @!p0 [hbm4b:s14+s2], $0x80, v2, vm1, $0xb8;
	[tilespmem:$0x1C200] =	vst v63  }
0x249: {  	_ =	swait.ge [sflag:s0], $0x2000  }
0x24a: {  	[sflag:s0] =	ssyncset.done $0x0  }
0x24b: {  	s31 =	simm.s32 $0x8;
	[sflag:s0] =	ssyncadd.s32 $0xFFFFE000  }
0x24c: {  	_ =	swait.ge [sflag:s31], $0x2000  }
0x24d: {  	[sflag:s31] =	ssyncset.done $0x0  }
0x24e: {  	s4 =	simm.s32 $0x0;
	s10 =	simm.s32 $0x0;
	[sflag:s31] =	ssyncadd.s32 $0xFFFFE000  }
.LBB2_31:
0x24f: {  	s15 =	sshll.u32 s10, $0x7;
	s2 =	simm.s32 $0x0  }
0x250: {  	s7 =	sor.u32 $0x30, s15;
	s2 =	sand.u32 $0x40, s2  }
0x251: {  	s3 =	sand.u32 $0x1C00, s4;
	s6 =	sor.u32 s7, s2  }
0x252: {  	s8 =	sor.u32 s15, s2;
	s6 =	sor.u32 s3, s6  }
0x253: {  	s20 =	sor.u32 $0x10, s15;
	s9 =	sor.u32 s3, s8;
	v2 =	vld [tilespmem:s6+$0x12000]  }
0x254: {  	s24 =	sor.u32 $0x20, s15;
	s28 =	sor.u32 s20, s2;
	v3 =	vld [tilespmem:s9+$0x12000]  }
0x255: {  	s2 =	sor.u32 s24, s2;
	s21 =	sor.u32 s3, s28;
	v4 =	vld [tilespmem:s6+$0x2000]  }
0x256: {  	s3 =	sor.u32 s3, s2;
	v6 =	vld [tilespmem:s21+$0x12000]  }
0x257: {  	s2 =	simm.s32 $0x40;
	v7 =	vld [tilespmem:s3+$0x12000]  }
0x258: {  	s11 =	simm.s32 $0x200;
	s29 =	sand.u32 $0x40, s2;
	v8 =	vld [tilespmem:s9+$0x2000]  }
0x259: {  	s17 =	sand.u32 $0x1C00, s11;
	v10 =	vld [tilespmem:s21+$0x2000];
	s16 =	sor.u32 s7, s29;
	v9 =	vmul.f32 $3.200000000e+01, v2  }
0x25a: {  	s18 =	sor.u32 s15, s29;
	s26 =	sor.u32 s17, s16;
	v2 =	vld [tilespmem:s3+$0x2000]  }
0x25b: {  	s16 =	sor.u32 s17, s18;
	v5 =	vld [tilespmem:s26+$0x12000];
	v11 =	vmul.f32 $3.200000000e+01, v3;
	v9 =	vadd.f32 v4, v9  }
0x25c: {  	s31 =	sor.u32 s20, s29;
	v12 =	vmul.f32 $3.200000000e+01, v6;
	v3 =	vld [tilespmem:s16+$0x12000]  }
0x25d: {  	s19 =	sor.u32 s24, s29;
	s8 =	sor.u32 s17, s31;
	v7 =	vmul.f32 $3.200000000e+01, v7;
	v4 =	vld [tilespmem:s26+$0x2000];
	[tilespmem:s6+$0x1A000] =	vst v9;
	v9 =	vadd.f32 v8, v11  }
0x25e: {  	s19 =	sor.u32 s17, s19;
	v6 =	vld [tilespmem:s8+$0x12000];
	v8 =	vadd.f32 v10, v12  }
.LBB2_32:
0x25f: {  	s2 =	sadd.s32 $0x40, s2;
	v10 =	vld [tilespmem:s19+$0x12000];
	[tilespmem:s9+$0x1A000] =	vst v9;
	v2 =	vadd.f32 v2, v7;
	s9 =	smov.u32 s16;
	s11 =	sadd.s32 $0x200, s11  }
0x260: {  	s6 =	sand.u32 $0x40, s2;
	p0 =	slt.u32 s2, $0x3C0;
	v9 =	vld [tilespmem:s9+$0x2000];
	v5 =	vmul.f32 $3.200000000e+01, v5;
	[tilespmem:s21+$0x1A000] =	vst v8;
	s17 =	sand.u32 $0x1C00, s11  }
0x261: {  	s16 =	sor.u32 s15, s6;
	s18 =	sor.u32 s7, s6;
	v8 =	vmul.f32 $3.200000000e+01, v3;
	v11 =	vld [tilespmem:s8+$0x2000];
	[tilespmem:s3+$0x1A000] =	vst v2;
	s3 =	sor.u32 s20, s6  }
.Ltmp14:
0x262: {  	s6 =	sor.u32 s24, s6;
	s18 =	sor.u32 s17, s18;
	v2 =	vld [tilespmem:s19+$0x2000];
	v4 =	vadd.f32 v4, v5;
	(pc) =	sbr.rel @p0 .LBB2_32-.Ltmp14, $4  }
0x263: {  	s16 =	sor.u32 s17, s16;
	s3 =	sor.u32 s17, s3;
	s6 =	sor.u32 s17, s6;
	v5 =	vld [tilespmem:s18+$0x12000];
	v12 =	vmul.f32 $3.200000000e+01, v6  }
0x264: {  	s21 =	smov.u32 s8;
	s8 =	smov.u32 s3;
	v3 =	vld [tilespmem:s16+$0x12000];
	v7 =	vmul.f32 $3.200000000e+01, v10;
	[tilespmem:s26+$0x1A000] =	vst v4;
	s26 =	smov.u32 s18  }
0x265: {  	s3 =	smov.u32 s19;
	s19 =	smov.u32 s6;
	v4 =	vld [tilespmem:s26+$0x2000];
	v9 =	vadd.f32 v9, v8  }
0x266: {  	v6 =	vld [tilespmem:s8+$0x12000];
	v8 =	vadd.f32 v11, v12  }
0x267: {  	v10 =	vld [tilespmem:s19+$0x12000]  }
0x268: {  	v11 =	vld [tilespmem:s16+$0x2000]  }
0x269: {  	v12 =	vld [tilespmem:s8+$0x2000]  }
0x26a: {  	v13 =	vld [tilespmem:s19+$0x2000];
	v5 =	vmul.f32 $3.200000000e+01, v5  }
0x26b: {  	[tilespmem:s9+$0x1A000] =	vst v9;
	v2 =	vadd.f32 v2, v7;
	s10 =	sadd.s32 $0x1, s10;
	v3 =	vmul.f32 $3.200000000e+01, v3  }
0x26c: {  	[tilespmem:s21+$0x1A000] =	vst v8;
	p0 =	sne.s32 s10, $0x8;
	v4 =	vadd.f32 v4, v5;
	v62 =	vmul.f32 $3.200000000e+01, v6  }
.Ltmp15:
0x26d: {  	[tilespmem:s3+$0x1A000] =	vst v2;
	v2 =	vmul.f32 $3.200000000e+01, v10;
	v3 =	vadd.f32 v11, v3;
	(pc) =	sbr.rel @p0 .LBB2_31-.Ltmp15, $4  }
0x26e: {  	[tilespmem:s26+$0x1A000] =	vst v4;
	v63 =	vadd.f32 v12, v62  }
0x26f: {  	[tilespmem:s16+$0x1A000] =	vst v3;
	v2 =	vadd.f32 v13, v2  }
0x270: {  	[tilespmem:s8+$0x1A000] =	vst v63  }
0x271: {  	[tilespmem:s19+$0x1A000] =	vst v2  }
0x272: {  	s22 =	sadd.s32 $0x1, s22  }
0x273: {  	p0 =	sne.s32 s22, $0x4  }
.Ltmp16:
0x274: {  	_ = 	snop;
	(pc) =	sbr.rel @p0 .LBB2_2-.Ltmp16, $4  }
0x275: {  	_ = 	snop  }
0x276: {  	s2 =	sand.u32 $0x1FF3FC00, s23  }
0x277: {  	s2 =	sadd.s32 s2, s30  }
0x278: {  	[hbm4b:s2+s5] =	stream.linear.scatter [tilespmem:s25], [sflag:$0xC], $0x2000, $0x38;
	[tilespmem:$0x1C200] =	vst v63  }
0x279: {  	s2 =	simm.s32 $0x9  }
0x27a: {  	_ =	swait.ge [sflag:s2], $0x2000  }
0x27b: {  	[sflag:s2] =	ssyncset.done $0x0  }
0x27c: {  	s28 =	simm.s32 $0xA;
	[sflag:s2] =	ssyncadd.s32 $0xFFFFE000  }
0x27d: {  	_ =	swait.ge [sflag:s28], $0x2000  }
0x27e: {  	[sflag:s28] =	ssyncset.done $0x0  }
0x27f: {  	s29 =	simm.s32 $0xB;
	[sflag:s28] =	ssyncadd.s32 $0xFFFFE000  }
0x280: {  	_ =	swait.ge [sflag:s29], $0x2000  }
0x281: {  	[sflag:s29] =	ssyncset.done $0x0  }
0x282: {  	[sflag:s29] =	ssyncadd.s32 $0xFFFFE000  }
0x283: {  	_ =	swait.ge [sflag:s0], $0x2000  }
0x284: {  	s3 =	rddreg [dreg:$0x10]  }
0x285: {  	s31 =	rddreg [dreg:$0xe];
	s3 =	sadd.s32 $0x1, s3  }
0x286: {  	p0 =	sne.s32 s3, s31  }
.Ltmp17:
0x287: {  	_ = 	snop;
	(pc) =	sbr.rel @p0 .LBB2_1-.Ltmp17, $3  }
0x288: {  	_ =	sdelay $0x1  }
0x289: {  	[sflag:s0] =	ssyncset.done $0x0  }
0x28a: {  	[sflag:s0] =	ssyncadd.s32 $0xFFFFE000  }
0x28b: {  	_ =	sfence.sel $0x180000  }
0x28c: {  	[bflag:$0x0] =	sbarrier.arrive $0xFFFF  }
0x28d: {  	_ =	strace $0x90000047  }
0x28e: {  	s0 =	stileid.u32;
	[bflag:$0x2] =	sbarrier.arrive $0xFFFF  }
0x28f: {  	p0 =	sne.s32 s0, $0x0;
	s0 =	rddreg [dreg:$0x4]  }
0x290: {  	s0 =	sadd.s32 @!p0 $0x100000, s0  }
0x291: {  	[sflag:s0] =	ssyncadd.tile.s32 @!p0 $0x1;
	_ =	shalt  }
.Lfunc_end2:
_tile_overlayer_lowered:
.L_overlay_start_2:
0x292: {  	(tag) =	ssettag $0x2  }
0x293: {  	s0 =	rddreg [dreg:$0x0];
	s2 =	stileid.u32  }
0x294: {  	s1 =	rddreg [dreg:$0x1];
	p0 =	sne.s32 s2, $0x0  }
0x295: {  	s3 =	rddreg [dreg:$0x2];
	[bflag:$0x3] =	sbarrier.arrive $0xFFFF;
	s2 =	simm.s32 @!p0 $0x1C10  }
0x296: {  	[timem:s3], [sflag:s2] =	dma.local @!p0 [hbm:s0], s1  }
0x297: {  	s0 =	simm.s32 @!p0 $0x10  }
0x298: {  	_ =	swait.ge @!p0 [sflag:s0], s1  }
0x299: {  	s1 =	ssub.s32 @!p0 $0x0, s1;
	[sflag:s0] =	ssyncset.done @!p0 $0x0  }
0x29a: {  	[sflag:s0] =	ssyncadd.s32 @!p0 s1  }
0x29b: {  	[bflag:$0x3] =	sbarrier.arrive $0xFFFF  }
0x29c: {  	_ =	shalt  }

</sc_bundles>
